<compile_context>
chip_gen: v7x
topology: tpu7x:2x2x1
jax: 0.10.2.dev20260603
libtpu: 0.0.44.dev20260713+nightly
codegen_flags: <defaults>
</compile_context>

<pallas_src>
import functools

import jax
import jax.numpy as jnp
from jax import lax
from jax.experimental import pallas as pl
from jax.experimental.pallas import tpu as pltpu
from jax.experimental.pallas import tpu_sc as plsc

N = 10000
E = 320000
IN = 128
MID = 128
NREG = 16

NTILES = 32
CHUNK = 128
DEG_NCHUNK = 79
SCH = 112
NCHUNK = 93
NCH0 = 120
NCH1 = 66
NBUF = 3
ET_PAD = NTILES * NCHUNK * SCH
ED_PAD = NTILES * DEG_NCHUNK * CHUNK
N2 = 10240
ROWS_PER_TILE = N2 // 16

@functools.lru_cache(maxsize=None)
def _build_deg_kernel():
    mesh = plsc.VectorSubcoreMesh(core_axis_name="c", subcore_axis_name="s")
    nch = DEG_NCHUNK
    zwords = N2 // 16

    @functools.partial(
        pl.kernel,
        mesh=mesh,
        out_type=jax.ShapeDtypeStruct((2, N2), jnp.float32),
        scratch_types=[
            pltpu.VMEM((nch, CHUNK), jnp.int32),
            pltpu.VMEM((128,), jnp.float32),
            pltpu.VMEM((zwords,), jnp.float32),
            pltpu.VMEM_SHARED((N2,), jnp.float32),
        ],
    )
    def deg_kernel(dst_hbm, out_hbm, dst_v, ones_v, zer_v, hist_sh):
        c = lax.axis_index("c")
        s = lax.axis_index("s")
        wid = s * 2 + c
        pltpu.sync_copy(dst_hbm.at[wid], dst_v)

        def fill(i, carry):
            ones_v[pl.ds(i * 16, 16)] = jnp.ones((16,), jnp.float32)
            zer_v[pl.ds(i * 16, 16)] = jnp.zeros((16,), jnp.float32)
            return carry

        lax.fori_loop(0, 8, fill, 0)

        def zmore(i, carry):
            zer_v[pl.ds(i * 16, 16)] = jnp.zeros((16,), jnp.float32)
            return carry

        lax.fori_loop(8, zwords // 16, zmore, 0)

        pltpu.sync_copy(zer_v, hist_sh.at[pl.ds(s * zwords, zwords)])
        plsc.subcore_barrier()

        def accum(j, carry):
            pltpu.sync_copy(ones_v, hist_sh.at[dst_v.at[j]], add=True)
            return carry

        lax.fori_loop(0, nch, accum, 0)
        plsc.subcore_barrier()
        pltpu.sync_copy(hist_sh.at[pl.ds(s * zwords, zwords)],
                        out_hbm.at[c, pl.ds(s * zwords, zwords)])

    return deg_kernel


@functools.lru_cache(maxsize=None)
def _build_scatter_kernel():
    mesh = plsc.VectorSubcoreMesh(core_axis_name="c", subcore_axis_name="s")

    @functools.partial(
        pl.kernel,
        mesh=mesh,
        out_type=jax.ShapeDtypeStruct((2, N2, IN), jnp.float32),
        scratch_types=[
            pltpu.VMEM((NBUF, 2, SCH), jnp.int32),
            pltpu.VMEM((NBUF, SCH, IN), jnp.float32),
            pltpu.VMEM_SHARED((N2, IN), jnp.float32),
            pltpu.SemaphoreType.DMA,
            pltpu.SemaphoreType.DMA,
            pltpu.SemaphoreType.DMA,
            pltpu.SemaphoreType.DMA,
            pltpu.SemaphoreType.DMA,
            pltpu.SemaphoreType.DMA,
        ],
    )
    def scatter_kernel(idx_hbm, g_hbm, out_hbm,
                       idx_v, bufs_v, acc_sh, sg0, sg1, sg2, ss0, ss1, ss2):
        c = lax.axis_index("c")
        s = lax.axis_index("s")
        wid = s * 2 + c
        sgs = (sg0, sg1, sg2)
        sss = (ss0, ss1, ss2)

        def zrow(i, carry):
            n = i // (IN // 16)
            b = n // SCH
            r = n % SCH
            k = i % (IN // 16)
            bufs_v[b, r, pl.ds(k * 16, 16)] = jnp.zeros((16,), jnp.float32)
            return carry

        lax.fori_loop(0, NBUF * SCH * (IN // 16), zrow, 0)

        base = s * ROWS_PER_TILE
        for off in (0, 112, 224, 336, 448, 528):
            pltpu.sync_copy(bufs_v.at[0], acc_sh.at[pl.ds(base + off, SCH)])

        def pipeline(start, nch):
            for b in range(NBUF):
                pltpu.sync_copy(idx_hbm.at[start + b], idx_v.at[b])
            pltpu.async_copy(g_hbm.at[idx_v.at[0, 0]], bufs_v.at[0], sg0)
            pltpu.async_copy(g_hbm.at[idx_v.at[1, 0]], bufs_v.at[1], sg1)
            pltpu.async_copy(bufs_v.at[2], acc_sh.at[idx_v.at[2, 1]], ss2,
                             add=True)
            plsc.subcore_barrier()

            def group(i, carry):
                for b in range(NBUF):
                    k = i * NBUF + b
                    b1 = (b + 2) % NBUF
                    pltpu.make_async_copy(
                        g_hbm.at[pl.ds(0, SCH)], bufs_v.at[b], sgs[b]).wait()
                    pltpu.async_copy(
                        bufs_v.at[b], acc_sh.at[idx_v.at[b, 1]], sss[b],
                        add=True)
                    pltpu.make_async_copy(
                        g_hbm.at[pl.ds(0, SCH)], bufs_v.at[b1], sss[b1]).wait()
                    kp = start + jnp.minimum(k + 2, nch - 1)
                    pltpu.sync_copy(idx_hbm.at[kp], idx_v.at[b1])
                    pltpu.async_copy(g_hbm.at[idx_v.at[b1, 0]], bufs_v.at[b1],
                                     sgs[b1])
                return carry

            lax.fori_loop(0, nch // NBUF, group, 0)
            pltpu.make_async_copy(
                g_hbm.at[pl.ds(0, SCH)], bufs_v.at[0], sg0).wait()
            pltpu.make_async_copy(
                g_hbm.at[pl.ds(0, SCH)], bufs_v.at[1], sg1).wait()
            pltpu.make_async_copy(
                g_hbm.at[pl.ds(0, SCH)], bufs_v.at[2], ss2).wait()
            plsc.subcore_barrier()

        @pl.when(c == 0)
        def _():
            pipeline(s * (NCH0 + NCH1), NCH0)

        @pl.when(c == 1)
        def _():
            pipeline(s * (NCH0 + NCH1) + NCH0, NCH1)
        pltpu.sync_copy(acc_sh.at[pl.ds(base, ROWS_PER_TILE)],
                        out_hbm.at[c, pl.ds(base, ROWS_PER_TILE)])

    return scatter_kernel


def _tc1(x, conv_w, hist):
    B = 1024

    def body(x_ref, w_ref, hist_ref, g_ref):
        deg = 1.0 + hist_ref[0] + hist_ref[1]
        dinv = lax.rsqrt(deg)
        h = jnp.dot(x_ref[...], w_ref[...], preferred_element_type=jnp.float32)
        g_ref[...] = h * dinv[:, None]

    return pl.pallas_call(
        body,
        grid=(N2 // B,),
        in_specs=[
            pl.BlockSpec((B, IN), lambda i: (i, 0)),
            pl.BlockSpec((IN, IN), lambda i: (0, 0)),
            pl.BlockSpec((2, B), lambda i: (0, i)),
        ],
        out_specs=pl.BlockSpec((B, IN), lambda i: (i, 0)),
        out_shape=jax.ShapeDtypeStruct((N2, IN), jnp.float32),
    )(x, conv_w, hist)


def _tc2(acc2, hist, x, conv_b, w1, b1, w2, b2, w3, b3, w4, b4, bwf, bb):
    B = 1024

    def body(acc_ref, hist_ref, x_ref, cb, w1r, b1r, w2r, b2r, w3r, b3r,
             w4r, b4r, bwr, bbr, y1_ref, y2_ref):
        deg = 1.0 + hist_ref[0] + hist_ref[1]
        dinv = lax.rsqrt(deg)
        accs = acc_ref[0] + acc_ref[1]
        conv = accs * dinv[:, None] + cb[...]
        out = jnp.maximum(conv, 0.0)
        x0 = out + x_ref[...]
        x0 = jnp.maximum(
            jnp.dot(x0, w1r[...], preferred_element_type=jnp.float32) + b1r[...], 0.0)
        x1 = jnp.maximum(
            jnp.dot(x0, w2r[...], preferred_element_type=jnp.float32) + b2r[...], 0.0)
        y1_ref[...] = jnp.dot(x1, w3r[...], preferred_element_type=jnp.float32) + b3r[...]
        x2 = jnp.maximum(
            jnp.dot(x0, w4r[...], preferred_element_type=jnp.float32) + b4r[...], 0.0)
        t = jnp.dot(x2.astype(jnp.bfloat16), bwr[...],
                    preferred_element_type=jnp.float32)
        t3 = t.reshape(B, NREG, MID)
        y2_ref[...] = jnp.sum(t3 * x2[:, None, :], axis=2) + bbr[...]

    return pl.pallas_call(
        body,
        grid=(N2 // B,),
        in_specs=[
            pl.BlockSpec((2, B, IN), lambda i: (0, i, 0)),
            pl.BlockSpec((2, B), lambda i: (0, i)),
            pl.BlockSpec((B, IN), lambda i: (i, 0)),
            pl.BlockSpec((1, IN), lambda i: (0, 0)),
            pl.BlockSpec((IN, MID), lambda i: (0, 0)),
            pl.BlockSpec((1, MID), lambda i: (0, 0)),
            pl.BlockSpec((MID, MID), lambda i: (0, 0)),
            pl.BlockSpec((1, MID), lambda i: (0, 0)),
            pl.BlockSpec((MID, 1), lambda i: (0, 0)),
            pl.BlockSpec((1, 1), lambda i: (0, 0)),
            pl.BlockSpec((MID, MID), lambda i: (0, 0)),
            pl.BlockSpec((1, MID), lambda i: (0, 0)),
            pl.BlockSpec((MID, NREG * MID), lambda i: (0, 0)),
            pl.BlockSpec((1, NREG), lambda i: (0, 0)),
        ],
        out_specs=[
            pl.BlockSpec((B, 1), lambda i: (i, 0)),
            pl.BlockSpec((B, NREG), lambda i: (i, 0)),
        ],
        out_shape=[
            jax.ShapeDtypeStruct((N2, 1), jnp.float32),
            jax.ShapeDtypeStruct((N2, NREG), jnp.float32),
        ],
    )(acc2, hist, x, conv_b, w1, b1, w2, b2, w3, b3, w4, b4, bwf, bb)


def kernel(x, edge_index, conv_w, conv_b, w1, b1, w2, b2, w3, b3, w4, b4, bw, bb):
    src = edge_index[0]
    dst = edge_index[1]

    x_pad = jnp.concatenate([x, jnp.zeros((N2 - N, IN), jnp.float32)], axis=0)
    dstd = jnp.concatenate([dst, jnp.full((ED_PAD - E,), N, jnp.int32)])
    hist = _build_deg_kernel()(dstd.reshape(NTILES, DEG_NCHUNK, CHUNK))
    g_pad = _tc1(x_pad, conv_w, hist)

    loop = jnp.arange(N, dtype=jnp.int32)
    pad_n = ET_PAD - E - N
    srcp = jnp.concatenate(
        [src, loop, jnp.full((pad_n,), N, jnp.int32)]).reshape(NTILES * NCHUNK, SCH)
    dstp = jnp.concatenate(
        [dst, loop, jnp.zeros((pad_n,), jnp.int32)]).reshape(NTILES * NCHUNK, SCH)
    idxp = jnp.stack([srcp, dstp], axis=1)

    acc2 = _build_scatter_kernel()(idxp, g_pad)

    bwf = jnp.transpose(bw, (1, 0, 2)).reshape(MID, NREG * MID).astype(jnp.bfloat16)
    y1, y2 = _tc2(acc2, hist, x_pad, conv_b.reshape(1, IN), w1, b1.reshape(1, MID),
                  w2, b2.reshape(1, MID), w3, b3.reshape(1, 1), w4,
                  b4.reshape(1, MID), bwf, bb.reshape(1, NREG))
    return (y1[:N], y2[:N])

# --- scband reference (transcript-rebuilt; emitter-appended) ---
"""Pipeline reference for scband-gnnactor-variable-price-24326694764553 (READ-ONLY COPY).

The authoritative reference and input builder live on the scoring server;
editing this copy changes nothing except your own understanding.
"""

import jax, jax.numpy as jnp
import numpy as np

N = 10000
E = 320000
IN = 128
MID = 128
NREG = 16


def setup_inputs(seed: int = 0) -> dict:
    key = jax.random.key(seed)
    ks = jax.random.split(key, 16)
    x = jax.random.normal(ks[0], (N, IN), dtype=jnp.float32)
    edge_index = jax.random.randint(ks[1], (2, E), 0, N, dtype=jnp.int32)
    # GCNConv params (weight [IN, IN], bias [IN])
    conv_w = jax.random.normal(ks[2], (IN, IN), dtype=jnp.float32) / np.sqrt(IN)
    conv_b = jnp.zeros((IN,), dtype=jnp.float32)
    # lin1: IN -> MID
    w1 = jax.random.normal(ks[3], (IN, MID), dtype=jnp.float32) / np.sqrt(IN)
    b1 = jnp.zeros((MID,), dtype=jnp.float32)
    # lin2: MID -> MID
    w2 = jax.random.normal(ks[4], (MID, MID), dtype=jnp.float32) / np.sqrt(MID)
    b2 = jnp.zeros((MID,), dtype=jnp.float32)
    # lin3: MID -> 1
    w3 = jax.random.normal(ks[5], (MID, 1), dtype=jnp.float32) / np.sqrt(MID)
    b3 = jnp.zeros((1,), dtype=jnp.float32)
    # lin4: MID -> MID
    w4 = jax.random.normal(ks[6], (MID, MID), dtype=jnp.float32) / np.sqrt(MID)
    b4 = jnp.zeros((MID,), dtype=jnp.float32)
    # bilinear: (MID, MID) -> NREG
    bw = jax.random.normal(ks[7], (NREG, MID, MID), dtype=jnp.float32) / MID
    bb = jnp.zeros((NREG,), dtype=jnp.float32)
    return {"x": x, "edge_index": edge_index, "conv_w": conv_w, "conv_b": conv_b,
            "w1": w1, "b1": b1, "w2": w2, "b2": b2, "w3": w3, "b3": b3,
            "w4": w4, "b4": b4, "bw": bw, "bb": bb}


def _gcn_conv(x, edge_index, W, b):
    n = x.shape[0]
    src = edge_index[0]
    dst = edge_index[1]
    loop = jnp.arange(n, dtype=src.dtype)
    src = jnp.concatenate([src, loop])
    dst = jnp.concatenate([dst, loop])
    ones = jnp.ones(src.shape[0], dtype=x.dtype)
    deg = jax.ops.segment_sum(ones, dst, num_segments=n)
    dinv = jnp.where(deg > 0, jax.lax.rsqrt(deg), 0.0)
    norm = dinv[src] * dinv[dst]
    h = x @ W
    msg = h[src] * norm[:, None]
    out = jax.ops.segment_sum(msg, dst, num_segments=n)
    return out + b


def reference(x, edge_index, conv_w, conv_b, w1, b1, w2, b2, w3, b3, w4, b4, bw, bb):
    out = jax.nn.relu(_gcn_conv(x, edge_index, conv_w, conv_b))
    x0 = out + x
    x0 = jax.nn.relu(x0 @ w1 + b1)
    x1 = jax.nn.relu(x0 @ w2 + b2)
    x1 = x1 @ w3 + b3
    x2 = jax.nn.relu(x0 @ w4 + b4)
    x2 = jnp.einsum('ni,rij,nj->nr', x2, bw, x2) + bb
    return (x1, x2)

if __name__ == "__main__":
    import jax
    _d = setup_inputs()
    print(jax.jit(kernel)(*tuple(_d.values())))

</pallas_src>

<mosaic_0001>
#map = affine_map<(d0, d1) -> (0, 0, 0)>
#map1 = affine_map<(d0, d1) -> (0, 0)>
module attributes {stable_mosaic.version = 14 : i64} {
  func.func @deg_kernel(%arg0: i32, %arg1: i32, %arg2: memref<32x79x128xi32, #tpu.memory_space<hbm>>, %arg3: memref<2x10240xf32, #tpu.memory_space<hbm>>, %arg4: memref<79x128xi32, #tpu.memory_space<vmem>>, %arg5: memref<128xf32, #tpu.memory_space<vmem>>, %arg6: memref<640xf32, #tpu.memory_space<vmem>>, %arg7: memref<10240xf32, #tpu.memory_space<vmem_shared>>) attributes {dimension_semantics = [#tpu.dimension_semantics<core_parallel>, #tpu.dimension_semantics<subcore_parallel>], iteration_bounds = array<i64: 2, 16>, scalar_prefetch = 0 : i64, scratch_operands = 4 : i64, tpu.core_type = #tpu.core_type<sc_vector_subcore>, window_params = [{transform_indices = #map}, {transform_indices = #map1}]} {
    %mul3A = arith.constant 2 : i32
    %mul3A_0 = arith.muli %arg1, %mul3A : i32
    %add3A = arith.addi %mul3A_0, %arg0 : i32
    "tpu.region"() ({
      %run_scoped3A = tpu.sem_alloc : memref<!tpu.dma_semaphore, #tpu.memory_space<semaphore_mem>>
      %dma_start3A = arith.constant 0 : i32
      %dma_start3A_25 = arith.constant 0 : i32
      %dma_start3A_26 = tpu.memref_slice %arg2[%add3A, %dma_start3A, %dma_start3A_25] : memref<32x79x128xi32, #tpu.memory_space<hbm>> -> memref<1x79x128xi32, #tpu.memory_space<hbm>>
      %dma_start3A_27 = tpu.memref_squeeze %dma_start3A_26 : memref<1x79x128xi32, #tpu.memory_space<hbm>> -> memref<79x128xi32, #tpu.memory_space<hbm>>
      %dma_start3A_28 = arith.constant 0 : i32
      %dma_start3A_29 = arith.constant 0 : i32
      %dma_start3A_30 = tpu.memref_slice %arg2[%add3A, %dma_start3A_28, %dma_start3A_29] : memref<32x79x128xi32, #tpu.memory_space<hbm>> -> memref<1x79x128xi32, #tpu.memory_space<hbm>>
      %dma_start3A_31 = tpu.memref_squeeze %dma_start3A_30 : memref<1x79x128xi32, #tpu.memory_space<hbm>> -> memref<79x128xi32, #tpu.memory_space<hbm>>
      tpu.enqueue_dma source(%dma_start3A_31 : memref<79x128xi32, #tpu.memory_space<hbm>>) target(%arg4 : memref<79x128xi32, #tpu.memory_space<vmem>>) target_semaphore(%run_scoped3A : memref<!tpu.dma_semaphore, #tpu.memory_space<semaphore_mem>>)
      %dma_wait3A = arith.constant 0 : i32
      %dma_wait3A_32 = arith.constant 0 : i32
      %dma_wait3A_33 = tpu.memref_slice %arg2[%add3A, %dma_wait3A, %dma_wait3A_32] : memref<32x79x128xi32, #tpu.memory_space<hbm>> -> memref<1x79x128xi32, #tpu.memory_space<hbm>>
      %dma_wait3A_34 = tpu.memref_squeeze %dma_wait3A_33 : memref<1x79x128xi32, #tpu.memory_space<hbm>> -> memref<79x128xi32, #tpu.memory_space<hbm>>
      %dma_wait3A_35 = arith.constant 0 : i32
      %dma_wait3A_36 = arith.constant 0 : i32
      %dma_wait3A_37 = tpu.memref_slice %arg2[%add3A, %dma_wait3A_35, %dma_wait3A_36] : memref<32x79x128xi32, #tpu.memory_space<hbm>> -> memref<1x79x128xi32, #tpu.memory_space<hbm>>
      %dma_wait3A_38 = tpu.memref_squeeze %dma_wait3A_37 : memref<1x79x128xi32, #tpu.memory_space<hbm>> -> memref<79x128xi32, #tpu.memory_space<hbm>>
      tpu.wait_dma2 semaphore(%run_scoped3A : memref<!tpu.dma_semaphore, #tpu.memory_space<semaphore_mem>>) src(%dma_wait3A_38 : memref<79x128xi32, #tpu.memory_space<hbm>>) dst(%arg4 : memref<79x128xi32, #tpu.memory_space<vmem>>)
      tpu.yield
    }) : () -> ()
    %scan3A = arith.constant 0 : i32
    %scan3A_1 = arith.constant 0 : i32
    %scan3A_2 = arith.constant 8 : i32
    %scan3A_3 = arith.addi %scan3A_1, %scan3A_2 : i32
    %scan3A_4 = arith.constant 1 : i32
    scf.for %scan3A_25 = %scan3A_1 to %scan3A_3 step %scan3A_4  : i32 {
      %broadcast_in_dim3A = arith.constant 1.000000e+00 : f32
      %broadcast_in_dim3A_26 = vector.broadcast %broadcast_in_dim3A : f32 to vector<16xf32>
      %mul3A_27 = arith.constant 16 : i32
      %mul3A_28 = arith.muli %scan3A_25, %mul3A_27 : i32
      %swap3A = arith.index_cast %mul3A_28 : i32 to index
      %swap3A_29 = tpu.vector_load %arg5[%swap3A] {strides = array<i32>} : memref<128xf32, #tpu.memory_space<vmem>>, vector<16xf32>,
      %swap3A_30 = vector.shape_cast %swap3A_29 : vector<16xf32> to vector<16xf32>
      %swap3A_31 = vector.shape_cast %broadcast_in_dim3A_26 : vector<16xf32> to vector<16xf32>
      tpu.vector_store %arg5[%swap3A], %swap3A_31 {strides = array<i32>} : memref<128xf32, #tpu.memory_space<vmem>>, vector<16xf32>,
      %broadcast_in_dim3A_32 = arith.constant 0.000000e+00 : f32
      %broadcast_in_dim3A_33 = vector.broadcast %broadcast_in_dim3A_32 : f32 to vector<16xf32>
      %mul3A_34 = arith.constant 16 : i32
      %mul3A_35 = arith.muli %scan3A_25, %mul3A_34 : i32
      %swap3A_36 = arith.index_cast %mul3A_35 : i32 to index
      %swap3A_37 = tpu.vector_load %arg6[%swap3A_36] {strides = array<i32>} : memref<640xf32, #tpu.memory_space<vmem>>, vector<16xf32>,
      %swap3A_38 = vector.shape_cast %swap3A_37 : vector<16xf32> to vector<16xf32>
      %swap3A_39 = vector.shape_cast %broadcast_in_dim3A_33 : vector<16xf32> to vector<16xf32>
      tpu.vector_store %arg6[%swap3A_36], %swap3A_39 {strides = array<i32>} : memref<640xf32, #tpu.memory_space<vmem>>, vector<16xf32>,
    }
    %scan3A_5 = arith.constant 8 : i32
    %scan3A_6 = arith.constant 0 : i32
    %scan3A_7 = arith.constant 8 : i32
    %scan3A_8 = arith.constant 32 : i32
    %scan3A_9 = arith.addi %scan3A_7, %scan3A_8 : i32
    %scan3A_10 = arith.constant 1 : i32
    scf.for %scan3A_25 = %scan3A_7 to %scan3A_9 step %scan3A_10  : i32 {
      %broadcast_in_dim3A = arith.constant 0.000000e+00 : f32
      %broadcast_in_dim3A_26 = vector.broadcast %broadcast_in_dim3A : f32 to vector<16xf32>
      %mul3A_27 = arith.constant 16 : i32
      %mul3A_28 = arith.muli %scan3A_25, %mul3A_27 : i32
      %swap3A = arith.index_cast %mul3A_28 : i32 to index
      %swap3A_29 = tpu.vector_load %arg6[%swap3A] {strides = array<i32>} : memref<640xf32, #tpu.memory_space<vmem>>, vector<16xf32>,
      %swap3A_30 = vector.shape_cast %swap3A_29 : vector<16xf32> to vector<16xf32>
      %swap3A_31 = vector.shape_cast %broadcast_in_dim3A_26 : vector<16xf32> to vector<16xf32>
      tpu.vector_store %arg6[%swap3A], %swap3A_31 {strides = array<i32>} : memref<640xf32, #tpu.memory_space<vmem>>, vector<16xf32>,
    }
    %scan3A_11 = arith.constant 32 : i32
    %mul3A_12 = arith.constant 640 : i32
    %mul3A_13 = arith.muli %arg1, %mul3A_12 : i32
    "tpu.region"() ({
      %run_scoped3A = tpu.sem_alloc : memref<!tpu.dma_semaphore, #tpu.memory_space<semaphore_mem>>
      %dma_start3A = tpu.memref_slice %arg7[%mul3A_13] : memref<10240xf32, #tpu.memory_space<vmem_shared>> -> memref<640xf32, #tpu.memory_space<vmem_shared>>
      %dma_start3A_25 = tpu.memref_slice %arg7[%mul3A_13] : memref<10240xf32, #tpu.memory_space<vmem_shared>> -> memref<640xf32, #tpu.memory_space<vmem_shared>>
      tpu.enqueue_dma source(%arg6 : memref<640xf32, #tpu.memory_space<vmem>>) target(%dma_start3A_25 : memref<640xf32, #tpu.memory_space<vmem_shared>>) target_semaphore(%run_scoped3A : memref<!tpu.dma_semaphore, #tpu.memory_space<semaphore_mem>>)
      %dma_wait3A = tpu.memref_slice %arg7[%mul3A_13] : memref<10240xf32, #tpu.memory_space<vmem_shared>> -> memref<640xf32, #tpu.memory_space<vmem_shared>>
      %dma_wait3A_26 = tpu.memref_slice %arg7[%mul3A_13] : memref<10240xf32, #tpu.memory_space<vmem_shared>> -> memref<640xf32, #tpu.memory_space<vmem_shared>>
      tpu.wait_dma2 semaphore(%run_scoped3A : memref<!tpu.dma_semaphore, #tpu.memory_space<semaphore_mem>>) src(%arg6 : memref<640xf32, #tpu.memory_space<vmem>>) dst(%dma_wait3A_26 : memref<640xf32, #tpu.memory_space<vmem_shared>>)
      tpu.yield
    }) : () -> ()
    %barrier3A = arith.constant 0 : index
    tpu.barrier barrier_id(%barrier3A)
    %scan3A_14 = arith.constant 0 : i32
    %scan3A_15 = arith.constant 0 : i32
    %scan3A_16 = arith.constant 79 : i32
    %scan3A_17 = arith.addi %scan3A_15, %scan3A_16 : i32
    %scan3A_18 = arith.constant 1 : i32
    scf.for %scan3A_25 = %scan3A_15 to %scan3A_17 step %scan3A_18  : i32 {
      "tpu.region"() ({
        %run_scoped3A = tpu.sem_alloc : memref<!tpu.dma_semaphore, #tpu.memory_space<semaphore_mem>>
        %dma_start3A = arith.constant 0 : i32
        %dma_start3A_26 = tpu.memref_slice %arg4[%scan3A_25, %dma_start3A] : memref<79x128xi32, #tpu.memory_space<vmem>> -> memref<1x128xi32, #tpu.memory_space<vmem>>
        %dma_start3A_27 = tpu.memref_squeeze %dma_start3A_26 : memref<1x128xi32, #tpu.memory_space<vmem>> -> memref<128xi32, #tpu.memory_space<vmem>>
        %dma_start3A_28 = arith.constant 0 : i32
        %dma_start3A_29 = tpu.memref_slice %arg7[%dma_start3A_28] : memref<10240xf32, #tpu.memory_space<vmem_shared>> -> memref<10240xf32, #tpu.memory_space<vmem_shared>>
        tpu.enqueue_indirect_dma source(%arg5 : memref<128xf32, #tpu.memory_space<vmem>>) target(%dma_start3A_29 : memref<10240xf32, #tpu.memory_space<vmem_shared>>) offsets(%dma_start3A_27 : memref<128xi32, #tpu.memory_space<vmem>>) semaphore(%run_scoped3A : memref<!tpu.dma_semaphore, #tpu.memory_space<semaphore_mem>>) {add = true}
        %dma_wait3A = arith.constant 0 : i32
        %dma_wait3A_30 = tpu.memref_slice %arg4[%scan3A_25, %dma_wait3A] : memref<79x128xi32, #tpu.memory_space<vmem>> -> memref<1x128xi32, #tpu.memory_space<vmem>>
        %dma_wait3A_31 = tpu.memref_squeeze %dma_wait3A_30 : memref<1x128xi32, #tpu.memory_space<vmem>> -> memref<128xi32, #tpu.memory_space<vmem>>
        %dma_wait3A_32 = arith.constant 0 : i32
        %dma_wait3A_33 = tpu.memref_slice %arg7[%dma_wait3A_32] : memref<10240xf32, #tpu.memory_space<vmem_shared>> -> memref<10240xf32, #tpu.memory_space<vmem_shared>>
        tpu.wait_indirect_dma semaphore(%run_scoped3A : memref<!tpu.dma_semaphore, #tpu.memory_space<semaphore_mem>>) src(%arg5 : memref<128xf32, #tpu.memory_space<vmem>>) dst(%dma_wait3A_33 : memref<10240xf32, #tpu.memory_space<vmem_shared>>)
        tpu.yield
      }) : () -> ()
    }
    %scan3A_19 = arith.constant 79 : i32
    %barrier3A_20 = arith.constant 0 : index
    tpu.barrier barrier_id(%barrier3A_20)
    %mul3A_21 = arith.constant 640 : i32
    %mul3A_22 = arith.muli %arg1, %mul3A_21 : i32
    %mul3A_23 = arith.constant 640 : i32
    %mul3A_24 = arith.muli %arg1, %mul3A_23 : i32
    "tpu.region"() ({
      %run_scoped3A = tpu.sem_alloc : memref<!tpu.dma_semaphore, #tpu.memory_space<semaphore_mem>>
      %dma_start3A = tpu.memref_slice %arg3[%arg0, %mul3A_24] : memref<2x10240xf32, #tpu.memory_space<hbm>> -> memref<1x640xf32, #tpu.memory_space<hbm>>
      %dma_start3A_25 = tpu.memref_squeeze %dma_start3A : memref<1x640xf32, #tpu.memory_space<hbm>> -> memref<640xf32, #tpu.memory_space<hbm>>
      %dma_start3A_26 = tpu.memref_slice %arg7[%mul3A_22] : memref<10240xf32, #tpu.memory_space<vmem_shared>> -> memref<640xf32, #tpu.memory_space<vmem_shared>>
      tpu.enqueue_dma source(%dma_start3A_26 : memref<640xf32, #tpu.memory_space<vmem_shared>>) target(%dma_start3A_25 : memref<640xf32, #tpu.memory_space<hbm>>) target_semaphore(%run_scoped3A : memref<!tpu.dma_semaphore, #tpu.memory_space<semaphore_mem>>)
      %dma_wait3A = tpu.memref_slice %arg3[%arg0, %mul3A_24] : memref<2x10240xf32, #tpu.memory_space<hbm>> -> memref<1x640xf32, #tpu.memory_space<hbm>>
      %dma_wait3A_27 = tpu.memref_squeeze %dma_wait3A : memref<1x640xf32, #tpu.memory_space<hbm>> -> memref<640xf32, #tpu.memory_space<hbm>>
      %dma_wait3A_28 = tpu.memref_slice %arg7[%mul3A_22] : memref<10240xf32, #tpu.memory_space<vmem_shared>> -> memref<640xf32, #tpu.memory_space<vmem_shared>>
      tpu.wait_dma2 semaphore(%run_scoped3A : memref<!tpu.dma_semaphore, #tpu.memory_space<semaphore_mem>>) src(%dma_wait3A_28 : memref<640xf32, #tpu.memory_space<vmem_shared>>) dst(%dma_wait3A_27 : memref<640xf32, #tpu.memory_space<hbm>>)
      tpu.yield
    }) : () -> ()
    return
  }
}

#map = affine_map<(d0, d1) -> (0, 0, 0)>
#map1 = affine_map<(d0, d1) -> (0, 0)>
module attributes {stable_mosaic.version = 14 : i64} {
  func.func @scatter_kernel(%arg0: i32, %arg1: i32, %arg2: memref<2976x2x112xi32, #tpu.memory_space<hbm>>, %arg3: memref<10240x128xf32, #tpu.memory_space<hbm>>, %arg4: memref<2x10240x128xf32, #tpu.memory_space<hbm>>, %arg5: memref<3x2x112xi32, #tpu.memory_space<vmem>>, %arg6: memref<3x112x128xf32, #tpu.memory_space<vmem>>, %arg7: memref<10240x128xf32, #tpu.memory_space<vmem_shared>>, %arg8: memref<!tpu.dma_semaphore, #tpu.memory_space<semaphore_mem>>, %arg9: memref<!tpu.dma_semaphore, #tpu.memory_space<semaphore_mem>>, %arg10: memref<!tpu.dma_semaphore, #tpu.memory_space<semaphore_mem>>, %arg11: memref<!tpu.dma_semaphore, #tpu.memory_space<semaphore_mem>>, %arg12: memref<!tpu.dma_semaphore, #tpu.memory_space<semaphore_mem>>, %arg13: memref<!tpu.dma_semaphore, #tpu.memory_space<semaphore_mem>>) attributes {dimension_semantics = [#tpu.dimension_semantics<core_parallel>, #tpu.dimension_semantics<subcore_parallel>], iteration_bounds = array<i64: 2, 16>, scalar_prefetch = 0 : i64, scratch_operands = 9 : i64, tpu.core_type = #tpu.core_type<sc_vector_subcore>, window_params = [{transform_indices = #map}, {transform_indices = #map1}, {transform_indices = #map}]} {
    %mul3A = arith.constant 2 : i32
    %mul3A_0 = arith.muli %arg1, %mul3A : i32
    %add3A = arith.addi %mul3A_0, %arg0 : i32
    %scan3A = arith.constant 0 : i32
    %scan3A_1 = arith.constant 0 : i32
    %scan3A_2 = arith.constant 2688 : i32
    %scan3A_3 = arith.addi %scan3A_1, %scan3A_2 : i32
    %scan3A_4 = arith.constant 1 : i32
    scf.for %scan3A_32 = %scan3A_1 to %scan3A_3 step %scan3A_4  : i32 {
      %jit3A = arith.constant 8 : i32
      %div3A = arith.divsi %scan3A_32, %jit3A : i32
      %sign3A = arith.constant 0 : i32
      %sign3A_33 = arith.cmpi sgt, %scan3A_32, %sign3A : i32
      %sign3A_34 = arith.extui %sign3A_33 : i1 to i32
      %sign3A_35 = arith.constant 0 : i32
      %sign3A_36 = arith.cmpi slt, %scan3A_32, %sign3A_35 : i32
      %sign3A_37 = arith.extui %sign3A_36 : i1 to i32
      %sign3A_38 = arith.subi %sign3A_34, %sign3A_37 : i32
      %sign3A_39 = arith.constant 0 : i32
      %sign3A_40 = arith.cmpi sgt, %jit3A, %sign3A_39 : i32
      %sign3A_41 = arith.extui %sign3A_40 : i1 to i32
      %sign3A_42 = arith.constant 0 : i32
      %sign3A_43 = arith.cmpi slt, %jit3A, %sign3A_42 : i32
      %sign3A_44 = arith.extui %sign3A_43 : i1 to i32
      %sign3A_45 = arith.subi %sign3A_41, %sign3A_44 : i32
      %ne3A = arith.cmpi ne, %sign3A_38, %sign3A_45 : i32
      %rem3A = arith.remsi %scan3A_32, %jit3A : i32
      %ne3A_46 = arith.constant 0 : i32
      %ne3A_47 = arith.cmpi ne, %rem3A, %ne3A_46 : i32
      %and3A = arith.andi %ne3A, %ne3A_47 : i1
      %sub3A = arith.constant 1 : i32
      %sub3A_48 = arith.subi %div3A, %sub3A : i32
      %select_n3A = arith.select %and3A, %sub3A_48, %div3A : i32
      %jit3A_49 = arith.constant 112 : i32
      %div3A_50 = arith.divsi %select_n3A, %jit3A_49 : i32
      %sign3A_51 = arith.constant 0 : i32
      %sign3A_52 = arith.cmpi sgt, %select_n3A, %sign3A_51 : i32
      %sign3A_53 = arith.extui %sign3A_52 : i1 to i32
      %sign3A_54 = arith.constant 0 : i32
      %sign3A_55 = arith.cmpi slt, %select_n3A, %sign3A_54 : i32
      %sign3A_56 = arith.extui %sign3A_55 : i1 to i32
      %sign3A_57 = arith.subi %sign3A_53, %sign3A_56 : i32
      %sign3A_58 = arith.constant 0 : i32
      %sign3A_59 = arith.cmpi sgt, %jit3A_49, %sign3A_58 : i32
      %sign3A_60 = arith.extui %sign3A_59 : i1 to i32
      %sign3A_61 = arith.constant 0 : i32
      %sign3A_62 = arith.cmpi slt, %jit3A_49, %sign3A_61 : i32
      %sign3A_63 = arith.extui %sign3A_62 : i1 to i32
      %sign3A_64 = arith.subi %sign3A_60, %sign3A_63 : i32
      %ne3A_65 = arith.cmpi ne, %sign3A_57, %sign3A_64 : i32
      %rem3A_66 = arith.remsi %select_n3A, %jit3A_49 : i32
      %ne3A_67 = arith.constant 0 : i32
      %ne3A_68 = arith.cmpi ne, %rem3A_66, %ne3A_67 : i32
      %and3A_69 = arith.andi %ne3A_65, %ne3A_68 : i1
      %sub3A_70 = arith.constant 1 : i32
      %sub3A_71 = arith.subi %div3A_50, %sub3A_70 : i32
      %select_n3A_72 = arith.select %and3A_69, %sub3A_71, %div3A_50 : i32
      %jit3A_73 = arith.constant 112 : i32
      %eq3A_74 = arith.constant 0 : i32
      %eq3A_75 = arith.cmpi eq, %jit3A_73, %eq3A_74 : i32
      %jit3A_76 = arith.constant 1 : i32
      %select_n3A_77 = arith.select %eq3A_75, %jit3A_76, %jit3A_73 : i32
      %rem3A_78 = arith.remsi %select_n3A, %select_n3A_77 : i32
      %ne3A_79 = arith.constant 0 : i32
      %ne3A_80 = arith.cmpi ne, %rem3A_78, %ne3A_79 : i32
      %lt3A = arith.constant 0 : i32
      %lt3A_81 = arith.cmpi slt, %rem3A_78, %lt3A : i32
      %lt3A_82 = arith.constant 0 : i32
      %lt3A_83 = arith.cmpi slt, %select_n3A_77, %lt3A_82 : i32
      %ne3A_84 = arith.xori %lt3A_81, %lt3A_83 : i1
      %and3A_85 = arith.andi %ne3A_84, %ne3A_80 : i1
      %add3A_86 = arith.addi %rem3A_78, %select_n3A_77 : i32
      %select_n3A_87 = arith.select %and3A_85, %add3A_86, %rem3A_78 : i32
      %jit3A_88 = arith.constant 8 : i32
      %eq3A_89 = arith.constant 0 : i32
      %eq3A_90 = arith.cmpi eq, %jit3A_88, %eq3A_89 : i32
      %jit3A_91 = arith.constant 1 : i32
      %select_n3A_92 = arith.select %eq3A_90, %jit3A_91, %jit3A_88 : i32
      %rem3A_93 = arith.remsi %scan3A_32, %select_n3A_92 : i32
      %ne3A_94 = arith.constant 0 : i32
      %ne3A_95 = arith.cmpi ne, %rem3A_93, %ne3A_94 : i32
      %lt3A_96 = arith.constant 0 : i32
      %lt3A_97 = arith.cmpi slt, %rem3A_93, %lt3A_96 : i32
      %lt3A_98 = arith.constant 0 : i32
      %lt3A_99 = arith.cmpi slt, %select_n3A_92, %lt3A_98 : i32
      %ne3A_100 = arith.xori %lt3A_97, %lt3A_99 : i1
      %and3A_101 = arith.andi %ne3A_100, %ne3A_95 : i1
      %add3A_102 = arith.addi %rem3A_93, %select_n3A_92 : i32
      %select_n3A_103 = arith.select %and3A_101, %add3A_102, %rem3A_93 : i32
      %broadcast_in_dim3A = arith.constant 0.000000e+00 : f32
      %broadcast_in_dim3A_104 = vector.broadcast %broadcast_in_dim3A : f32 to vector<16xf32>
      %mul3A_105 = arith.constant 16 : i32
      %mul3A_106 = arith.muli %select_n3A_103, %mul3A_105 : i32
      %swap3A = arith.index_cast %select_n3A_72 : i32 to index
      %swap3A_107 = arith.index_cast %select_n3A_87 : i32 to index
      %swap3A_108 = arith.index_cast %mul3A_106 : i32 to index
      %swap3A_109 = tpu.vector_load %arg6[%swap3A, %swap3A_107, %swap3A_108] {strides = array<i32>} : memref<3x112x128xf32, #tpu.memory_space<vmem>>, vector<1x1x16xf32>,
      %swap3A_110 = vector.shape_cast %swap3A_109 : vector<1x1x16xf32> to vector<16xf32>
      %swap3A_111 = vector.shape_cast %broadcast_in_dim3A_104 : vector<16xf32> to vector<1x1x16xf32>
      tpu.vector_store %arg6[%swap3A, %swap3A_107, %swap3A_108], %swap3A_111 {strides = array<i32>} : memref<3x112x128xf32, #tpu.memory_space<vmem>>, vector<1x1x16xf32>,
    }
    %scan3A_5 = arith.constant 2688 : i32
    %mul3A_6 = arith.constant 640 : i32
    %mul3A_7 = arith.muli %arg1, %mul3A_6 : i32
    %add3A_8 = arith.constant 0 : i32
    %add3A_9 = arith.addi %mul3A_7, %add3A_8 : i32
    %run_scoped3A = arith.constant 0 : i32
    "tpu.region"() ({
      %run_scoped3A_32 = tpu.sem_alloc : memref<!tpu.dma_semaphore, #tpu.memory_space<semaphore_mem>>
      %dma_start3A = arith.constant 0 : i32
      %dma_start3A_33 = arith.constant 0 : i32
      %dma_start3A_34 = tpu.memref_slice %arg6[%run_scoped3A, %dma_start3A, %dma_start3A_33] : memref<3x112x128xf32, #tpu.memory_space<vmem>> -> memref<1x112x128xf32, #tpu.memory_space<vmem>>
      %dma_start3A_35 = tpu.memref_squeeze %dma_start3A_34 : memref<1x112x128xf32, #tpu.memory_space<vmem>> -> memref<112x128xf32, #tpu.memory_space<vmem>>
      %dma_start3A_36 = arith.constant 0 : i32
      %dma_start3A_37 = tpu.memref_slice %arg7[%add3A_9, %dma_start3A_36] : memref<10240x128xf32, #tpu.memory_space<vmem_shared>> -> memref<112x128xf32, #tpu.memory_space<vmem_shared>>
      %dma_start3A_38 = arith.constant 0 : i32
      %dma_start3A_39 = tpu.memref_slice %arg7[%add3A_9, %dma_start3A_38] : memref<10240x128xf32, #tpu.memory_space<vmem_shared>> -> memref<112x128xf32, #tpu.memory_space<vmem_shared>>
      %dma_start3A_40 = arith.constant 0 : i32
      %dma_start3A_41 = arith.constant 0 : i32
      %dma_start3A_42 = tpu.memref_slice %arg6[%run_scoped3A, %dma_start3A_40, %dma_start3A_41] : memref<3x112x128xf32, #tpu.memory_space<vmem>> -> memref<1x112x128xf32, #tpu.memory_space<vmem>>
      %dma_start3A_43 = tpu.memref_squeeze %dma_start3A_42 : memref<1x112x128xf32, #tpu.memory_space<vmem>> -> memref<112x128xf32, #tpu.memory_space<vmem>>
      tpu.enqueue_dma source(%dma_start3A_43 : memref<112x128xf32, #tpu.memory_space<vmem>>) target(%dma_start3A_39 : memref<112x128xf32, #tpu.memory_space<vmem_shared>>) target_semaphore(%run_scoped3A_32 : memref<!tpu.dma_semaphore, #tpu.memory_space<semaphore_mem>>)
      %dma_wait3A = arith.constant 0 : i32
      %dma_wait3A_44 = arith.constant 0 : i32
      %dma_wait3A_45 = tpu.memref_slice %arg6[%run_scoped3A, %dma_wait3A, %dma_wait3A_44] : memref<3x112x128xf32, #tpu.memory_space<vmem>> -> memref<1x112x128xf32, #tpu.memory_space<vmem>>
      %dma_wait3A_46 = tpu.memref_squeeze %dma_wait3A_45 : memref<1x112x128xf32, #tpu.memory_space<vmem>> -> memref<112x128xf32, #tpu.memory_space<vmem>>
      %dma_wait3A_47 = arith.constant 0 : i32
      %dma_wait3A_48 = tpu.memref_slice %arg7[%add3A_9, %dma_wait3A_47] : memref<10240x128xf32, #tpu.memory_space<vmem_shared>> -> memref<112x128xf32, #tpu.memory_space<vmem_shared>>
      %dma_wait3A_49 = arith.constant 0 : i32
      %dma_wait3A_50 = tpu.memref_slice %arg7[%add3A_9, %dma_wait3A_49] : memref<10240x128xf32, #tpu.memory_space<vmem_shared>> -> memref<112x128xf32, #tpu.memory_space<vmem_shared>>
      %dma_wait3A_51 = arith.constant 0 : i32
      %dma_wait3A_52 = arith.constant 0 : i32
      %dma_wait3A_53 = tpu.memref_slice %arg6[%run_scoped3A, %dma_wait3A_51, %dma_wait3A_52] : memref<3x112x128xf32, #tpu.memory_space<vmem>> -> memref<1x112x128xf32, #tpu.memory_space<vmem>>
      %dma_wait3A_54 = tpu.memref_squeeze %dma_wait3A_53 : memref<1x112x128xf32, #tpu.memory_space<vmem>> -> memref<112x128xf32, #tpu.memory_space<vmem>>
      tpu.wait_dma2 semaphore(%run_scoped3A_32 : memref<!tpu.dma_semaphore, #tpu.memory_space<semaphore_mem>>) src(%dma_wait3A_54 : memref<112x128xf32, #tpu.memory_space<vmem>>) dst(%dma_wait3A_50 : memref<112x128xf32, #tpu.memory_space<vmem_shared>>)
      tpu.yield
    }) : () -> ()
    %add3A_10 = arith.constant 112 : i32
    %add3A_11 = arith.addi %mul3A_7, %add3A_10 : i32
    %run_scoped3A_12 = arith.constant 0 : i32
    "tpu.region"() ({
      %run_scoped3A_32 = tpu.sem_alloc : memref<!tpu.dma_semaphore, #tpu.memory_space<semaphore_mem>>
      %dma_start3A = arith.constant 0 : i32
      %dma_start3A_33 = arith.constant 0 : i32
      %dma_start3A_34 = tpu.memref_slice %arg6[%run_scoped3A_12, %dma_start3A, %dma_start3A_33] : memref<3x112x128xf32, #tpu.memory_space<vmem>> -> memref<1x112x128xf32, #tpu.memory_space<vmem>>
      %dma_start3A_35 = tpu.memref_squeeze %dma_start3A_34 : memref<1x112x128xf32, #tpu.memory_space<vmem>> -> memref<112x128xf32, #tpu.memory_space<vmem>>
      %dma_start3A_36 = arith.constant 0 : i32
      %dma_start3A_37 = tpu.memref_slice %arg7[%add3A_11, %dma_start3A_36] : memref<10240x128xf32, #tpu.memory_space<vmem_shared>> -> memref<112x128xf32, #tpu.memory_space<vmem_shared>>
      %dma_start3A_38 = arith.constant 0 : i32
      %dma_start3A_39 = tpu.memref_slice %arg7[%add3A_11, %dma_start3A_38] : memref<10240x128xf32, #tpu.memory_space<vmem_shared>> -> memref<112x128xf32, #tpu.memory_space<vmem_shared>>
      %dma_start3A_40 = arith.constant 0 : i32
      %dma_start3A_41 = arith.constant 0 : i32
      %dma_start3A_42 = tpu.memref_slice %arg6[%run_scoped3A_12, %dma_start3A_40, %dma_start3A_41] : memref<3x112x128xf32, #tpu.memory_space<vmem>> -> memref<1x112x128xf32, #tpu.memory_space<vmem>>
      %dma_start3A_43 = tpu.memref_squeeze %dma_start3A_42 : memref<1x112x128xf32, #tpu.memory_space<vmem>> -> memref<112x128xf32, #tpu.memory_space<vmem>>
      tpu.enqueue_dma source(%dma_start3A_43 : memref<112x128xf32, #tpu.memory_space<vmem>>) target(%dma_start3A_39 : memref<112x128xf32, #tpu.memory_space<vmem_shared>>) target_semaphore(%run_scoped3A_32 : memref<!tpu.dma_semaphore, #tpu.memory_space<semaphore_mem>>)
      %dma_wait3A = arith.constant 0 : i32
      %dma_wait3A_44 = arith.constant 0 : i32
      %dma_wait3A_45 = tpu.memref_slice %arg6[%run_scoped3A_12, %dma_wait3A, %dma_wait3A_44] : memref<3x112x128xf32, #tpu.memory_space<vmem>> -> memref<1x112x128xf32, #tpu.memory_space<vmem>>
      %dma_wait3A_46 = tpu.memref_squeeze %dma_wait3A_45 : memref<1x112x128xf32, #tpu.memory_space<vmem>> -> memref<112x128xf32, #tpu.memory_space<vmem>>
      %dma_wait3A_47 = arith.constant 0 : i32
      %dma_wait3A_48 = tpu.memref_slice %arg7[%add3A_11, %dma_wait3A_47] : memref<10240x128xf32, #tpu.memory_space<vmem_shared>> -> memref<112x128xf32, #tpu.memory_space<vmem_shared>>
      %dma_wait3A_49 = arith.constant 0 : i32
      %dma_wait3A_50 = tpu.memref_slice %arg7[%add3A_11, %dma_wait3A_49] : memref<10240x128xf32, #tpu.memory_space<vmem_shared>> -> memref<112x128xf32, #tpu.memory_space<vmem_shared>>
      %dma_wait3A_51 = arith.constant 0 : i32
      %dma_wait3A_52 = arith.constant 0 : i32
      %dma_wait3A_53 = tpu.memref_slice %arg6[%run_scoped3A_12, %dma_wait3A_51, %dma_wait3A_52] : memref<3x112x128xf32, #tpu.memory_space<vmem>> -> memref<1x112x128xf32, #tpu.memory_space<vmem>>
      %dma_wait3A_54 = tpu.memref_squeeze %dma_wait3A_53 : memref<1x112x128xf32, #tpu.memory_space<vmem>> -> memref<112x128xf32, #tpu.memory_space<vmem>>
      tpu.wait_dma2 semaphore(%run_scoped3A_32 : memref<!tpu.dma_semaphore, #tpu.memory_space<semaphore_mem>>) src(%dma_wait3A_54 : memref<112x128xf32, #tpu.memory_space<vmem>>) dst(%dma_wait3A_50 : memref<112x128xf32, #tpu.memory_space<vmem_shared>>)
      tpu.yield
    }) : () -> ()
    %add3A_13 = arith.constant 224 : i32
    %add3A_14 = arith.addi %mul3A_7, %add3A_13 : i32
    %run_scoped3A_15 = arith.constant 0 : i32
    "tpu.region"() ({
      %run_scoped3A_32 = tpu.sem_alloc : memref<!tpu.dma_semaphore, #tpu.memory_space<semaphore_mem>>
      %dma_start3A = arith.constant 0 : i32
      %dma_start3A_33 = arith.constant 0 : i32
      %dma_start3A_34 = tpu.memref_slice %arg6[%run_scoped3A_15, %dma_start3A, %dma_start3A_33] : memref<3x112x128xf32, #tpu.memory_space<vmem>> -> memref<1x112x128xf32, #tpu.memory_space<vmem>>
      %dma_start3A_35 = tpu.memref_squeeze %dma_start3A_34 : memref<1x112x128xf32, #tpu.memory_space<vmem>> -> memref<112x128xf32, #tpu.memory_space<vmem>>
      %dma_start3A_36 = arith.constant 0 : i32
      %dma_start3A_37 = tpu.memref_slice %arg7[%add3A_14, %dma_start3A_36] : memref<10240x128xf32, #tpu.memory_space<vmem_shared>> -> memref<112x128xf32, #tpu.memory_space<vmem_shared>>
      %dma_start3A_38 = arith.constant 0 : i32
      %dma_start3A_39 = tpu.memref_slice %arg7[%add3A_14, %dma_start3A_38] : memref<10240x128xf32, #tpu.memory_space<vmem_shared>> -> memref<112x128xf32, #tpu.memory_space<vmem_shared>>
      %dma_start3A_40 = arith.constant 0 : i32
      %dma_start3A_41 = arith.constant 0 : i32
      %dma_start3A_42 = tpu.memref_slice %arg6[%run_scoped3A_15, %dma_start3A_40, %dma_start3A_41] : memref<3x112x128xf32, #tpu.memory_space<vmem>> -> memref<1x112x128xf32, #tpu.memory_space<vmem>>
      %dma_start3A_43 = tpu.memref_squeeze %dma_start3A_42 : memref<1x112x128xf32, #tpu.memory_space<vmem>> -> memref<112x128xf32, #tpu.memory_space<vmem>>
      tpu.enqueue_dma source(%dma_start3A_43 : memref<112x128xf32, #tpu.memory_space<vmem>>) target(%dma_start3A_39 : memref<112x128xf32, #tpu.memory_space<vmem_shared>>) target_semaphore(%run_scoped3A_32 : memref<!tpu.dma_semaphore, #tpu.memory_space<semaphore_mem>>)
      %dma_wait3A = arith.constant 0 : i32
      %dma_wait3A_44 = arith.constant 0 : i32
      %dma_wait3A_45 = tpu.memref_slice %arg6[%run_scoped3A_15, %dma_wait3A, %dma_wait3A_44] : memref<3x112x128xf32, #tpu.memory_space<vmem>> -> memref<1x112x128xf32, #tpu.memory_space<vmem>>
      %dma_wait3A_46 = tpu.memref_squeeze %dma_wait3A_45 : memref<1x112x128xf32, #tpu.memory_space<vmem>> -> memref<112x128xf32, #tpu.memory_space<vmem>>
      %dma_wait3A_47 = arith.constant 0 : i32
      %dma_wait3A_48 = tpu.memref_slice %arg7[%add3A_14, %dma_wait3A_47] : memref<10240x128xf32, #tpu.memory_space<vmem_shared>> -> memref<112x128xf32, #tpu.memory_space<vmem_shared>>
      %dma_wait3A_49 = arith.constant 0 : i32
      %dma_wait3A_50 = tpu.memref_slice %arg7[%add3A_14, %dma_wait3A_49] : memref<10240x128xf32, #tpu.memory_space<vmem_shared>> -> memref<112x128xf32, #tpu.memory_space<vmem_shared>>
      %dma_wait3A_51 = arith.constant 0 : i32
      %dma_wait3A_52 = arith.constant 0 : i32
      %dma_wait3A_53 = tpu.memref_slice %arg6[%run_scoped3A_15, %dma_wait3A_51, %dma_wait3A_52] : memref<3x112x128xf32, #tpu.memory_space<vmem>> -> memref<1x112x128xf32, #tpu.memory_space<vmem>>
      %dma_wait3A_54 = tpu.memref_squeeze %dma_wait3A_53 : memref<1x112x128xf32, #tpu.memory_space<vmem>> -> memref<112x128xf32, #tpu.memory_space<vmem>>
      tpu.wait_dma2 semaphore(%run_scoped3A_32 : memref<!tpu.dma_semaphore, #tpu.memory_space<semaphore_mem>>) src(%dma_wait3A_54 : memref<112x128xf32, #tpu.memory_space<vmem>>) dst(%dma_wait3A_50 : memref<112x128xf32, #tpu.memory_space<vmem_shared>>)
      tpu.yield
    }) : () -> ()
    %add3A_16 = arith.constant 336 : i32
    %add3A_17 = arith.addi %mul3A_7, %add3A_16 : i32
    %run_scoped3A_18 = arith.constant 0 : i32
    "tpu.region"() ({
      %run_scoped3A_32 = tpu.sem_alloc : memref<!tpu.dma_semaphore, #tpu.memory_space<semaphore_mem>>
      %dma_start3A = arith.constant 0 : i32
      %dma_start3A_33 = arith.constant 0 : i32
      %dma_start3A_34 = tpu.memref_slice %arg6[%run_scoped3A_18, %dma_start3A, %dma_start3A_33] : memref<3x112x128xf32, #tpu.memory_space<vmem>> -> memref<1x112x128xf32, #tpu.memory_space<vmem>>
      %dma_start3A_35 = tpu.memref_squeeze %dma_start3A_34 : memref<1x112x128xf32, #tpu.memory_space<vmem>> -> memref<112x128xf32, #tpu.memory_space<vmem>>
      %dma_start3A_36 = arith.constant 0 : i32
      %dma_start3A_37 = tpu.memref_slice %arg7[%add3A_17, %dma_start3A_36] : memref<10240x128xf32, #tpu.memory_space<vmem_shared>> -> memref<112x128xf32, #tpu.memory_space<vmem_shared>>
      %dma_start3A_38 = arith.constant 0 : i32
      %dma_start3A_39 = tpu.memref_slice %arg7[%add3A_17, %dma_start3A_38] : memref<10240x128xf32, #tpu.memory_space<vmem_shared>> -> memref<112x128xf32, #tpu.memory_space<vmem_shared>>
      %dma_start3A_40 = arith.constant 0 : i32
      %dma_start3A_41 = arith.constant 0 : i32
      %dma_start3A_42 = tpu.memref_slice %arg6[%run_scoped3A_18, %dma_start3A_40, %dma_start3A_41] : memref<3x112x128xf32, #tpu.memory_space<vmem>> -> memref<1x112x128xf32, #tpu.memory_space<vmem>>
      %dma_start3A_43 = tpu.memref_squeeze %dma_start3A_42 : memref<1x112x128xf32, #tpu.memory_space<vmem>> -> memref<112x128xf32, #tpu.memory_space<vmem>>
      tpu.enqueue_dma source(%dma_start3A_43 : memref<112x128xf32, #tpu.memory_space<vmem>>) target(%dma_start3A_39 : memref<112x128xf32, #tpu.memory_space<vmem_shared>>) target_semaphore(%run_scoped3A_32 : memref<!tpu.dma_semaphore, #tpu.memory_space<semaphore_mem>>)
      %dma_wait3A = arith.constant 0 : i32
      %dma_wait3A_44 = arith.constant 0 : i32
      %dma_wait3A_45 = tpu.memref_slice %arg6[%run_scoped3A_18, %dma_wait3A, %dma_wait3A_44] : memref<3x112x128xf32, #tpu.memory_space<vmem>> -> memref<1x112x128xf32, #tpu.memory_space<vmem>>
      %dma_wait3A_46 = tpu.memref_squeeze %dma_wait3A_45 : memref<1x112x128xf32, #tpu.memory_space<vmem>> -> memref<112x128xf32, #tpu.memory_space<vmem>>
      %dma_wait3A_47 = arith.constant 0 : i32
      %dma_wait3A_48 = tpu.memref_slice %arg7[%add3A_17, %dma_wait3A_47] : memref<10240x128xf32, #tpu.memory_space<vmem_shared>> -> memref<112x128xf32, #tpu.memory_space<vmem_shared>>
      %dma_wait3A_49 = arith.constant 0 : i32
      %dma_wait3A_50 = tpu.memref_slice %arg7[%add3A_17, %dma_wait3A_49] : memref<10240x128xf32, #tpu.memory_space<vmem_shared>> -> memref<112x128xf32, #tpu.memory_space<vmem_shared>>
      %dma_wait3A_51 = arith.constant 0 : i32
      %dma_wait3A_52 = arith.constant 0 : i32
      %dma_wait3A_53 = tpu.memref_slice %arg6[%run_scoped3A_18, %dma_wait3A_51, %dma_wait3A_52] : memref<3x112x128xf32, #tpu.memory_space<vmem>> -> memref<1x112x128xf32, #tpu.memory_space<vmem>>
      %dma_wait3A_54 = tpu.memref_squeeze %dma_wait3A_53 : memref<1x112x128xf32, #tpu.memory_space<vmem>> -> memref<112x128xf32, #tpu.memory_space<vmem>>
      tpu.wait_dma2 semaphore(%run_scoped3A_32 : memref<!tpu.dma_semaphore, #tpu.memory_space<semaphore_mem>>) src(%dma_wait3A_54 : memref<112x128xf32, #tpu.memory_space<vmem>>) dst(%dma_wait3A_50 : memref<112x128xf32, #tpu.memory_space<vmem_shared>>)
      tpu.yield
    }) : () -> ()
    %add3A_19 = arith.constant 448 : i32
    %add3A_20 = arith.addi %mul3A_7, %add3A_19 : i32
    %run_scoped3A_21 = arith.constant 0 : i32
    "tpu.region"() ({
      %run_scoped3A_32 = tpu.sem_alloc : memref<!tpu.dma_semaphore, #tpu.memory_space<semaphore_mem>>
      %dma_start3A = arith.constant 0 : i32
      %dma_start3A_33 = arith.constant 0 : i32
      %dma_start3A_34 = tpu.memref_slice %arg6[%run_scoped3A_21, %dma_start3A, %dma_start3A_33] : memref<3x112x128xf32, #tpu.memory_space<vmem>> -> memref<1x112x128xf32, #tpu.memory_space<vmem>>
      %dma_start3A_35 = tpu.memref_squeeze %dma_start3A_34 : memref<1x112x128xf32, #tpu.memory_space<vmem>> -> memref<112x128xf32, #tpu.memory_space<vmem>>
      %dma_start3A_36 = arith.constant 0 : i32
      %dma_start3A_37 = tpu.memref_slice %arg7[%add3A_20, %dma_start3A_36] : memref<10240x128xf32, #tpu.memory_space<vmem_shared>> -> memref<112x128xf32, #tpu.memory_space<vmem_shared>>
      %dma_start3A_38 = arith.constant 0 : i32
      %dma_start3A_39 = tpu.memref_slice %arg7[%add3A_20, %dma_start3A_38] : memref<10240x128xf32, #tpu.memory_space<vmem_shared>> -> memref<112x128xf32, #tpu.memory_space<vmem_shared>>
      %dma_start3A_40 = arith.constant 0 : i32
      %dma_start3A_41 = arith.constant 0 : i32
      %dma_start3A_42 = tpu.memref_slice %arg6[%run_scoped3A_21, %dma_start3A_40, %dma_start3A_41] : memref<3x112x128xf32, #tpu.memory_space<vmem>> -> memref<1x112x128xf32, #tpu.memory_space<vmem>>
      %dma_start3A_43 = tpu.memref_squeeze %dma_start3A_42 : memref<1x112x128xf32, #tpu.memory_space<vmem>> -> memref<112x128xf32, #tpu.memory_space<vmem>>
      tpu.enqueue_dma source(%dma_start3A_43 : memref<112x128xf32, #tpu.memory_space<vmem>>) target(%dma_start3A_39 : memref<112x128xf32, #tpu.memory_space<vmem_shared>>) target_semaphore(%run_scoped3A_32 : memref<!tpu.dma_semaphore, #tpu.memory_space<semaphore_mem>>)
      %dma_wait3A = arith.constant 0 : i32
      %dma_wait3A_44 = arith.constant 0 : i32
      %dma_wait3A_45 = tpu.memref_slice %arg6[%run_scoped3A_21, %dma_wait3A, %dma_wait3A_44] : memref<3x112x128xf32, #tpu.memory_space<vmem>> -> memref<1x112x128xf32, #tpu.memory_space<vmem>>
      %dma_wait3A_46 = tpu.memref_squeeze %dma_wait3A_45 : memref<1x112x128xf32, #tpu.memory_space<vmem>> -> memref<112x128xf32, #tpu.memory_space<vmem>>
      %dma_wait3A_47 = arith.constant 0 : i32
      %dma_wait3A_48 = tpu.memref_slice %arg7[%add3A_20, %dma_wait3A_47] : memref<10240x128xf32, #tpu.memory_space<vmem_shared>> -> memref<112x128xf32, #tpu.memory_space<vmem_shared>>
      %dma_wait3A_49 = arith.constant 0 : i32
      %dma_wait3A_50 = tpu.memref_slice %arg7[%add3A_20, %dma_wait3A_49] : memref<10240x128xf32, #tpu.memory_space<vmem_shared>> -> memref<112x128xf32, #tpu.memory_space<vmem_shared>>
      %dma_wait3A_51 = arith.constant 0 : i32
      %dma_wait3A_52 = arith.constant 0 : i32
      %dma_wait3A_53 = tpu.memref_slice %arg6[%run_scoped3A_21, %dma_wait3A_51, %dma_wait3A_52] : memref<3x112x128xf32, #tpu.memory_space<vmem>> -> memref<1x112x128xf32, #tpu.memory_space<vmem>>
      %dma_wait3A_54 = tpu.memref_squeeze %dma_wait3A_53 : memref<1x112x128xf32, #tpu.memory_space<vmem>> -> memref<112x128xf32, #tpu.memory_space<vmem>>
      tpu.wait_dma2 semaphore(%run_scoped3A_32 : memref<!tpu.dma_semaphore, #tpu.memory_space<semaphore_mem>>) src(%dma_wait3A_54 : memref<112x128xf32, #tpu.memory_space<vmem>>) dst(%dma_wait3A_50 : memref<112x128xf32, #tpu.memory_space<vmem_shared>>)
      tpu.yield
    }) : () -> ()
    %add3A_22 = arith.constant 528 : i32
    %add3A_23 = arith.addi %mul3A_7, %add3A_22 : i32
    %run_scoped3A_24 = arith.constant 0 : i32
    "tpu.region"() ({
      %run_scoped3A_32 = tpu.sem_alloc : memref<!tpu.dma_semaphore, #tpu.memory_space<semaphore_mem>>
      %dma_start3A = arith.constant 0 : i32
      %dma_start3A_33 = arith.constant 0 : i32
      %dma_start3A_34 = tpu.memref_slice %arg6[%run_scoped3A_24, %dma_start3A, %dma_start3A_33] : memref<3x112x128xf32, #tpu.memory_space<vmem>> -> memref<1x112x128xf32, #tpu.memory_space<vmem>>
      %dma_start3A_35 = tpu.memref_squeeze %dma_start3A_34 : memref<1x112x128xf32, #tpu.memory_space<vmem>> -> memref<112x128xf32, #tpu.memory_space<vmem>>
      %dma_start3A_36 = arith.constant 0 : i32
      %dma_start3A_37 = tpu.memref_slice %arg7[%add3A_23, %dma_start3A_36] : memref<10240x128xf32, #tpu.memory_space<vmem_shared>> -> memref<112x128xf32, #tpu.memory_space<vmem_shared>>
      %dma_start3A_38 = arith.constant 0 : i32
      %dma_start3A_39 = tpu.memref_slice %arg7[%add3A_23, %dma_start3A_38] : memref<10240x128xf32, #tpu.memory_space<vmem_shared>> -> memref<112x128xf32, #tpu.memory_space<vmem_shared>>
      %dma_start3A_40 = arith.constant 0 : i32
      %dma_start3A_41 = arith.constant 0 : i32
      %dma_start3A_42 = tpu.memref_slice %arg6[%run_scoped3A_24, %dma_start3A_40, %dma_start3A_41] : memref<3x112x128xf32, #tpu.memory_space<vmem>> -> memref<1x112x128xf32, #tpu.memory_space<vmem>>
      %dma_start3A_43 = tpu.memref_squeeze %dma_start3A_42 : memref<1x112x128xf32, #tpu.memory_space<vmem>> -> memref<112x128xf32, #tpu.memory_space<vmem>>
      tpu.enqueue_dma source(%dma_start3A_43 : memref<112x128xf32, #tpu.memory_space<vmem>>) target(%dma_start3A_39 : memref<112x128xf32, #tpu.memory_space<vmem_shared>>) target_semaphore(%run_scoped3A_32 : memref<!tpu.dma_semaphore, #tpu.memory_space<semaphore_mem>>)
      %dma_wait3A = arith.constant 0 : i32
      %dma_wait3A_44 = arith.constant 0 : i32
      %dma_wait3A_45 = tpu.memref_slice %arg6[%run_scoped3A_24, %dma_wait3A, %dma_wait3A_44] : memref<3x112x128xf32, #tpu.memory_space<vmem>> -> memref<1x112x128xf32, #tpu.memory_space<vmem>>
      %dma_wait3A_46 = tpu.memref_squeeze %dma_wait3A_45 : memref<1x112x128xf32, #tpu.memory_space<vmem>> -> memref<112x128xf32, #tpu.memory_space<vmem>>
      %dma_wait3A_47 = arith.constant 0 : i32
      %dma_wait3A_48 = tpu.memref_slice %arg7[%add3A_23, %dma_wait3A_47] : memref<10240x128xf32, #tpu.memory_space<vmem_shared>> -> memref<112x128xf32, #tpu.memory_space<vmem_shared>>
      %dma_wait3A_49 = arith.constant 0 : i32
      %dma_wait3A_50 = tpu.memref_slice %arg7[%add3A_23, %dma_wait3A_49] : memref<10240x128xf32, #tpu.memory_space<vmem_shared>> -> memref<112x128xf32, #tpu.memory_space<vmem_shared>>
      %dma_wait3A_51 = arith.constant 0 : i32
      %dma_wait3A_52 = arith.constant 0 : i32
      %dma_wait3A_53 = tpu.memref_slice %arg6[%run_scoped3A_24, %dma_wait3A_51, %dma_wait3A_52] : memref<3x112x128xf32, #tpu.memory_space<vmem>> -> memref<1x112x128xf32, #tpu.memory_space<vmem>>
      %dma_wait3A_54 = tpu.memref_squeeze %dma_wait3A_53 : memref<1x112x128xf32, #tpu.memory_space<vmem>> -> memref<112x128xf32, #tpu.memory_space<vmem>>
      tpu.wait_dma2 semaphore(%run_scoped3A_32 : memref<!tpu.dma_semaphore, #tpu.memory_space<semaphore_mem>>) src(%dma_wait3A_54 : memref<112x128xf32, #tpu.memory_space<vmem>>) dst(%dma_wait3A_50 : memref<112x128xf32, #tpu.memory_space<vmem_shared>>)
      tpu.yield
    }) : () -> ()
    %eq3A = arith.constant 0 : i32
    %eq3A_25 = arith.cmpi eq, %arg0, %eq3A : i32
    %convert_element_type3A = arith.extui %eq3A_25 : i1 to i32
    %cond3A = arith.constant 0 : i32
    %cond3A_26 = arith.cmpi ne, %convert_element_type3A, %cond3A : i32
    scf.if %cond3A_26 {
      %mul3A_32 = arith.constant 186 : i32
      %mul3A_33 = arith.muli %arg1, %mul3A_32 : i32
      %add3A_34 = arith.constant 0 : i32
      %add3A_35 = arith.addi %mul3A_33, %add3A_34 : i32
      %run_scoped3A_36 = arith.constant 0 : i32
      "tpu.region"() ({
        %run_scoped3A_132 = tpu.sem_alloc : memref<!tpu.dma_semaphore, #tpu.memory_space<semaphore_mem>>
        %dma_start3A_133 = arith.constant 0 : i32
        %dma_start3A_134 = arith.constant 0 : i32
        %dma_start3A_135 = tpu.memref_slice %arg5[%run_scoped3A_36, %dma_start3A_133, %dma_start3A_134] : memref<3x2x112xi32, #tpu.memory_space<vmem>> -> memref<1x2x112xi32, #tpu.memory_space<vmem>>
        %dma_start3A_136 = tpu.memref_squeeze %dma_start3A_135 : memref<1x2x112xi32, #tpu.memory_space<vmem>> -> memref<2x112xi32, #tpu.memory_space<vmem>>
        %dma_start3A_137 = arith.constant 0 : i32
        %dma_start3A_138 = arith.constant 0 : i32
        %dma_start3A_139 = tpu.memref_slice %arg2[%add3A_35, %dma_start3A_137, %dma_start3A_138] : memref<2976x2x112xi32, #tpu.memory_space<hbm>> -> memref<1x2x112xi32, #tpu.memory_space<hbm>>
        %dma_start3A_140 = tpu.memref_squeeze %dma_start3A_139 : memref<1x2x112xi32, #tpu.memory_space<hbm>> -> memref<2x112xi32, #tpu.memory_space<hbm>>
        %dma_start3A_141 = arith.constant 0 : i32
        %dma_start3A_142 = arith.constant 0 : i32
        %dma_start3A_143 = tpu.memref_slice %arg5[%run_scoped3A_36, %dma_start3A_141, %dma_start3A_142] : memref<3x2x112xi32, #tpu.memory_space<vmem>> -> memref<1x2x112xi32, #tpu.memory_space<vmem>>
        %dma_start3A_144 = tpu.memref_squeeze %dma_start3A_143 : memref<1x2x112xi32, #tpu.memory_space<vmem>> -> memref<2x112xi32, #tpu.memory_space<vmem>>
        %dma_start3A_145 = arith.constant 0 : i32
        %dma_start3A_146 = arith.constant 0 : i32
        %dma_start3A_147 = tpu.memref_slice %arg2[%add3A_35, %dma_start3A_145, %dma_start3A_146] : memref<2976x2x112xi32, #tpu.memory_space<hbm>> -> memref<1x2x112xi32, #tpu.memory_space<hbm>>
        %dma_start3A_148 = tpu.memref_squeeze %dma_start3A_147 : memref<1x2x112xi32, #tpu.memory_space<hbm>> -> memref<2x112xi32, #tpu.memory_space<hbm>>
        tpu.enqueue_dma source(%dma_start3A_148 : memref<2x112xi32, #tpu.memory_space<hbm>>) target(%dma_start3A_144 : memref<2x112xi32, #tpu.memory_space<vmem>>) target_semaphore(%run_scoped3A_132 : memref<!tpu.dma_semaphore, #tpu.memory_space<semaphore_mem>>)
        %dma_wait3A_149 = arith.constant 0 : i32
        %dma_wait3A_150 = arith.constant 0 : i32
        %dma_wait3A_151 = tpu.memref_slice %arg5[%run_scoped3A_36, %dma_wait3A_149, %dma_wait3A_150] : memref<3x2x112xi32, #tpu.memory_space<vmem>> -> memref<1x2x112xi32, #tpu.memory_space<vmem>>
        %dma_wait3A_152 = tpu.memref_squeeze %dma_wait3A_151 : memref<1x2x112xi32, #tpu.memory_space<vmem>> -> memref<2x112xi32, #tpu.memory_space<vmem>>
        %dma_wait3A_153 = arith.constant 0 : i32
        %dma_wait3A_154 = arith.constant 0 : i32
        %dma_wait3A_155 = tpu.memref_slice %arg2[%add3A_35, %dma_wait3A_153, %dma_wait3A_154] : memref<2976x2x112xi32, #tpu.memory_space<hbm>> -> memref<1x2x112xi32, #tpu.memory_space<hbm>>
        %dma_wait3A_156 = tpu.memref_squeeze %dma_wait3A_155 : memref<1x2x112xi32, #tpu.memory_space<hbm>> -> memref<2x112xi32, #tpu.memory_space<hbm>>
        %dma_wait3A_157 = arith.constant 0 : i32
        %dma_wait3A_158 = arith.constant 0 : i32
        %dma_wait3A_159 = tpu.memref_slice %arg5[%run_scoped3A_36, %dma_wait3A_157, %dma_wait3A_158] : memref<3x2x112xi32, #tpu.memory_space<vmem>> -> memref<1x2x112xi32, #tpu.memory_space<vmem>>
        %dma_wait3A_160 = tpu.memref_squeeze %dma_wait3A_159 : memref<1x2x112xi32, #tpu.memory_space<vmem>> -> memref<2x112xi32, #tpu.memory_space<vmem>>
        %dma_wait3A_161 = arith.constant 0 : i32
        %dma_wait3A_162 = arith.constant 0 : i32
        %dma_wait3A_163 = tpu.memref_slice %arg2[%add3A_35, %dma_wait3A_161, %dma_wait3A_162] : memref<2976x2x112xi32, #tpu.memory_space<hbm>> -> memref<1x2x112xi32, #tpu.memory_space<hbm>>
        %dma_wait3A_164 = tpu.memref_squeeze %dma_wait3A_163 : memref<1x2x112xi32, #tpu.memory_space<hbm>> -> memref<2x112xi32, #tpu.memory_space<hbm>>
        tpu.wait_dma2 semaphore(%run_scoped3A_132 : memref<!tpu.dma_semaphore, #tpu.memory_space<semaphore_mem>>) src(%dma_wait3A_164 : memref<2x112xi32, #tpu.memory_space<hbm>>) dst(%dma_wait3A_160 : memref<2x112xi32, #tpu.memory_space<vmem>>)
        tpu.yield
      }) : () -> ()
      %add3A_37 = arith.constant 1 : i32
      %add3A_38 = arith.addi %mul3A_33, %add3A_37 : i32
      %run_scoped3A_39 = arith.constant 1 : i32
      "tpu.region"() ({
        %run_scoped3A_132 = tpu.sem_alloc : memref<!tpu.dma_semaphore, #tpu.memory_space<semaphore_mem>>
        %dma_start3A_133 = arith.constant 0 : i32
        %dma_start3A_134 = arith.constant 0 : i32
        %dma_start3A_135 = tpu.memref_slice %arg5[%run_scoped3A_39, %dma_start3A_133, %dma_start3A_134] : memref<3x2x112xi32, #tpu.memory_space<vmem>> -> memref<1x2x112xi32, #tpu.memory_space<vmem>>
        %dma_start3A_136 = tpu.memref_squeeze %dma_start3A_135 : memref<1x2x112xi32, #tpu.memory_space<vmem>> -> memref<2x112xi32, #tpu.memory_space<vmem>>
        %dma_start3A_137 = arith.constant 0 : i32
        %dma_start3A_138 = arith.constant 0 : i32
        %dma_start3A_139 = tpu.memref_slice %arg2[%add3A_38, %dma_start3A_137, %dma_start3A_138] : memref<2976x2x112xi32, #tpu.memory_space<hbm>> -> memref<1x2x112xi32, #tpu.memory_space<hbm>>
        %dma_start3A_140 = tpu.memref_squeeze %dma_start3A_139 : memref<1x2x112xi32, #tpu.memory_space<hbm>> -> memref<2x112xi32, #tpu.memory_space<hbm>>
        %dma_start3A_141 = arith.constant 0 : i32
        %dma_start3A_142 = arith.constant 0 : i32
        %dma_start3A_143 = tpu.memref_slice %arg5[%run_scoped3A_39, %dma_start3A_141, %dma_start3A_142] : memref<3x2x112xi32, #tpu.memory_space<vmem>> -> memref<1x2x112xi32, #tpu.memory_space<vmem>>
        %dma_start3A_144 = tpu.memref_squeeze %dma_start3A_143 : memref<1x2x112xi32, #tpu.memory_space<vmem>> -> memref<2x112xi32, #tpu.memory_space<vmem>>
        %dma_start3A_145 = arith.constant 0 : i32
        %dma_start3A_146 = arith.constant 0 : i32
        %dma_start3A_147 = tpu.memref_slice %arg2[%add3A_38, %dma_start3A_145, %dma_start3A_146] : memref<2976x2x112xi32, #tpu.memory_space<hbm>> -> memref<1x2x112xi32, #tpu.memory_space<hbm>>
        %dma_start3A_148 = tpu.memref_squeeze %dma_start3A_147 : memref<1x2x112xi32, #tpu.memory_space<hbm>> -> memref<2x112xi32, #tpu.memory_space<hbm>>
        tpu.enqueue_dma source(%dma_start3A_148 : memref<2x112xi32, #tpu.memory_space<hbm>>) target(%dma_start3A_144 : memref<2x112xi32, #tpu.memory_space<vmem>>) target_semaphore(%run_scoped3A_132 : memref<!tpu.dma_semaphore, #tpu.memory_space<semaphore_mem>>)
        %dma_wait3A_149 = arith.constant 0 : i32
        %dma_wait3A_150 = arith.constant 0 : i32
        %dma_wait3A_151 = tpu.memref_slice %arg5[%run_scoped3A_39, %dma_wait3A_149, %dma_wait3A_150] : memref<3x2x112xi32, #tpu.memory_space<vmem>> -> memref<1x2x112xi32, #tpu.memory_space<vmem>>
        %dma_wait3A_152 = tpu.memref_squeeze %dma_wait3A_151 : memref<1x2x112xi32, #tpu.memory_space<vmem>> -> memref<2x112xi32, #tpu.memory_space<vmem>>
        %dma_wait3A_153 = arith.constant 0 : i32
        %dma_wait3A_154 = arith.constant 0 : i32
        %dma_wait3A_155 = tpu.memref_slice %arg2[%add3A_38, %dma_wait3A_153, %dma_wait3A_154] : memref<2976x2x112xi32, #tpu.memory_space<hbm>> -> memref<1x2x112xi32, #tpu.memory_space<hbm>>
        %dma_wait3A_156 = tpu.memref_squeeze %dma_wait3A_155 : memref<1x2x112xi32, #tpu.memory_space<hbm>> -> memref<2x112xi32, #tpu.memory_space<hbm>>
        %dma_wait3A_157 = arith.constant 0 : i32
        %dma_wait3A_158 = arith.constant 0 : i32
        %dma_wait3A_159 = tpu.memref_slice %arg5[%run_scoped3A_39, %dma_wait3A_157, %dma_wait3A_158] : memref<3x2x112xi32, #tpu.memory_space<vmem>> -> memref<1x2x112xi32, #tpu.memory_space<vmem>>
        %dma_wait3A_160 = tpu.memref_squeeze %dma_wait3A_159 : memref<1x2x112xi32, #tpu.memory_space<vmem>> -> memref<2x112xi32, #tpu.memory_space<vmem>>
        %dma_wait3A_161 = arith.constant 0 : i32
        %dma_wait3A_162 = arith.constant 0 : i32
        %dma_wait3A_163 = tpu.memref_slice %arg2[%add3A_38, %dma_wait3A_161, %dma_wait3A_162] : memref<2976x2x112xi32, #tpu.memory_space<hbm>> -> memref<1x2x112xi32, #tpu.memory_space<hbm>>
        %dma_wait3A_164 = tpu.memref_squeeze %dma_wait3A_163 : memref<1x2x112xi32, #tpu.memory_space<hbm>> -> memref<2x112xi32, #tpu.memory_space<hbm>>
        tpu.wait_dma2 semaphore(%run_scoped3A_132 : memref<!tpu.dma_semaphore, #tpu.memory_space<semaphore_mem>>) src(%dma_wait3A_164 : memref<2x112xi32, #tpu.memory_space<hbm>>) dst(%dma_wait3A_160 : memref<2x112xi32, #tpu.memory_space<vmem>>)
        tpu.yield
      }) : () -> ()
      %add3A_40 = arith.constant 2 : i32
      %add3A_41 = arith.addi %mul3A_33, %add3A_40 : i32
      %run_scoped3A_42 = arith.constant 2 : i32
      "tpu.region"() ({
        %run_scoped3A_132 = tpu.sem_alloc : memref<!tpu.dma_semaphore, #tpu.memory_space<semaphore_mem>>
        %dma_start3A_133 = arith.constant 0 : i32
        %dma_start3A_134 = arith.constant 0 : i32
        %dma_start3A_135 = tpu.memref_slice %arg5[%run_scoped3A_42, %dma_start3A_133, %dma_start3A_134] : memref<3x2x112xi32, #tpu.memory_space<vmem>> -> memref<1x2x112xi32, #tpu.memory_space<vmem>>
        %dma_start3A_136 = tpu.memref_squeeze %dma_start3A_135 : memref<1x2x112xi32, #tpu.memory_space<vmem>> -> memref<2x112xi32, #tpu.memory_space<vmem>>
        %dma_start3A_137 = arith.constant 0 : i32
        %dma_start3A_138 = arith.constant 0 : i32
        %dma_start3A_139 = tpu.memref_slice %arg2[%add3A_41, %dma_start3A_137, %dma_start3A_138] : memref<2976x2x112xi32, #tpu.memory_space<hbm>> -> memref<1x2x112xi32, #tpu.memory_space<hbm>>
        %dma_start3A_140 = tpu.memref_squeeze %dma_start3A_139 : memref<1x2x112xi32, #tpu.memory_space<hbm>> -> memref<2x112xi32, #tpu.memory_space<hbm>>
        %dma_start3A_141 = arith.constant 0 : i32
        %dma_start3A_142 = arith.constant 0 : i32
        %dma_start3A_143 = tpu.memref_slice %arg5[%run_scoped3A_42, %dma_start3A_141, %dma_start3A_142] : memref<3x2x112xi32, #tpu.memory_space<vmem>> -> memref<1x2x112xi32, #tpu.memory_space<vmem>>
        %dma_start3A_144 = tpu.memref_squeeze %dma_start3A_143 : memref<1x2x112xi32, #tpu.memory_space<vmem>> -> memref<2x112xi32, #tpu.memory_space<vmem>>
        %dma_start3A_145 = arith.constant 0 : i32
        %dma_start3A_146 = arith.constant 0 : i32
        %dma_start3A_147 = tpu.memref_slice %arg2[%add3A_41, %dma_start3A_145, %dma_start3A_146] : memref<2976x2x112xi32, #tpu.memory_space<hbm>> -> memref<1x2x112xi32, #tpu.memory_space<hbm>>
        %dma_start3A_148 = tpu.memref_squeeze %dma_start3A_147 : memref<1x2x112xi32, #tpu.memory_space<hbm>> -> memref<2x112xi32, #tpu.memory_space<hbm>>
        tpu.enqueue_dma source(%dma_start3A_148 : memref<2x112xi32, #tpu.memory_space<hbm>>) target(%dma_start3A_144 : memref<2x112xi32, #tpu.memory_space<vmem>>) target_semaphore(%run_scoped3A_132 : memref<!tpu.dma_semaphore, #tpu.memory_space<semaphore_mem>>)
        %dma_wait3A_149 = arith.constant 0 : i32
        %dma_wait3A_150 = arith.constant 0 : i32
        %dma_wait3A_151 = tpu.memref_slice %arg5[%run_scoped3A_42, %dma_wait3A_149, %dma_wait3A_150] : memref<3x2x112xi32, #tpu.memory_space<vmem>> -> memref<1x2x112xi32, #tpu.memory_space<vmem>>
        %dma_wait3A_152 = tpu.memref_squeeze %dma_wait3A_151 : memref<1x2x112xi32, #tpu.memory_space<vmem>> -> memref<2x112xi32, #tpu.memory_space<vmem>>
        %dma_wait3A_153 = arith.constant 0 : i32
        %dma_wait3A_154 = arith.constant 0 : i32
        %dma_wait3A_155 = tpu.memref_slice %arg2[%add3A_41, %dma_wait3A_153, %dma_wait3A_154] : memref<2976x2x112xi32, #tpu.memory_space<hbm>> -> memref<1x2x112xi32, #tpu.memory_space<hbm>>
        %dma_wait3A_156 = tpu.memref_squeeze %dma_wait3A_155 : memref<1x2x112xi32, #tpu.memory_space<hbm>> -> memref<2x112xi32, #tpu.memory_space<hbm>>
        %dma_wait3A_157 = arith.constant 0 : i32
        %dma_wait3A_158 = arith.constant 0 : i32
        %dma_wait3A_159 = tpu.memref_slice %arg5[%run_scoped3A_42, %dma_wait3A_157, %dma_wait3A_158] : memref<3x2x112xi32, #tpu.memory_space<vmem>> -> memref<1x2x112xi32, #tpu.memory_space<vmem>>
        %dma_wait3A_160 = tpu.memref_squeeze %dma_wait3A_159 : memref<1x2x112xi32, #tpu.memory_space<vmem>> -> memref<2x112xi32, #tpu.memory_space<vmem>>
        %dma_wait3A_161 = arith.constant 0 : i32
        %dma_wait3A_162 = arith.constant 0 : i32
        %dma_wait3A_163 = tpu.memref_slice %arg2[%add3A_41, %dma_wait3A_161, %dma_wait3A_162] : memref<2976x2x112xi32, #tpu.memory_space<hbm>> -> memref<1x2x112xi32, #tpu.memory_space<hbm>>
        %dma_wait3A_164 = tpu.memref_squeeze %dma_wait3A_163 : memref<1x2x112xi32, #tpu.memory_space<hbm>> -> memref<2x112xi32, #tpu.memory_space<hbm>>
        tpu.wait_dma2 semaphore(%run_scoped3A_132 : memref<!tpu.dma_semaphore, #tpu.memory_space<semaphore_mem>>) src(%dma_wait3A_164 : memref<2x112xi32, #tpu.memory_space<hbm>>) dst(%dma_wait3A_160 : memref<2x112xi32, #tpu.memory_space<vmem>>)
        tpu.yield
      }) : () -> ()
      %dma_start3A = arith.constant 0 : i32
      %dma_start3A_43 = arith.constant 0 : i32
      %dma_start3A_44 = arith.constant 0 : i32
      %dma_start3A_45 = arith.constant 0 : i32
      %dma_start3A_46 = arith.constant 0 : i32
      %dma_start3A_47 = tpu.memref_slice %arg6[%dma_start3A_44, %dma_start3A_45, %dma_start3A_46] : memref<3x112x128xf32, #tpu.memory_space<vmem>> -> memref<1x112x128xf32, #tpu.memory_space<vmem>>
      %dma_start3A_48 = tpu.memref_squeeze %dma_start3A_47 : memref<1x112x128xf32, #tpu.memory_space<vmem>> -> memref<112x128xf32, #tpu.memory_space<vmem>>
      %dma_start3A_49 = arith.constant 0 : i32
      %dma_start3A_50 = tpu.memref_slice %arg5[%dma_start3A, %dma_start3A_43, %dma_start3A_49] : memref<3x2x112xi32, #tpu.memory_space<vmem>> -> memref<1x1x112xi32, #tpu.memory_space<vmem>>
      %dma_start3A_51 = tpu.memref_squeeze %dma_start3A_50 : memref<1x1x112xi32, #tpu.memory_space<vmem>> -> memref<112xi32, #tpu.memory_space<vmem>>
      %dma_start3A_52 = arith.constant 0 : i32
      %dma_start3A_53 = arith.constant 0 : i32
      %dma_start3A_54 = tpu.memref_slice %arg3[%dma_start3A_52, %dma_start3A_53] : memref<10240x128xf32, #tpu.memory_space<hbm>> -> memref<10240x128xf32, #tpu.memory_space<hbm>>
      tpu.enqueue_indirect_dma source(%dma_start3A_54 : memref<10240x128xf32, #tpu.memory_space<hbm>>) target(%dma_start3A_48 : memref<112x128xf32, #tpu.memory_space<vmem>>) offsets(%dma_start3A_51 : memref<112xi32, #tpu.memory_space<vmem>>) semaphore(%arg8 : memref<!tpu.dma_semaphore, #tpu.memory_space<semaphore_mem>>)
      %dma_start3A_55 = arith.constant 1 : i32
      %dma_start3A_56 = arith.constant 0 : i32
      %dma_start3A_57 = arith.constant 1 : i32
      %dma_start3A_58 = arith.constant 0 : i32
      %dma_start3A_59 = arith.constant 0 : i32
      %dma_start3A_60 = tpu.memref_slice %arg6[%dma_start3A_57, %dma_start3A_58, %dma_start3A_59] : memref<3x112x128xf32, #tpu.memory_space<vmem>> -> memref<1x112x128xf32, #tpu.memory_space<vmem>>
      %dma_start3A_61 = tpu.memref_squeeze %dma_start3A_60 : memref<1x112x128xf32, #tpu.memory_space<vmem>> -> memref<112x128xf32, #tpu.memory_space<vmem>>
      %dma_start3A_62 = arith.constant 0 : i32
      %dma_start3A_63 = tpu.memref_slice %arg5[%dma_start3A_55, %dma_start3A_56, %dma_start3A_62] : memref<3x2x112xi32, #tpu.memory_space<vmem>> -> memref<1x1x112xi32, #tpu.memory_space<vmem>>
      %dma_start3A_64 = tpu.memref_squeeze %dma_start3A_63 : memref<1x1x112xi32, #tpu.memory_space<vmem>> -> memref<112xi32, #tpu.memory_space<vmem>>
      %dma_start3A_65 = arith.constant 0 : i32
      %dma_start3A_66 = arith.constant 0 : i32
      %dma_start3A_67 = tpu.memref_slice %arg3[%dma_start3A_65, %dma_start3A_66] : memref<10240x128xf32, #tpu.memory_space<hbm>> -> memref<10240x128xf32, #tpu.memory_space<hbm>>
      tpu.enqueue_indirect_dma source(%dma_start3A_67 : memref<10240x128xf32, #tpu.memory_space<hbm>>) target(%dma_start3A_61 : memref<112x128xf32, #tpu.memory_space<vmem>>) offsets(%dma_start3A_64 : memref<112xi32, #tpu.memory_space<vmem>>) semaphore(%arg9 : memref<!tpu.dma_semaphore, #tpu.memory_space<semaphore_mem>>)
      %dma_start3A_68 = arith.constant 2 : i32
      %dma_start3A_69 = arith.constant 2 : i32
      %dma_start3A_70 = arith.constant 1 : i32
      %dma_start3A_71 = arith.constant 0 : i32
      %dma_start3A_72 = arith.constant 0 : i32
      %dma_start3A_73 = tpu.memref_slice %arg6[%dma_start3A_68, %dma_start3A_71, %dma_start3A_72] : memref<3x112x128xf32, #tpu.memory_space<vmem>> -> memref<1x112x128xf32, #tpu.memory_space<vmem>>
      %dma_start3A_74 = tpu.memref_squeeze %dma_start3A_73 : memref<1x112x128xf32, #tpu.memory_space<vmem>> -> memref<112x128xf32, #tpu.memory_space<vmem>>
      %dma_start3A_75 = arith.constant 0 : i32
      %dma_start3A_76 = tpu.memref_slice %arg5[%dma_start3A_69, %dma_start3A_70, %dma_start3A_75] : memref<3x2x112xi32, #tpu.memory_space<vmem>> -> memref<1x1x112xi32, #tpu.memory_space<vmem>>
      %dma_start3A_77 = tpu.memref_squeeze %dma_start3A_76 : memref<1x1x112xi32, #tpu.memory_space<vmem>> -> memref<112xi32, #tpu.memory_space<vmem>>
      %dma_start3A_78 = arith.constant 0 : i32
      %dma_start3A_79 = arith.constant 0 : i32
      %dma_start3A_80 = tpu.memref_slice %arg7[%dma_start3A_78, %dma_start3A_79] : memref<10240x128xf32, #tpu.memory_space<vmem_shared>> -> memref<10240x128xf32, #tpu.memory_space<vmem_shared>>
      tpu.enqueue_indirect_dma source(%dma_start3A_74 : memref<112x128xf32, #tpu.memory_space<vmem>>) target(%dma_start3A_80 : memref<10240x128xf32, #tpu.memory_space<vmem_shared>>) offsets(%dma_start3A_77 : memref<112xi32, #tpu.memory_space<vmem>>) semaphore(%arg13 : memref<!tpu.dma_semaphore, #tpu.memory_space<semaphore_mem>>) {add = true}
      %barrier3A = arith.constant 0 : index
      tpu.barrier barrier_id(%barrier3A)
      %scan3A_81 = arith.constant 0 : i32
      %scan3A_82 = arith.constant 0 : i32
      %scan3A_83 = arith.constant 40 : i32
      %scan3A_84 = arith.addi %scan3A_82, %scan3A_83 : i32
      %scan3A_85 = arith.constant 1 : i32
      scf.for %scan3A_132 = %scan3A_82 to %scan3A_84 step %scan3A_85  : i32 {
        %mul3A_133 = arith.constant 3 : i32
        %mul3A_134 = arith.muli %scan3A_132, %mul3A_133 : i32
        %add3A_135 = arith.constant 0 : i32
        %add3A_136 = arith.addi %mul3A_134, %add3A_135 : i32
        %dma_wait3A_137 = arith.constant 0 : i32
        %dma_wait3A_138 = arith.constant 0 : i32
        %dma_wait3A_139 = arith.constant 0 : i32
        %dma_wait3A_140 = tpu.memref_slice %arg6[%dma_wait3A_137, %dma_wait3A_138, %dma_wait3A_139] : memref<3x112x128xf32, #tpu.memory_space<vmem>> -> memref<1x112x128xf32, #tpu.memory_space<vmem>>
        %dma_wait3A_141 = tpu.memref_squeeze %dma_wait3A_140 : memref<1x112x128xf32, #tpu.memory_space<vmem>> -> memref<112x128xf32, #tpu.memory_space<vmem>>
        %dma_wait3A_142 = arith.constant 0 : i32
        %dma_wait3A_143 = arith.constant 0 : i32
        %dma_wait3A_144 = tpu.memref_slice %arg3[%dma_wait3A_142, %dma_wait3A_143] : memref<10240x128xf32, #tpu.memory_space<hbm>> -> memref<112x128xf32, #tpu.memory_space<hbm>>
        %dma_wait3A_145 = arith.constant 0 : i32
        %dma_wait3A_146 = arith.constant 0 : i32
        %dma_wait3A_147 = tpu.memref_slice %arg6[%dma_wait3A_137, %dma_wait3A_145, %dma_wait3A_146] : memref<3x112x128xf32, #tpu.memory_space<vmem>> -> memref<1x112x128xf32, #tpu.memory_space<vmem>>
        %dma_wait3A_148 = tpu.memref_squeeze %dma_wait3A_147 : memref<1x112x128xf32, #tpu.memory_space<vmem>> -> memref<112x128xf32, #tpu.memory_space<vmem>>
        %dma_wait3A_149 = arith.constant 0 : i32
        %dma_wait3A_150 = arith.constant 0 : i32
        %dma_wait3A_151 = tpu.memref_slice %arg3[%dma_wait3A_149, %dma_wait3A_150] : memref<10240x128xf32, #tpu.memory_space<hbm>> -> memref<112x128xf32, #tpu.memory_space<hbm>>
        tpu.wait_dma2 semaphore(%arg8 : memref<!tpu.dma_semaphore, #tpu.memory_space<semaphore_mem>>) src(%dma_wait3A_151 : memref<112x128xf32, #tpu.memory_space<hbm>>) dst(%dma_wait3A_148 : memref<112x128xf32, #tpu.memory_space<vmem>>)
        %dma_start3A_152 = arith.constant 0 : i32
        %dma_start3A_153 = arith.constant 0 : i32
        %dma_start3A_154 = arith.constant 1 : i32
        %dma_start3A_155 = arith.constant 0 : i32
        %dma_start3A_156 = arith.constant 0 : i32
        %dma_start3A_157 = tpu.memref_slice %arg6[%dma_start3A_152, %dma_start3A_155, %dma_start3A_156] : memref<3x112x128xf32, #tpu.memory_space<vmem>> -> memref<1x112x128xf32, #tpu.memory_space<vmem>>
        %dma_start3A_158 = tpu.memref_squeeze %dma_start3A_157 : memref<1x112x128xf32, #tpu.memory_space<vmem>> -> memref<112x128xf32, #tpu.memory_space<vmem>>
        %dma_start3A_159 = arith.constant 0 : i32
        %dma_start3A_160 = tpu.memref_slice %arg5[%dma_start3A_153, %dma_start3A_154, %dma_start3A_159] : memref<3x2x112xi32, #tpu.memory_space<vmem>> -> memref<1x1x112xi32, #tpu.memory_space<vmem>>
        %dma_start3A_161 = tpu.memref_squeeze %dma_start3A_160 : memref<1x1x112xi32, #tpu.memory_space<vmem>> -> memref<112xi32, #tpu.memory_space<vmem>>
        %dma_start3A_162 = arith.constant 0 : i32
        %dma_start3A_163 = arith.constant 0 : i32
        %dma_start3A_164 = tpu.memref_slice %arg7[%dma_start3A_162, %dma_start3A_163] : memref<10240x128xf32, #tpu.memory_space<vmem_shared>> -> memref<10240x128xf32, #tpu.memory_space<vmem_shared>>
        tpu.enqueue_indirect_dma source(%dma_start3A_158 : memref<112x128xf32, #tpu.memory_space<vmem>>) target(%dma_start3A_164 : memref<10240x128xf32, #tpu.memory_space<vmem_shared>>) offsets(%dma_start3A_161 : memref<112xi32, #tpu.memory_space<vmem>>) semaphore(%arg11 : memref<!tpu.dma_semaphore, #tpu.memory_space<semaphore_mem>>) {add = true}
        %dma_wait3A_165 = arith.constant 2 : i32
        %dma_wait3A_166 = arith.constant 0 : i32
        %dma_wait3A_167 = arith.constant 0 : i32
        %dma_wait3A_168 = tpu.memref_slice %arg6[%dma_wait3A_165, %dma_wait3A_166, %dma_wait3A_167] : memref<3x112x128xf32, #tpu.memory_space<vmem>> -> memref<1x112x128xf32, #tpu.memory_space<vmem>>
        %dma_wait3A_169 = tpu.memref_squeeze %dma_wait3A_168 : memref<1x112x128xf32, #tpu.memory_space<vmem>> -> memref<112x128xf32, #tpu.memory_space<vmem>>
        %dma_wait3A_170 = arith.constant 0 : i32
        %dma_wait3A_171 = arith.constant 0 : i32
        %dma_wait3A_172 = tpu.memref_slice %arg3[%dma_wait3A_170, %dma_wait3A_171] : memref<10240x128xf32, #tpu.memory_space<hbm>> -> memref<112x128xf32, #tpu.memory_space<hbm>>
        %dma_wait3A_173 = arith.constant 0 : i32
        %dma_wait3A_174 = arith.constant 0 : i32
        %dma_wait3A_175 = tpu.memref_slice %arg6[%dma_wait3A_165, %dma_wait3A_173, %dma_wait3A_174] : memref<3x112x128xf32, #tpu.memory_space<vmem>> -> memref<1x112x128xf32, #tpu.memory_space<vmem>>
        %dma_wait3A_176 = tpu.memref_squeeze %dma_wait3A_175 : memref<1x112x128xf32, #tpu.memory_space<vmem>> -> memref<112x128xf32, #tpu.memory_space<vmem>>
        %dma_wait3A_177 = arith.constant 0 : i32
        %dma_wait3A_178 = arith.constant 0 : i32
        %dma_wait3A_179 = tpu.memref_slice %arg3[%dma_wait3A_177, %dma_wait3A_178] : memref<10240x128xf32, #tpu.memory_space<hbm>> -> memref<112x128xf32, #tpu.memory_space<hbm>>
        tpu.wait_dma2 semaphore(%arg13 : memref<!tpu.dma_semaphore, #tpu.memory_space<semaphore_mem>>) src(%dma_wait3A_179 : memref<112x128xf32, #tpu.memory_space<hbm>>) dst(%dma_wait3A_176 : memref<112x128xf32, #tpu.memory_space<vmem>>)
        %add3A_180 = arith.constant 2 : i32
        %add3A_181 = arith.addi %add3A_136, %add3A_180 : i32
        %min3A = arith.constant 119 : i32
        %min3A_182 = arith.minsi %add3A_181, %min3A : i32
        %add3A_183 = arith.addi %mul3A_33, %min3A_182 : i32
        %run_scoped3A_184 = arith.constant 2 : i32
        "tpu.region"() ({
          %run_scoped3A_330 = tpu.sem_alloc : memref<!tpu.dma_semaphore, #tpu.memory_space<semaphore_mem>>
          %dma_start3A_331 = arith.constant 0 : i32
          %dma_start3A_332 = arith.constant 0 : i32
          %dma_start3A_333 = tpu.memref_slice %arg5[%run_scoped3A_184, %dma_start3A_331, %dma_start3A_332] : memref<3x2x112xi32, #tpu.memory_space<vmem>> -> memref<1x2x112xi32, #tpu.memory_space<vmem>>
          %dma_start3A_334 = tpu.memref_squeeze %dma_start3A_333 : memref<1x2x112xi32, #tpu.memory_space<vmem>> -> memref<2x112xi32, #tpu.memory_space<vmem>>
          %dma_start3A_335 = arith.constant 0 : i32
          %dma_start3A_336 = arith.constant 0 : i32
          %dma_start3A_337 = tpu.memref_slice %arg2[%add3A_183, %dma_start3A_335, %dma_start3A_336] : memref<2976x2x112xi32, #tpu.memory_space<hbm>> -> memref<1x2x112xi32, #tpu.memory_space<hbm>>
          %dma_start3A_338 = tpu.memref_squeeze %dma_start3A_337 : memref<1x2x112xi32, #tpu.memory_space<hbm>> -> memref<2x112xi32, #tpu.memory_space<hbm>>
          %dma_start3A_339 = arith.constant 0 : i32
          %dma_start3A_340 = arith.constant 0 : i32
          %dma_start3A_341 = tpu.memref_slice %arg5[%run_scoped3A_184, %dma_start3A_339, %dma_start3A_340] : memref<3x2x112xi32, #tpu.memory_space<vmem>> -> memref<1x2x112xi32, #tpu.memory_space<vmem>>
          %dma_start3A_342 = tpu.memref_squeeze %dma_start3A_341 : memref<1x2x112xi32, #tpu.memory_space<vmem>> -> memref<2x112xi32, #tpu.memory_space<vmem>>
          %dma_start3A_343 = arith.constant 0 : i32
          %dma_start3A_344 = arith.constant 0 : i32
          %dma_start3A_345 = tpu.memref_slice %arg2[%add3A_183, %dma_start3A_343, %dma_start3A_344] : memref<2976x2x112xi32, #tpu.memory_space<hbm>> -> memref<1x2x112xi32, #tpu.memory_space<hbm>>
          %dma_start3A_346 = tpu.memref_squeeze %dma_start3A_345 : memref<1x2x112xi32, #tpu.memory_space<hbm>> -> memref<2x112xi32, #tpu.memory_space<hbm>>
          tpu.enqueue_dma source(%dma_start3A_346 : memref<2x112xi32, #tpu.memory_space<hbm>>) target(%dma_start3A_342 : memref<2x112xi32, #tpu.memory_space<vmem>>) target_semaphore(%run_scoped3A_330 : memref<!tpu.dma_semaphore, #tpu.memory_space<semaphore_mem>>)
          %dma_wait3A_347 = arith.constant 0 : i32
          %dma_wait3A_348 = arith.constant 0 : i32
          %dma_wait3A_349 = tpu.memref_slice %arg5[%run_scoped3A_184, %dma_wait3A_347, %dma_wait3A_348] : memref<3x2x112xi32, #tpu.memory_space<vmem>> -> memref<1x2x112xi32, #tpu.memory_space<vmem>>
          %dma_wait3A_350 = tpu.memref_squeeze %dma_wait3A_349 : memref<1x2x112xi32, #tpu.memory_space<vmem>> -> memref<2x112xi32, #tpu.memory_space<vmem>>
          %dma_wait3A_351 = arith.constant 0 : i32
          %dma_wait3A_352 = arith.constant 0 : i32
          %dma_wait3A_353 = tpu.memref_slice %arg2[%add3A_183, %dma_wait3A_351, %dma_wait3A_352] : memref<2976x2x112xi32, #tpu.memory_space<hbm>> -> memref<1x2x112xi32, #tpu.memory_space<hbm>>
          %dma_wait3A_354 = tpu.memref_squeeze %dma_wait3A_353 : memref<1x2x112xi32, #tpu.memory_space<hbm>> -> memref<2x112xi32, #tpu.memory_space<hbm>>
          %dma_wait3A_355 = arith.constant 0 : i32
          %dma_wait3A_356 = arith.constant 0 : i32
          %dma_wait3A_357 = tpu.memref_slice %arg5[%run_scoped3A_184, %dma_wait3A_355, %dma_wait3A_356] : memref<3x2x112xi32, #tpu.memory_space<vmem>> -> memref<1x2x112xi32, #tpu.memory_space<vmem>>
          %dma_wait3A_358 = tpu.memref_squeeze %dma_wait3A_357 : memref<1x2x112xi32, #tpu.memory_space<vmem>> -> memref<2x112xi32, #tpu.memory_space<vmem>>
          %dma_wait3A_359 = arith.constant 0 : i32
          %dma_wait3A_360 = arith.constant 0 : i32
          %dma_wait3A_361 = tpu.memref_slice %arg2[%add3A_183, %dma_wait3A_359, %dma_wait3A_360] : memref<2976x2x112xi32, #tpu.memory_space<hbm>> -> memref<1x2x112xi32, #tpu.memory_space<hbm>>
          %dma_wait3A_362 = tpu.memref_squeeze %dma_wait3A_361 : memref<1x2x112xi32, #tpu.memory_space<hbm>> -> memref<2x112xi32, #tpu.memory_space<hbm>>
          tpu.wait_dma2 semaphore(%run_scoped3A_330 : memref<!tpu.dma_semaphore, #tpu.memory_space<semaphore_mem>>) src(%dma_wait3A_362 : memref<2x112xi32, #tpu.memory_space<hbm>>) dst(%dma_wait3A_358 : memref<2x112xi32, #tpu.memory_space<vmem>>)
          tpu.yield
        }) : () -> ()
        %dma_start3A_185 = arith.constant 2 : i32
        %dma_start3A_186 = arith.constant 0 : i32
        %dma_start3A_187 = arith.constant 2 : i32
        %dma_start3A_188 = arith.constant 0 : i32
        %dma_start3A_189 = arith.constant 0 : i32
        %dma_start3A_190 = tpu.memref_slice %arg6[%dma_start3A_187, %dma_start3A_188, %dma_start3A_189] : memref<3x112x128xf32, #tpu.memory_space<vmem>> -> memref<1x112x128xf32, #tpu.memory_space<vmem>>
        %dma_start3A_191 = tpu.memref_squeeze %dma_start3A_190 : memref<1x112x128xf32, #tpu.memory_space<vmem>> -> memref<112x128xf32, #tpu.memory_space<vmem>>
        %dma_start3A_192 = arith.constant 0 : i32
        %dma_start3A_193 = tpu.memref_slice %arg5[%dma_start3A_185, %dma_start3A_186, %dma_start3A_192] : memref<3x2x112xi32, #tpu.memory_space<vmem>> -> memref<1x1x112xi32, #tpu.memory_space<vmem>>
        %dma_start3A_194 = tpu.memref_squeeze %dma_start3A_193 : memref<1x1x112xi32, #tpu.memory_space<vmem>> -> memref<112xi32, #tpu.memory_space<vmem>>
        %dma_start3A_195 = arith.constant 0 : i32
        %dma_start3A_196 = arith.constant 0 : i32
        %dma_start3A_197 = tpu.memref_slice %arg3[%dma_start3A_195, %dma_start3A_196] : memref<10240x128xf32, #tpu.memory_space<hbm>> -> memref<10240x128xf32, #tpu.memory_space<hbm>>
        tpu.enqueue_indirect_dma source(%dma_start3A_197 : memref<10240x128xf32, #tpu.memory_space<hbm>>) target(%dma_start3A_191 : memref<112x128xf32, #tpu.memory_space<vmem>>) offsets(%dma_start3A_194 : memref<112xi32, #tpu.memory_space<vmem>>) semaphore(%arg10 : memref<!tpu.dma_semaphore, #tpu.memory_space<semaphore_mem>>)
        %mul3A_198 = arith.constant 3 : i32
        %mul3A_199 = arith.muli %scan3A_132, %mul3A_198 : i32
        %add3A_200 = arith.constant 1 : i32
        %add3A_201 = arith.addi %mul3A_199, %add3A_200 : i32
        %dma_wait3A_202 = arith.constant 1 : i32
        %dma_wait3A_203 = arith.constant 0 : i32
        %dma_wait3A_204 = arith.constant 0 : i32
        %dma_wait3A_205 = tpu.memref_slice %arg6[%dma_wait3A_202, %dma_wait3A_203, %dma_wait3A_204] : memref<3x112x128xf32, #tpu.memory_space<vmem>> -> memref<1x112x128xf32, #tpu.memory_space<vmem>>
        %dma_wait3A_206 = tpu.memref_squeeze %dma_wait3A_205 : memref<1x112x128xf32, #tpu.memory_space<vmem>> -> memref<112x128xf32, #tpu.memory_space<vmem>>
        %dma_wait3A_207 = arith.constant 0 : i32
        %dma_wait3A_208 = arith.constant 0 : i32
        %dma_wait3A_209 = tpu.memref_slice %arg3[%dma_wait3A_207, %dma_wait3A_208] : memref<10240x128xf32, #tpu.memory_space<hbm>> -> memref<112x128xf32, #tpu.memory_space<hbm>>
        %dma_wait3A_210 = arith.constant 0 : i32
        %dma_wait3A_211 = arith.constant 0 : i32
        %dma_wait3A_212 = tpu.memref_slice %arg6[%dma_wait3A_202, %dma_wait3A_210, %dma_wait3A_211] : memref<3x112x128xf32, #tpu.memory_space<vmem>> -> memref<1x112x128xf32, #tpu.memory_space<vmem>>
        %dma_wait3A_213 = tpu.memref_squeeze %dma_wait3A_212 : memref<1x112x128xf32, #tpu.memory_space<vmem>> -> memref<112x128xf32, #tpu.memory_space<vmem>>
        %dma_wait3A_214 = arith.constant 0 : i32
        %dma_wait3A_215 = arith.constant 0 : i32
        %dma_wait3A_216 = tpu.memref_slice %arg3[%dma_wait3A_214, %dma_wait3A_215] : memref<10240x128xf32, #tpu.memory_space<hbm>> -> memref<112x128xf32, #tpu.memory_space<hbm>>
        tpu.wait_dma2 semaphore(%arg9 : memref<!tpu.dma_semaphore, #tpu.memory_space<semaphore_mem>>) src(%dma_wait3A_216 : memref<112x128xf32, #tpu.memory_space<hbm>>) dst(%dma_wait3A_213 : memref<112x128xf32, #tpu.memory_space<vmem>>)
        %dma_start3A_217 = arith.constant 1 : i32
        %dma_start3A_218 = arith.constant 1 : i32
        %dma_start3A_219 = arith.constant 1 : i32
        %dma_start3A_220 = arith.constant 0 : i32
        %dma_start3A_221 = arith.constant 0 : i32
        %dma_start3A_222 = tpu.memref_slice %arg6[%dma_start3A_217, %dma_start3A_220, %dma_start3A_221] : memref<3x112x128xf32, #tpu.memory_space<vmem>> -> memref<1x112x128xf32, #tpu.memory_space<vmem>>
        %dma_start3A_223 = tpu.memref_squeeze %dma_start3A_222 : memref<1x112x128xf32, #tpu.memory_space<vmem>> -> memref<112x128xf32, #tpu.memory_space<vmem>>
        %dma_start3A_224 = arith.constant 0 : i32
        %dma_start3A_225 = tpu.memref_slice %arg5[%dma_start3A_218, %dma_start3A_219, %dma_start3A_224] : memref<3x2x112xi32, #tpu.memory_space<vmem>> -> memref<1x1x112xi32, #tpu.memory_space<vmem>>
        %dma_start3A_226 = tpu.memref_squeeze %dma_start3A_225 : memref<1x1x112xi32, #tpu.memory_space<vmem>> -> memref<112xi32, #tpu.memory_space<vmem>>
        %dma_start3A_227 = arith.constant 0 : i32
        %dma_start3A_228 = arith.constant 0 : i32
        %dma_start3A_229 = tpu.memref_slice %arg7[%dma_start3A_227, %dma_start3A_228] : memref<10240x128xf32, #tpu.memory_space<vmem_shared>> -> memref<10240x128xf32, #tpu.memory_space<vmem_shared>>
        tpu.enqueue_indirect_dma source(%dma_start3A_223 : memref<112x128xf32, #tpu.memory_space<vmem>>) target(%dma_start3A_229 : memref<10240x128xf32, #tpu.memory_space<vmem_shared>>) offsets(%dma_start3A_226 : memref<112xi32, #tpu.memory_space<vmem>>) semaphore(%arg12 : memref<!tpu.dma_semaphore, #tpu.memory_space<semaphore_mem>>) {add = true}
        %dma_wait3A_230 = arith.constant 0 : i32
        %dma_wait3A_231 = arith.constant 0 : i32
        %dma_wait3A_232 = arith.constant 0 : i32
        %dma_wait3A_233 = tpu.memref_slice %arg6[%dma_wait3A_230, %dma_wait3A_231, %dma_wait3A_232] : memref<3x112x128xf32, #tpu.memory_space<vmem>> -> memref<1x112x128xf32, #tpu.memory_space<vmem>>
        %dma_wait3A_234 = tpu.memref_squeeze %dma_wait3A_233 : memref<1x112x128xf32, #tpu.memory_space<vmem>> -> memref<112x128xf32, #tpu.memory_space<vmem>>
        %dma_wait3A_235 = arith.constant 0 : i32
        %dma_wait3A_236 = arith.constant 0 : i32
        %dma_wait3A_237 = tpu.memref_slice %arg3[%dma_wait3A_235, %dma_wait3A_236] : memref<10240x128xf32, #tpu.memory_space<hbm>> -> memref<112x128xf32, #tpu.memory_space<hbm>>
        %dma_wait3A_238 = arith.constant 0 : i32
        %dma_wait3A_239 = arith.constant 0 : i32
        %dma_wait3A_240 = tpu.memref_slice %arg6[%dma_wait3A_230, %dma_wait3A_238, %dma_wait3A_239] : memref<3x112x128xf32, #tpu.memory_space<vmem>> -> memref<1x112x128xf32, #tpu.memory_space<vmem>>
        %dma_wait3A_241 = tpu.memref_squeeze %dma_wait3A_240 : memref<1x112x128xf32, #tpu.memory_space<vmem>> -> memref<112x128xf32, #tpu.memory_space<vmem>>
        %dma_wait3A_242 = arith.constant 0 : i32
        %dma_wait3A_243 = arith.constant 0 : i32
        %dma_wait3A_244 = tpu.memref_slice %arg3[%dma_wait3A_242, %dma_wait3A_243] : memref<10240x128xf32, #tpu.memory_space<hbm>> -> memref<112x128xf32, #tpu.memory_space<hbm>>
        tpu.wait_dma2 semaphore(%arg11 : memref<!tpu.dma_semaphore, #tpu.memory_space<semaphore_mem>>) src(%dma_wait3A_244 : memref<112x128xf32, #tpu.memory_space<hbm>>) dst(%dma_wait3A_241 : memref<112x128xf32, #tpu.memory_space<vmem>>)
        %add3A_245 = arith.constant 2 : i32
        %add3A_246 = arith.addi %add3A_201, %add3A_245 : i32
        %min3A_247 = arith.constant 119 : i32
        %min3A_248 = arith.minsi %add3A_246, %min3A_247 : i32
        %add3A_249 = arith.addi %mul3A_33, %min3A_248 : i32
        %run_scoped3A_250 = arith.constant 0 : i32
        "tpu.region"() ({
          %run_scoped3A_330 = tpu.sem_alloc : memref<!tpu.dma_semaphore, #tpu.memory_space<semaphore_mem>>
          %dma_start3A_331 = arith.constant 0 : i32
          %dma_start3A_332 = arith.constant 0 : i32
          %dma_start3A_333 = tpu.memref_slice %arg5[%run_scoped3A_250, %dma_start3A_331, %dma_start3A_332] : memref<3x2x112xi32, #tpu.memory_space<vmem>> -> memref<1x2x112xi32, #tpu.memory_space<vmem>>
          %dma_start3A_334 = tpu.memref_squeeze %dma_start3A_333 : memref<1x2x112xi32, #tpu.memory_space<vmem>> -> memref<2x112xi32, #tpu.memory_space<vmem>>
          %dma_start3A_335 = arith.constant 0 : i32
          %dma_start3A_336 = arith.constant 0 : i32
          %dma_start3A_337 = tpu.memref_slice %arg2[%add3A_249, %dma_start3A_335, %dma_start3A_336] : memref<2976x2x112xi32, #tpu.memory_space<hbm>> -> memref<1x2x112xi32, #tpu.memory_space<hbm>>
          %dma_start3A_338 = tpu.memref_squeeze %dma_start3A_337 : memref<1x2x112xi32, #tpu.memory_space<hbm>> -> memref<2x112xi32, #tpu.memory_space<hbm>>
          %dma_start3A_339 = arith.constant 0 : i32
          %dma_start3A_340 = arith.constant 0 : i32
          %dma_start3A_341 = tpu.memref_slice %arg5[%run_scoped3A_250, %dma_start3A_339, %dma_start3A_340] : memref<3x2x112xi32, #tpu.memory_space<vmem>> -> memref<1x2x112xi32, #tpu.memory_space<vmem>>
          %dma_start3A_342 = tpu.memref_squeeze %dma_start3A_341 : memref<1x2x112xi32, #tpu.memory_space<vmem>> -> memref<2x112xi32, #tpu.memory_space<vmem>>
          %dma_start3A_343 = arith.constant 0 : i32
          %dma_start3A_344 = arith.constant 0 : i32
          %dma_start3A_345 = tpu.memref_slice %arg2[%add3A_249, %dma_start3A_343, %dma_start3A_344] : memref<2976x2x112xi32, #tpu.memory_space<hbm>> -> memref<1x2x112xi32, #tpu.memory_space<hbm>>
          %dma_start3A_346 = tpu.memref_squeeze %dma_start3A_345 : memref<1x2x112xi32, #tpu.memory_space<hbm>> -> memref<2x112xi32, #tpu.memory_space<hbm>>
          tpu.enqueue_dma source(%dma_start3A_346 : memref<2x112xi32, #tpu.memory_space<hbm>>) target(%dma_start3A_342 : memref<2x112xi32, #tpu.memory_space<vmem>>) target_semaphore(%run_scoped3A_330 : memref<!tpu.dma_semaphore, #tpu.memory_space<semaphore_mem>>)
          %dma_wait3A_347 = arith.constant 0 : i32
          %dma_wait3A_348 = arith.constant 0 : i32
          %dma_wait3A_349 = tpu.memref_slice %arg5[%run_scoped3A_250, %dma_wait3A_347, %dma_wait3A_348] : memref<3x2x112xi32, #tpu.memory_space<vmem>> -> memref<1x2x112xi32, #tpu.memory_space<vmem>>
          %dma_wait3A_350 = tpu.memref_squeeze %dma_wait3A_349 : memref<1x2x112xi32, #tpu.memory_space<vmem>> -> memref<2x112xi32, #tpu.memory_space<vmem>>
          %dma_wait3A_351 = arith.constant 0 : i32
          %dma_wait3A_352 = arith.constant 0 : i32
          %dma_wait3A_353 = tpu.memref_slice %arg2[%add3A_249, %dma_wait3A_351, %dma_wait3A_352] : memref<2976x2x112xi32, #tpu.memory_space<hbm>> -> memref<1x2x112xi32, #tpu.memory_space<hbm>>
          %dma_wait3A_354 = tpu.memref_squeeze %dma_wait3A_353 : memref<1x2x112xi32, #tpu.memory_space<hbm>> -> memref<2x112xi32, #tpu.memory_space<hbm>>
          %dma_wait3A_355 = arith.constant 0 : i32
          %dma_wait3A_356 = arith.constant 0 : i32
          %dma_wait3A_357 = tpu.memref_slice %arg5[%run_scoped3A_250, %dma_wait3A_355, %dma_wait3A_356] : memref<3x2x112xi32, #tpu.memory_space<vmem>> -> memref<1x2x112xi32, #tpu.memory_space<vmem>>
          %dma_wait3A_358 = tpu.memref_squeeze %dma_wait3A_357 : memref<1x2x112xi32, #tpu.memory_space<vmem>> -> memref<2x112xi32, #tpu.memory_space<vmem>>
          %dma_wait3A_359 = arith.constant 0 : i32
          %dma_wait3A_360 = arith.constant 0 : i32
          %dma_wait3A_361 = tpu.memref_slice %arg2[%add3A_249, %dma_wait3A_359, %dma_wait3A_360] : memref<2976x2x112xi32, #tpu.memory_space<hbm>> -> memref<1x2x112xi32, #tpu.memory_space<hbm>>
          %dma_wait3A_362 = tpu.memref_squeeze %dma_wait3A_361 : memref<1x2x112xi32, #tpu.memory_space<hbm>> -> memref<2x112xi32, #tpu.memory_space<hbm>>
          tpu.wait_dma2 semaphore(%run_scoped3A_330 : memref<!tpu.dma_semaphore, #tpu.memory_space<semaphore_mem>>) src(%dma_wait3A_362 : memref<2x112xi32, #tpu.memory_space<hbm>>) dst(%dma_wait3A_358 : memref<2x112xi32, #tpu.memory_space<vmem>>)
          tpu.yield
        }) : () -> ()
        %dma_start3A_251 = arith.constant 0 : i32
        %dma_start3A_252 = arith.constant 0 : i32
        %dma_start3A_253 = arith.constant 0 : i32
        %dma_start3A_254 = arith.constant 0 : i32
        %dma_start3A_255 = arith.constant 0 : i32
        %dma_start3A_256 = tpu.memref_slice %arg6[%dma_start3A_253, %dma_start3A_254, %dma_start3A_255] : memref<3x112x128xf32, #tpu.memory_space<vmem>> -> memref<1x112x128xf32, #tpu.memory_space<vmem>>
        %dma_start3A_257 = tpu.memref_squeeze %dma_start3A_256 : memref<1x112x128xf32, #tpu.memory_space<vmem>> -> memref<112x128xf32, #tpu.memory_space<vmem>>
        %dma_start3A_258 = arith.constant 0 : i32
        %dma_start3A_259 = tpu.memref_slice %arg5[%dma_start3A_251, %dma_start3A_252, %dma_start3A_258] : memref<3x2x112xi32, #tpu.memory_space<vmem>> -> memref<1x1x112xi32, #tpu.memory_space<vmem>>
        %dma_start3A_260 = tpu.memref_squeeze %dma_start3A_259 : memref<1x1x112xi32, #tpu.memory_space<vmem>> -> memref<112xi32, #tpu.memory_space<vmem>>
        %dma_start3A_261 = arith.constant 0 : i32
        %dma_start3A_262 = arith.constant 0 : i32
        %dma_start3A_263 = tpu.memref_slice %arg3[%dma_start3A_261, %dma_start3A_262] : memref<10240x128xf32, #tpu.memory_space<hbm>> -> memref<10240x128xf32, #tpu.memory_space<hbm>>
        tpu.enqueue_indirect_dma source(%dma_start3A_263 : memref<10240x128xf32, #tpu.memory_space<hbm>>) target(%dma_start3A_257 : memref<112x128xf32, #tpu.memory_space<vmem>>) offsets(%dma_start3A_260 : memref<112xi32, #tpu.memory_space<vmem>>) semaphore(%arg8 : memref<!tpu.dma_semaphore, #tpu.memory_space<semaphore_mem>>)
        %mul3A_264 = arith.constant 3 : i32
        %mul3A_265 = arith.muli %scan3A_132, %mul3A_264 : i32
        %add3A_266 = arith.constant 2 : i32
        %add3A_267 = arith.addi %mul3A_265, %add3A_266 : i32
        %dma_wait3A_268 = arith.constant 2 : i32
        %dma_wait3A_269 = arith.constant 0 : i32
        %dma_wait3A_270 = arith.constant 0 : i32
        %dma_wait3A_271 = tpu.memref_slice %arg6[%dma_wait3A_268, %dma_wait3A_269, %dma_wait3A_270] : memref<3x112x128xf32, #tpu.memory_space<vmem>> -> memref<1x112x128xf32, #tpu.memory_space<vmem>>
        %dma_wait3A_272 = tpu.memref_squeeze %dma_wait3A_271 : memref<1x112x128xf32, #tpu.memory_space<vmem>> -> memref<112x128xf32, #tpu.memory_space<vmem>>
        %dma_wait3A_273 = arith.constant 0 : i32
        %dma_wait3A_274 = arith.constant 0 : i32
        %dma_wait3A_275 = tpu.memref_slice %arg3[%dma_wait3A_273, %dma_wait3A_274] : memref<10240x128xf32, #tpu.memory_space<hbm>> -> memref<112x128xf32, #tpu.memory_space<hbm>>
        %dma_wait3A_276 = arith.constant 0 : i32
        %dma_wait3A_277 = arith.constant 0 : i32
        %dma_wait3A_278 = tpu.memref_slice %arg6[%dma_wait3A_268, %dma_wait3A_276, %dma_wait3A_277] : memref<3x112x128xf32, #tpu.memory_space<vmem>> -> memref<1x112x128xf32, #tpu.memory_space<vmem>>
        %dma_wait3A_279 = tpu.memref_squeeze %dma_wait3A_278 : memref<1x112x128xf32, #tpu.memory_space<vmem>> -> memref<112x128xf32, #tpu.memory_space<vmem>>
        %dma_wait3A_280 = arith.constant 0 : i32
        %dma_wait3A_281 = arith.constant 0 : i32
        %dma_wait3A_282 = tpu.memref_slice %arg3[%dma_wait3A_280, %dma_wait3A_281] : memref<10240x128xf32, #tpu.memory_space<hbm>> -> memref<112x128xf32, #tpu.memory_space<hbm>>
        tpu.wait_dma2 semaphore(%arg10 : memref<!tpu.dma_semaphore, #tpu.memory_space<semaphore_mem>>) src(%dma_wait3A_282 : memref<112x128xf32, #tpu.memory_space<hbm>>) dst(%dma_wait3A_279 : memref<112x128xf32, #tpu.memory_space<vmem>>)
        %dma_start3A_283 = arith.constant 2 : i32
        %dma_start3A_284 = arith.constant 2 : i32
        %dma_start3A_285 = arith.constant 1 : i32
        %dma_start3A_286 = arith.constant 0 : i32
        %dma_start3A_287 = arith.constant 0 : i32
        %dma_start3A_288 = tpu.memref_slice %arg6[%dma_start3A_283, %dma_start3A_286, %dma_start3A_287] : memref<3x112x128xf32, #tpu.memory_space<vmem>> -> memref<1x112x128xf32, #tpu.memory_space<vmem>>
        %dma_start3A_289 = tpu.memref_squeeze %dma_start3A_288 : memref<1x112x128xf32, #tpu.memory_space<vmem>> -> memref<112x128xf32, #tpu.memory_space<vmem>>
        %dma_start3A_290 = arith.constant 0 : i32
        %dma_start3A_291 = tpu.memref_slice %arg5[%dma_start3A_284, %dma_start3A_285, %dma_start3A_290] : memref<3x2x112xi32, #tpu.memory_space<vmem>> -> memref<1x1x112xi32, #tpu.memory_space<vmem>>
        %dma_start3A_292 = tpu.memref_squeeze %dma_start3A_291 : memref<1x1x112xi32, #tpu.memory_space<vmem>> -> memref<112xi32, #tpu.memory_space<vmem>>
        %dma_start3A_293 = arith.constant 0 : i32
        %dma_start3A_294 = arith.constant 0 : i32
        %dma_start3A_295 = tpu.memref_slice %arg7[%dma_start3A_293, %dma_start3A_294] : memref<10240x128xf32, #tpu.memory_space<vmem_shared>> -> memref<10240x128xf32, #tpu.memory_space<vmem_shared>>
        tpu.enqueue_indirect_dma source(%dma_start3A_289 : memref<112x128xf32, #tpu.memory_space<vmem>>) target(%dma_start3A_295 : memref<10240x128xf32, #tpu.memory_space<vmem_shared>>) offsets(%dma_start3A_292 : memref<112xi32, #tpu.memory_space<vmem>>) semaphore(%arg13 : memref<!tpu.dma_semaphore, #tpu.memory_space<semaphore_mem>>) {add = true}
        %dma_wait3A_296 = arith.constant 1 : i32
        %dma_wait3A_297 = arith.constant 0 : i32
        %dma_wait3A_298 = arith.constant 0 : i32
        %dma_wait3A_299 = tpu.memref_slice %arg6[%dma_wait3A_296, %dma_wait3A_297, %dma_wait3A_298] : memref<3x112x128xf32, #tpu.memory_space<vmem>> -> memref<1x112x128xf32, #tpu.memory_space<vmem>>
        %dma_wait3A_300 = tpu.memref_squeeze %dma_wait3A_299 : memref<1x112x128xf32, #tpu.memory_space<vmem>> -> memref<112x128xf32, #tpu.memory_space<vmem>>
        %dma_wait3A_301 = arith.constant 0 : i32
        %dma_wait3A_302 = arith.constant 0 : i32
        %dma_wait3A_303 = tpu.memref_slice %arg3[%dma_wait3A_301, %dma_wait3A_302] : memref<10240x128xf32, #tpu.memory_space<hbm>> -> memref<112x128xf32, #tpu.memory_space<hbm>>
        %dma_wait3A_304 = arith.constant 0 : i32
        %dma_wait3A_305 = arith.constant 0 : i32
        %dma_wait3A_306 = tpu.memref_slice %arg6[%dma_wait3A_296, %dma_wait3A_304, %dma_wait3A_305] : memref<3x112x128xf32, #tpu.memory_space<vmem>> -> memref<1x112x128xf32, #tpu.memory_space<vmem>>
        %dma_wait3A_307 = tpu.memref_squeeze %dma_wait3A_306 : memref<1x112x128xf32, #tpu.memory_space<vmem>> -> memref<112x128xf32, #tpu.memory_space<vmem>>
        %dma_wait3A_308 = arith.constant 0 : i32
        %dma_wait3A_309 = arith.constant 0 : i32
        %dma_wait3A_310 = tpu.memref_slice %arg3[%dma_wait3A_308, %dma_wait3A_309] : memref<10240x128xf32, #tpu.memory_space<hbm>> -> memref<112x128xf32, #tpu.memory_space<hbm>>
        tpu.wait_dma2 semaphore(%arg12 : memref<!tpu.dma_semaphore, #tpu.memory_space<semaphore_mem>>) src(%dma_wait3A_310 : memref<112x128xf32, #tpu.memory_space<hbm>>) dst(%dma_wait3A_307 : memref<112x128xf32, #tpu.memory_space<vmem>>)
        %add3A_311 = arith.constant 2 : i32
        %add3A_312 = arith.addi %add3A_267, %add3A_311 : i32
        %min3A_313 = arith.constant 119 : i32
        %min3A_314 = arith.minsi %add3A_312, %min3A_313 : i32
        %add3A_315 = arith.addi %mul3A_33, %min3A_314 : i32
        %run_scoped3A_316 = arith.constant 1 : i32
        "tpu.region"() ({
          %run_scoped3A_330 = tpu.sem_alloc : memref<!tpu.dma_semaphore, #tpu.memory_space<semaphore_mem>>
          %dma_start3A_331 = arith.constant 0 : i32
          %dma_start3A_332 = arith.constant 0 : i32
          %dma_start3A_333 = tpu.memref_slice %arg5[%run_scoped3A_316, %dma_start3A_331, %dma_start3A_332] : memref<3x2x112xi32, #tpu.memory_space<vmem>> -> memref<1x2x112xi32, #tpu.memory_space<vmem>>
          %dma_start3A_334 = tpu.memref_squeeze %dma_start3A_333 : memref<1x2x112xi32, #tpu.memory_space<vmem>> -> memref<2x112xi32, #tpu.memory_space<vmem>>
          %dma_start3A_335 = arith.constant 0 : i32
          %dma_start3A_336 = arith.constant 0 : i32
          %dma_start3A_337 = tpu.memref_slice %arg2[%add3A_315, %dma_start3A_335, %dma_start3A_336] : memref<2976x2x112xi32, #tpu.memory_space<hbm>> -> memref<1x2x112xi32, #tpu.memory_space<hbm>>
          %dma_start3A_338 = tpu.memref_squeeze %dma_start3A_337 : memref<1x2x112xi32, #tpu.memory_space<hbm>> -> memref<2x112xi32, #tpu.memory_space<hbm>>
          %dma_start3A_339 = arith.constant 0 : i32
          %dma_start3A_340 = arith.constant 0 : i32
          %dma_start3A_341 = tpu.memref_slice %arg5[%run_scoped3A_316, %dma_start3A_339, %dma_start3A_340] : memref<3x2x112xi32, #tpu.memory_space<vmem>> -> memref<1x2x112xi32, #tpu.memory_space<vmem>>
          %dma_start3A_342 = tpu.memref_squeeze %dma_start3A_341 : memref<1x2x112xi32, #tpu.memory_space<vmem>> -> memref<2x112xi32, #tpu.memory_space<vmem>>
          %dma_start3A_343 = arith.constant 0 : i32
          %dma_start3A_344 = arith.constant 0 : i32
          %dma_start3A_345 = tpu.memref_slice %arg2[%add3A_315, %dma_start3A_343, %dma_start3A_344] : memref<2976x2x112xi32, #tpu.memory_space<hbm>> -> memref<1x2x112xi32, #tpu.memory_space<hbm>>
          %dma_start3A_346 = tpu.memref_squeeze %dma_start3A_345 : memref<1x2x112xi32, #tpu.memory_space<hbm>> -> memref<2x112xi32, #tpu.memory_space<hbm>>
          tpu.enqueue_dma source(%dma_start3A_346 : memref<2x112xi32, #tpu.memory_space<hbm>>) target(%dma_start3A_342 : memref<2x112xi32, #tpu.memory_space<vmem>>) target_semaphore(%run_scoped3A_330 : memref<!tpu.dma_semaphore, #tpu.memory_space<semaphore_mem>>)
          %dma_wait3A_347 = arith.constant 0 : i32
          %dma_wait3A_348 = arith.constant 0 : i32
          %dma_wait3A_349 = tpu.memref_slice %arg5[%run_scoped3A_316, %dma_wait3A_347, %dma_wait3A_348] : memref<3x2x112xi32, #tpu.memory_space<vmem>> -> memref<1x2x112xi32, #tpu.memory_space<vmem>>
          %dma_wait3A_350 = tpu.memref_squeeze %dma_wait3A_349 : memref<1x2x112xi32, #tpu.memory_space<vmem>> -> memref<2x112xi32, #tpu.memory_space<vmem>>
          %dma_wait3A_351 = arith.constant 0 : i32
          %dma_wait3A_352 = arith.constant 0 : i32
          %dma_wait3A_353 = tpu.memref_slice %arg2[%add3A_315, %dma_wait3A_351, %dma_wait3A_352] : memref<2976x2x112xi32, #tpu.memory_space<hbm>> -> memref<1x2x112xi32, #tpu.memory_space<hbm>>
          %dma_wait3A_354 = tpu.memref_squeeze %dma_wait3A_353 : memref<1x2x112xi32, #tpu.memory_space<hbm>> -> memref<2x112xi32, #tpu.memory_space<hbm>>
          %dma_wait3A_355 = arith.constant 0 : i32
          %dma_wait3A_356 = arith.constant 0 : i32
          %dma_wait3A_357 = tpu.memref_slice %arg5[%run_scoped3A_316, %dma_wait3A_355, %dma_wait3A_356] : memref<3x2x112xi32, #tpu.memory_space<vmem>> -> memref<1x2x112xi32, #tpu.memory_space<vmem>>
          %dma_wait3A_358 = tpu.memref_squeeze %dma_wait3A_357 : memref<1x2x112xi32, #tpu.memory_space<vmem>> -> memref<2x112xi32, #tpu.memory_space<vmem>>
          %dma_wait3A_359 = arith.constant 0 : i32
          %dma_wait3A_360 = arith.constant 0 : i32
          %dma_wait3A_361 = tpu.memref_slice %arg2[%add3A_315, %dma_wait3A_359, %dma_wait3A_360] : memref<2976x2x112xi32, #tpu.memory_space<hbm>> -> memref<1x2x112xi32, #tpu.memory_space<hbm>>
          %dma_wait3A_362 = tpu.memref_squeeze %dma_wait3A_361 : memref<1x2x112xi32, #tpu.memory_space<hbm>> -> memref<2x112xi32, #tpu.memory_space<hbm>>
          tpu.wait_dma2 semaphore(%run_scoped3A_330 : memref<!tpu.dma_semaphore, #tpu.memory_space<semaphore_mem>>) src(%dma_wait3A_362 : memref<2x112xi32, #tpu.memory_space<hbm>>) dst(%dma_wait3A_358 : memref<2x112xi32, #tpu.memory_space<vmem>>)
          tpu.yield
        }) : () -> ()
        %dma_start3A_317 = arith.constant 1 : i32
        %dma_start3A_318 = arith.constant 0 : i32
        %dma_start3A_319 = arith.constant 1 : i32
        %dma_start3A_320 = arith.constant 0 : i32
        %dma_start3A_321 = arith.constant 0 : i32
        %dma_start3A_322 = tpu.memref_slice %arg6[%dma_start3A_319, %dma_start3A_320, %dma_start3A_321] : memref<3x112x128xf32, #tpu.memory_space<vmem>> -> memref<1x112x128xf32, #tpu.memory_space<vmem>>
        %dma_start3A_323 = tpu.memref_squeeze %dma_start3A_322 : memref<1x112x128xf32, #tpu.memory_space<vmem>> -> memref<112x128xf32, #tpu.memory_space<vmem>>
        %dma_start3A_324 = arith.constant 0 : i32
        %dma_start3A_325 = tpu.memref_slice %arg5[%dma_start3A_317, %dma_start3A_318, %dma_start3A_324] : memref<3x2x112xi32, #tpu.memory_space<vmem>> -> memref<1x1x112xi32, #tpu.memory_space<vmem>>
        %dma_start3A_326 = tpu.memref_squeeze %dma_start3A_325 : memref<1x1x112xi32, #tpu.memory_space<vmem>> -> memref<112xi32, #tpu.memory_space<vmem>>
        %dma_start3A_327 = arith.constant 0 : i32
        %dma_start3A_328 = arith.constant 0 : i32
        %dma_start3A_329 = tpu.memref_slice %arg3[%dma_start3A_327, %dma_start3A_328] : memref<10240x128xf32, #tpu.memory_space<hbm>> -> memref<10240x128xf32, #tpu.memory_space<hbm>>
        tpu.enqueue_indirect_dma source(%dma_start3A_329 : memref<10240x128xf32, #tpu.memory_space<hbm>>) target(%dma_start3A_323 : memref<112x128xf32, #tpu.memory_space<vmem>>) offsets(%dma_start3A_326 : memref<112xi32, #tpu.memory_space<vmem>>) semaphore(%arg9 : memref<!tpu.dma_semaphore, #tpu.memory_space<semaphore_mem>>)
      }
      %scan3A_86 = arith.constant 40 : i32
      %dma_wait3A = arith.constant 0 : i32
      %dma_wait3A_87 = arith.constant 0 : i32
      %dma_wait3A_88 = arith.constant 0 : i32
      %dma_wait3A_89 = tpu.memref_slice %arg6[%dma_wait3A, %dma_wait3A_87, %dma_wait3A_88] : memref<3x112x128xf32, #tpu.memory_space<vmem>> -> memref<1x112x128xf32, #tpu.memory_space<vmem>>
      %dma_wait3A_90 = tpu.memref_squeeze %dma_wait3A_89 : memref<1x112x128xf32, #tpu.memory_space<vmem>> -> memref<112x128xf32, #tpu.memory_space<vmem>>
      %dma_wait3A_91 = arith.constant 0 : i32
      %dma_wait3A_92 = arith.constant 0 : i32
      %dma_wait3A_93 = tpu.memref_slice %arg3[%dma_wait3A_91, %dma_wait3A_92] : memref<10240x128xf32, #tpu.memory_space<hbm>> -> memref<112x128xf32, #tpu.memory_space<hbm>>
      %dma_wait3A_94 = arith.constant 0 : i32
      %dma_wait3A_95 = arith.constant 0 : i32
      %dma_wait3A_96 = tpu.memref_slice %arg6[%dma_wait3A, %dma_wait3A_94, %dma_wait3A_95] : memref<3x112x128xf32, #tpu.memory_space<vmem>> -> memref<1x112x128xf32, #tpu.memory_space<vmem>>
      %dma_wait3A_97 = tpu.memref_squeeze %dma_wait3A_96 : memref<1x112x128xf32, #tpu.memory_space<vmem>> -> memref<112x128xf32, #tpu.memory_space<vmem>>
      %dma_wait3A_98 = arith.constant 0 : i32
      %dma_wait3A_99 = arith.constant 0 : i32
      %dma_wait3A_100 = tpu.memref_slice %arg3[%dma_wait3A_98, %dma_wait3A_99] : memref<10240x128xf32, #tpu.memory_space<hbm>> -> memref<112x128xf32, #tpu.memory_space<hbm>>
      tpu.wait_dma2 semaphore(%arg8 : memref<!tpu.dma_semaphore, #tpu.memory_space<semaphore_mem>>) src(%dma_wait3A_100 : memref<112x128xf32, #tpu.memory_space<hbm>>) dst(%dma_wait3A_97 : memref<112x128xf32, #tpu.memory_space<vmem>>)
      %dma_wait3A_101 = arith.constant 1 : i32
      %dma_wait3A_102 = arith.constant 0 : i32
      %dma_wait3A_103 = arith.constant 0 : i32
      %dma_wait3A_104 = tpu.memref_slice %arg6[%dma_wait3A_101, %dma_wait3A_102, %dma_wait3A_103] : memref<3x112x128xf32, #tpu.memory_space<vmem>> -> memref<1x112x128xf32, #tpu.memory_space<vmem>>
      %dma_wait3A_105 = tpu.memref_squeeze %dma_wait3A_104 : memref<1x112x128xf32, #tpu.memory_space<vmem>> -> memref<112x128xf32, #tpu.memory_space<vmem>>
      %dma_wait3A_106 = arith.constant 0 : i32
      %dma_wait3A_107 = arith.constant 0 : i32
      %dma_wait3A_108 = tpu.memref_slice %arg3[%dma_wait3A_106, %dma_wait3A_107] : memref<10240x128xf32, #tpu.memory_space<hbm>> -> memref<112x128xf32, #tpu.memory_space<hbm>>
      %dma_wait3A_109 = arith.constant 0 : i32
      %dma_wait3A_110 = arith.constant 0 : i32
      %dma_wait3A_111 = tpu.memref_slice %arg6[%dma_wait3A_101, %dma_wait3A_109, %dma_wait3A_110] : memref<3x112x128xf32, #tpu.memory_space<vmem>> -> memref<1x112x128xf32, #tpu.memory_space<vmem>>
      %dma_wait3A_112 = tpu.memref_squeeze %dma_wait3A_111 : memref<1x112x128xf32, #tpu.memory_space<vmem>> -> memref<112x128xf32, #tpu.memory_space<vmem>>
      %dma_wait3A_113 = arith.constant 0 : i32
      %dma_wait3A_114 = arith.constant 0 : i32
      %dma_wait3A_115 = tpu.memref_slice %arg3[%dma_wait3A_113, %dma_wait3A_114] : memref<10240x128xf32, #tpu.memory_space<hbm>> -> memref<112x128xf32, #tpu.memory_space<hbm>>
      tpu.wait_dma2 semaphore(%arg9 : memref<!tpu.dma_semaphore, #tpu.memory_space<semaphore_mem>>) src(%dma_wait3A_115 : memref<112x128xf32, #tpu.memory_space<hbm>>) dst(%dma_wait3A_112 : memref<112x128xf32, #tpu.memory_space<vmem>>)
      %dma_wait3A_116 = arith.constant 2 : i32
      %dma_wait3A_117 = arith.constant 0 : i32
      %dma_wait3A_118 = arith.constant 0 : i32
      %dma_wait3A_119 = tpu.memref_slice %arg6[%dma_wait3A_116, %dma_wait3A_117, %dma_wait3A_118] : memref<3x112x128xf32, #tpu.memory_space<vmem>> -> memref<1x112x128xf32, #tpu.memory_space<vmem>>
      %dma_wait3A_120 = tpu.memref_squeeze %dma_wait3A_119 : memref<1x112x128xf32, #tpu.memory_space<vmem>> -> memref<112x128xf32, #tpu.memory_space<vmem>>
      %dma_wait3A_121 = arith.constant 0 : i32
      %dma_wait3A_122 = arith.constant 0 : i32
      %dma_wait3A_123 = tpu.memref_slice %arg3[%dma_wait3A_121, %dma_wait3A_122] : memref<10240x128xf32, #tpu.memory_space<hbm>> -> memref<112x128xf32, #tpu.memory_space<hbm>>
      %dma_wait3A_124 = arith.constant 0 : i32
      %dma_wait3A_125 = arith.constant 0 : i32
      %dma_wait3A_126 = tpu.memref_slice %arg6[%dma_wait3A_116, %dma_wait3A_124, %dma_wait3A_125] : memref<3x112x128xf32, #tpu.memory_space<vmem>> -> memref<1x112x128xf32, #tpu.memory_space<vmem>>
      %dma_wait3A_127 = tpu.memref_squeeze %dma_wait3A_126 : memref<1x112x128xf32, #tpu.memory_space<vmem>> -> memref<112x128xf32, #tpu.memory_space<vmem>>
      %dma_wait3A_128 = arith.constant 0 : i32
      %dma_wait3A_129 = arith.constant 0 : i32
      %dma_wait3A_130 = tpu.memref_slice %arg3[%dma_wait3A_128, %dma_wait3A_129] : memref<10240x128xf32, #tpu.memory_space<hbm>> -> memref<112x128xf32, #tpu.memory_space<hbm>>
      tpu.wait_dma2 semaphore(%arg13 : memref<!tpu.dma_semaphore, #tpu.memory_space<semaphore_mem>>) src(%dma_wait3A_130 : memref<112x128xf32, #tpu.memory_space<hbm>>) dst(%dma_wait3A_127 : memref<112x128xf32, #tpu.memory_space<vmem>>)
      %barrier3A_131 = arith.constant 0 : index
      tpu.barrier barrier_id(%barrier3A_131)
    } else {
    }
    %eq3A_27 = arith.constant 1 : i32
    %eq3A_28 = arith.cmpi eq, %arg0, %eq3A_27 : i32
    %convert_element_type3A_29 = arith.extui %eq3A_28 : i1 to i32
    %cond3A_30 = arith.constant 0 : i32
    %cond3A_31 = arith.cmpi ne, %convert_element_type3A_29, %cond3A_30 : i32
    scf.if %cond3A_31 {
      %mul3A_32 = arith.constant 186 : i32
      %mul3A_33 = arith.muli %arg1, %mul3A_32 : i32
      %add3A_34 = arith.constant 120 : i32
      %add3A_35 = arith.addi %mul3A_33, %add3A_34 : i32
      %add3A_36 = arith.constant 0 : i32
      %add3A_37 = arith.addi %add3A_35, %add3A_36 : i32
      %run_scoped3A_38 = arith.constant 0 : i32
      "tpu.region"() ({
        %run_scoped3A_134 = tpu.sem_alloc : memref<!tpu.dma_semaphore, #tpu.memory_space<semaphore_mem>>
        %dma_start3A_135 = arith.constant 0 : i32
        %dma_start3A_136 = arith.constant 0 : i32
        %dma_start3A_137 = tpu.memref_slice %arg5[%run_scoped3A_38, %dma_start3A_135, %dma_start3A_136] : memref<3x2x112xi32, #tpu.memory_space<vmem>> -> memref<1x2x112xi32, #tpu.memory_space<vmem>>
        %dma_start3A_138 = tpu.memref_squeeze %dma_start3A_137 : memref<1x2x112xi32, #tpu.memory_space<vmem>> -> memref<2x112xi32, #tpu.memory_space<vmem>>
        %dma_start3A_139 = arith.constant 0 : i32
        %dma_start3A_140 = arith.constant 0 : i32
        %dma_start3A_141 = tpu.memref_slice %arg2[%add3A_37, %dma_start3A_139, %dma_start3A_140] : memref<2976x2x112xi32, #tpu.memory_space<hbm>> -> memref<1x2x112xi32, #tpu.memory_space<hbm>>
        %dma_start3A_142 = tpu.memref_squeeze %dma_start3A_141 : memref<1x2x112xi32, #tpu.memory_space<hbm>> -> memref<2x112xi32, #tpu.memory_space<hbm>>
        %dma_start3A_143 = arith.constant 0 : i32
        %dma_start3A_144 = arith.constant 0 : i32
        %dma_start3A_145 = tpu.memref_slice %arg5[%run_scoped3A_38, %dma_start3A_143, %dma_start3A_144] : memref<3x2x112xi32, #tpu.memory_space<vmem>> -> memref<1x2x112xi32, #tpu.memory_space<vmem>>
        %dma_start3A_146 = tpu.memref_squeeze %dma_start3A_145 : memref<1x2x112xi32, #tpu.memory_space<vmem>> -> memref<2x112xi32, #tpu.memory_space<vmem>>
        %dma_start3A_147 = arith.constant 0 : i32
        %dma_start3A_148 = arith.constant 0 : i32
        %dma_start3A_149 = tpu.memref_slice %arg2[%add3A_37, %dma_start3A_147, %dma_start3A_148] : memref<2976x2x112xi32, #tpu.memory_space<hbm>> -> memref<1x2x112xi32, #tpu.memory_space<hbm>>
        %dma_start3A_150 = tpu.memref_squeeze %dma_start3A_149 : memref<1x2x112xi32, #tpu.memory_space<hbm>> -> memref<2x112xi32, #tpu.memory_space<hbm>>
        tpu.enqueue_dma source(%dma_start3A_150 : memref<2x112xi32, #tpu.memory_space<hbm>>) target(%dma_start3A_146 : memref<2x112xi32, #tpu.memory_space<vmem>>) target_semaphore(%run_scoped3A_134 : memref<!tpu.dma_semaphore, #tpu.memory_space<semaphore_mem>>)
        %dma_wait3A_151 = arith.constant 0 : i32
        %dma_wait3A_152 = arith.constant 0 : i32
        %dma_wait3A_153 = tpu.memref_slice %arg5[%run_scoped3A_38, %dma_wait3A_151, %dma_wait3A_152] : memref<3x2x112xi32, #tpu.memory_space<vmem>> -> memref<1x2x112xi32, #tpu.memory_space<vmem>>
        %dma_wait3A_154 = tpu.memref_squeeze %dma_wait3A_153 : memref<1x2x112xi32, #tpu.memory_space<vmem>> -> memref<2x112xi32, #tpu.memory_space<vmem>>
        %dma_wait3A_155 = arith.constant 0 : i32
        %dma_wait3A_156 = arith.constant 0 : i32
        %dma_wait3A_157 = tpu.memref_slice %arg2[%add3A_37, %dma_wait3A_155, %dma_wait3A_156] : memref<2976x2x112xi32, #tpu.memory_space<hbm>> -> memref<1x2x112xi32, #tpu.memory_space<hbm>>
        %dma_wait3A_158 = tpu.memref_squeeze %dma_wait3A_157 : memref<1x2x112xi32, #tpu.memory_space<hbm>> -> memref<2x112xi32, #tpu.memory_space<hbm>>
        %dma_wait3A_159 = arith.constant 0 : i32
        %dma_wait3A_160 = arith.constant 0 : i32
        %dma_wait3A_161 = tpu.memref_slice %arg5[%run_scoped3A_38, %dma_wait3A_159, %dma_wait3A_160] : memref<3x2x112xi32, #tpu.memory_space<vmem>> -> memref<1x2x112xi32, #tpu.memory_space<vmem>>
        %dma_wait3A_162 = tpu.memref_squeeze %dma_wait3A_161 : memref<1x2x112xi32, #tpu.memory_space<vmem>> -> memref<2x112xi32, #tpu.memory_space<vmem>>
        %dma_wait3A_163 = arith.constant 0 : i32
        %dma_wait3A_164 = arith.constant 0 : i32
        %dma_wait3A_165 = tpu.memref_slice %arg2[%add3A_37, %dma_wait3A_163, %dma_wait3A_164] : memref<2976x2x112xi32, #tpu.memory_space<hbm>> -> memref<1x2x112xi32, #tpu.memory_space<hbm>>
        %dma_wait3A_166 = tpu.memref_squeeze %dma_wait3A_165 : memref<1x2x112xi32, #tpu.memory_space<hbm>> -> memref<2x112xi32, #tpu.memory_space<hbm>>
        tpu.wait_dma2 semaphore(%run_scoped3A_134 : memref<!tpu.dma_semaphore, #tpu.memory_space<semaphore_mem>>) src(%dma_wait3A_166 : memref<2x112xi32, #tpu.memory_space<hbm>>) dst(%dma_wait3A_162 : memref<2x112xi32, #tpu.memory_space<vmem>>)
        tpu.yield
      }) : () -> ()
      %add3A_39 = arith.constant 1 : i32
      %add3A_40 = arith.addi %add3A_35, %add3A_39 : i32
      %run_scoped3A_41 = arith.constant 1 : i32
      "tpu.region"() ({
        %run_scoped3A_134 = tpu.sem_alloc : memref<!tpu.dma_semaphore, #tpu.memory_space<semaphore_mem>>
        %dma_start3A_135 = arith.constant 0 : i32
        %dma_start3A_136 = arith.constant 0 : i32
        %dma_start3A_137 = tpu.memref_slice %arg5[%run_scoped3A_41, %dma_start3A_135, %dma_start3A_136] : memref<3x2x112xi32, #tpu.memory_space<vmem>> -> memref<1x2x112xi32, #tpu.memory_space<vmem>>
        %dma_start3A_138 = tpu.memref_squeeze %dma_start3A_137 : memref<1x2x112xi32, #tpu.memory_space<vmem>> -> memref<2x112xi32, #tpu.memory_space<vmem>>
        %dma_start3A_139 = arith.constant 0 : i32
        %dma_start3A_140 = arith.constant 0 : i32
        %dma_start3A_141 = tpu.memref_slice %arg2[%add3A_40, %dma_start3A_139, %dma_start3A_140] : memref<2976x2x112xi32, #tpu.memory_space<hbm>> -> memref<1x2x112xi32, #tpu.memory_space<hbm>>
        %dma_start3A_142 = tpu.memref_squeeze %dma_start3A_141 : memref<1x2x112xi32, #tpu.memory_space<hbm>> -> memref<2x112xi32, #tpu.memory_space<hbm>>
        %dma_start3A_143 = arith.constant 0 : i32
        %dma_start3A_144 = arith.constant 0 : i32
        %dma_start3A_145 = tpu.memref_slice %arg5[%run_scoped3A_41, %dma_start3A_143, %dma_start3A_144] : memref<3x2x112xi32, #tpu.memory_space<vmem>> -> memref<1x2x112xi32, #tpu.memory_space<vmem>>
        %dma_start3A_146 = tpu.memref_squeeze %dma_start3A_145 : memref<1x2x112xi32, #tpu.memory_space<vmem>> -> memref<2x112xi32, #tpu.memory_space<vmem>>
        %dma_start3A_147 = arith.constant 0 : i32
        %dma_start3A_148 = arith.constant 0 : i32
        %dma_start3A_149 = tpu.memref_slice %arg2[%add3A_40, %dma_start3A_147, %dma_start3A_148] : memref<2976x2x112xi32, #tpu.memory_space<hbm>> -> memref<1x2x112xi32, #tpu.memory_space<hbm>>
        %dma_start3A_150 = tpu.memref_squeeze %dma_start3A_149 : memref<1x2x112xi32, #tpu.memory_space<hbm>> -> memref<2x112xi32, #tpu.memory_space<hbm>>
        tpu.enqueue_dma source(%dma_start3A_150 : memref<2x112xi32, #tpu.memory_space<hbm>>) target(%dma_start3A_146 : memref<2x112xi32, #tpu.memory_space<vmem>>) target_semaphore(%run_scoped3A_134 : memref<!tpu.dma_semaphore, #tpu.memory_space<semaphore_mem>>)
        %dma_wait3A_151 = arith.constant 0 : i32
        %dma_wait3A_152 = arith.constant 0 : i32
        %dma_wait3A_153 = tpu.memref_slice %arg5[%run_scoped3A_41, %dma_wait3A_151, %dma_wait3A_152] : memref<3x2x112xi32, #tpu.memory_space<vmem>> -> memref<1x2x112xi32, #tpu.memory_space<vmem>>
        %dma_wait3A_154 = tpu.memref_squeeze %dma_wait3A_153 : memref<1x2x112xi32, #tpu.memory_space<vmem>> -> memref<2x112xi32, #tpu.memory_space<vmem>>
        %dma_wait3A_155 = arith.constant 0 : i32
        %dma_wait3A_156 = arith.constant 0 : i32
        %dma_wait3A_157 = tpu.memref_slice %arg2[%add3A_40, %dma_wait3A_155, %dma_wait3A_156] : memref<2976x2x112xi32, #tpu.memory_space<hbm>> -> memref<1x2x112xi32, #tpu.memory_space<hbm>>
        %dma_wait3A_158 = tpu.memref_squeeze %dma_wait3A_157 : memref<1x2x112xi32, #tpu.memory_space<hbm>> -> memref<2x112xi32, #tpu.memory_space<hbm>>
        %dma_wait3A_159 = arith.constant 0 : i32
        %dma_wait3A_160 = arith.constant 0 : i32
        %dma_wait3A_161 = tpu.memref_slice %arg5[%run_scoped3A_41, %dma_wait3A_159, %dma_wait3A_160] : memref<3x2x112xi32, #tpu.memory_space<vmem>> -> memref<1x2x112xi32, #tpu.memory_space<vmem>>
        %dma_wait3A_162 = tpu.memref_squeeze %dma_wait3A_161 : memref<1x2x112xi32, #tpu.memory_space<vmem>> -> memref<2x112xi32, #tpu.memory_space<vmem>>
        %dma_wait3A_163 = arith.constant 0 : i32
        %dma_wait3A_164 = arith.constant 0 : i32
        %dma_wait3A_165 = tpu.memref_slice %arg2[%add3A_40, %dma_wait3A_163, %dma_wait3A_164] : memref<2976x2x112xi32, #tpu.memory_space<hbm>> -> memref<1x2x112xi32, #tpu.memory_space<hbm>>
        %dma_wait3A_166 = tpu.memref_squeeze %dma_wait3A_165 : memref<1x2x112xi32, #tpu.memory_space<hbm>> -> memref<2x112xi32, #tpu.memory_space<hbm>>
        tpu.wait_dma2 semaphore(%run_scoped3A_134 : memref<!tpu.dma_semaphore, #tpu.memory_space<semaphore_mem>>) src(%dma_wait3A_166 : memref<2x112xi32, #tpu.memory_space<hbm>>) dst(%dma_wait3A_162 : memref<2x112xi32, #tpu.memory_space<vmem>>)
        tpu.yield
      }) : () -> ()
      %add3A_42 = arith.constant 2 : i32
      %add3A_43 = arith.addi %add3A_35, %add3A_42 : i32
      %run_scoped3A_44 = arith.constant 2 : i32
      "tpu.region"() ({
        %run_scoped3A_134 = tpu.sem_alloc : memref<!tpu.dma_semaphore, #tpu.memory_space<semaphore_mem>>
        %dma_start3A_135 = arith.constant 0 : i32
        %dma_start3A_136 = arith.constant 0 : i32
        %dma_start3A_137 = tpu.memref_slice %arg5[%run_scoped3A_44, %dma_start3A_135, %dma_start3A_136] : memref<3x2x112xi32, #tpu.memory_space<vmem>> -> memref<1x2x112xi32, #tpu.memory_space<vmem>>
        %dma_start3A_138 = tpu.memref_squeeze %dma_start3A_137 : memref<1x2x112xi32, #tpu.memory_space<vmem>> -> memref<2x112xi32, #tpu.memory_space<vmem>>
        %dma_start3A_139 = arith.constant 0 : i32
        %dma_start3A_140 = arith.constant 0 : i32
        %dma_start3A_141 = tpu.memref_slice %arg2[%add3A_43, %dma_start3A_139, %dma_start3A_140] : memref<2976x2x112xi32, #tpu.memory_space<hbm>> -> memref<1x2x112xi32, #tpu.memory_space<hbm>>
        %dma_start3A_142 = tpu.memref_squeeze %dma_start3A_141 : memref<1x2x112xi32, #tpu.memory_space<hbm>> -> memref<2x112xi32, #tpu.memory_space<hbm>>
        %dma_start3A_143 = arith.constant 0 : i32
        %dma_start3A_144 = arith.constant 0 : i32
        %dma_start3A_145 = tpu.memref_slice %arg5[%run_scoped3A_44, %dma_start3A_143, %dma_start3A_144] : memref<3x2x112xi32, #tpu.memory_space<vmem>> -> memref<1x2x112xi32, #tpu.memory_space<vmem>>
        %dma_start3A_146 = tpu.memref_squeeze %dma_start3A_145 : memref<1x2x112xi32, #tpu.memory_space<vmem>> -> memref<2x112xi32, #tpu.memory_space<vmem>>
        %dma_start3A_147 = arith.constant 0 : i32
        %dma_start3A_148 = arith.constant 0 : i32
        %dma_start3A_149 = tpu.memref_slice %arg2[%add3A_43, %dma_start3A_147, %dma_start3A_148] : memref<2976x2x112xi32, #tpu.memory_space<hbm>> -> memref<1x2x112xi32, #tpu.memory_space<hbm>>
        %dma_start3A_150 = tpu.memref_squeeze %dma_start3A_149 : memref<1x2x112xi32, #tpu.memory_space<hbm>> -> memref<2x112xi32, #tpu.memory_space<hbm>>
        tpu.enqueue_dma source(%dma_start3A_150 : memref<2x112xi32, #tpu.memory_space<hbm>>) target(%dma_start3A_146 : memref<2x112xi32, #tpu.memory_space<vmem>>) target_semaphore(%run_scoped3A_134 : memref<!tpu.dma_semaphore, #tpu.memory_space<semaphore_mem>>)
        %dma_wait3A_151 = arith.constant 0 : i32
        %dma_wait3A_152 = arith.constant 0 : i32
        %dma_wait3A_153 = tpu.memref_slice %arg5[%run_scoped3A_44, %dma_wait3A_151, %dma_wait3A_152] : memref<3x2x112xi32, #tpu.memory_space<vmem>> -> memref<1x2x112xi32, #tpu.memory_space<vmem>>
        %dma_wait3A_154 = tpu.memref_squeeze %dma_wait3A_153 : memref<1x2x112xi32, #tpu.memory_space<vmem>> -> memref<2x112xi32, #tpu.memory_space<vmem>>
        %dma_wait3A_155 = arith.constant 0 : i32
        %dma_wait3A_156 = arith.constant 0 : i32
        %dma_wait3A_157 = tpu.memref_slice %arg2[%add3A_43, %dma_wait3A_155, %dma_wait3A_156] : memref<2976x2x112xi32, #tpu.memory_space<hbm>> -> memref<1x2x112xi32, #tpu.memory_space<hbm>>
        %dma_wait3A_158 = tpu.memref_squeeze %dma_wait3A_157 : memref<1x2x112xi32, #tpu.memory_space<hbm>> -> memref<2x112xi32, #tpu.memory_space<hbm>>
        %dma_wait3A_159 = arith.constant 0 : i32
        %dma_wait3A_160 = arith.constant 0 : i32
        %dma_wait3A_161 = tpu.memref_slice %arg5[%run_scoped3A_44, %dma_wait3A_159, %dma_wait3A_160] : memref<3x2x112xi32, #tpu.memory_space<vmem>> -> memref<1x2x112xi32, #tpu.memory_space<vmem>>
        %dma_wait3A_162 = tpu.memref_squeeze %dma_wait3A_161 : memref<1x2x112xi32, #tpu.memory_space<vmem>> -> memref<2x112xi32, #tpu.memory_space<vmem>>
        %dma_wait3A_163 = arith.constant 0 : i32
        %dma_wait3A_164 = arith.constant 0 : i32
        %dma_wait3A_165 = tpu.memref_slice %arg2[%add3A_43, %dma_wait3A_163, %dma_wait3A_164] : memref<2976x2x112xi32, #tpu.memory_space<hbm>> -> memref<1x2x112xi32, #tpu.memory_space<hbm>>
        %dma_wait3A_166 = tpu.memref_squeeze %dma_wait3A_165 : memref<1x2x112xi32, #tpu.memory_space<hbm>> -> memref<2x112xi32, #tpu.memory_space<hbm>>
        tpu.wait_dma2 semaphore(%run_scoped3A_134 : memref<!tpu.dma_semaphore, #tpu.memory_space<semaphore_mem>>) src(%dma_wait3A_166 : memref<2x112xi32, #tpu.memory_space<hbm>>) dst(%dma_wait3A_162 : memref<2x112xi32, #tpu.memory_space<vmem>>)
        tpu.yield
      }) : () -> ()
      %dma_start3A = arith.constant 0 : i32
      %dma_start3A_45 = arith.constant 0 : i32
      %dma_start3A_46 = arith.constant 0 : i32
      %dma_start3A_47 = arith.constant 0 : i32
      %dma_start3A_48 = arith.constant 0 : i32
      %dma_start3A_49 = tpu.memref_slice %arg6[%dma_start3A_46, %dma_start3A_47, %dma_start3A_48] : memref<3x112x128xf32, #tpu.memory_space<vmem>> -> memref<1x112x128xf32, #tpu.memory_space<vmem>>
      %dma_start3A_50 = tpu.memref_squeeze %dma_start3A_49 : memref<1x112x128xf32, #tpu.memory_space<vmem>> -> memref<112x128xf32, #tpu.memory_space<vmem>>
      %dma_start3A_51 = arith.constant 0 : i32
      %dma_start3A_52 = tpu.memref_slice %arg5[%dma_start3A, %dma_start3A_45, %dma_start3A_51] : memref<3x2x112xi32, #tpu.memory_space<vmem>> -> memref<1x1x112xi32, #tpu.memory_space<vmem>>
      %dma_start3A_53 = tpu.memref_squeeze %dma_start3A_52 : memref<1x1x112xi32, #tpu.memory_space<vmem>> -> memref<112xi32, #tpu.memory_space<vmem>>
      %dma_start3A_54 = arith.constant 0 : i32
      %dma_start3A_55 = arith.constant 0 : i32
      %dma_start3A_56 = tpu.memref_slice %arg3[%dma_start3A_54, %dma_start3A_55] : memref<10240x128xf32, #tpu.memory_space<hbm>> -> memref<10240x128xf32, #tpu.memory_space<hbm>>
      tpu.enqueue_indirect_dma source(%dma_start3A_56 : memref<10240x128xf32, #tpu.memory_space<hbm>>) target(%dma_start3A_50 : memref<112x128xf32, #tpu.memory_space<vmem>>) offsets(%dma_start3A_53 : memref<112xi32, #tpu.memory_space<vmem>>) semaphore(%arg8 : memref<!tpu.dma_semaphore, #tpu.memory_space<semaphore_mem>>)
      %dma_start3A_57 = arith.constant 1 : i32
      %dma_start3A_58 = arith.constant 0 : i32
      %dma_start3A_59 = arith.constant 1 : i32
      %dma_start3A_60 = arith.constant 0 : i32
      %dma_start3A_61 = arith.constant 0 : i32
      %dma_start3A_62 = tpu.memref_slice %arg6[%dma_start3A_59, %dma_start3A_60, %dma_start3A_61] : memref<3x112x128xf32, #tpu.memory_space<vmem>> -> memref<1x112x128xf32, #tpu.memory_space<vmem>>
      %dma_start3A_63 = tpu.memref_squeeze %dma_start3A_62 : memref<1x112x128xf32, #tpu.memory_space<vmem>> -> memref<112x128xf32, #tpu.memory_space<vmem>>
      %dma_start3A_64 = arith.constant 0 : i32
      %dma_start3A_65 = tpu.memref_slice %arg5[%dma_start3A_57, %dma_start3A_58, %dma_start3A_64] : memref<3x2x112xi32, #tpu.memory_space<vmem>> -> memref<1x1x112xi32, #tpu.memory_space<vmem>>
      %dma_start3A_66 = tpu.memref_squeeze %dma_start3A_65 : memref<1x1x112xi32, #tpu.memory_space<vmem>> -> memref<112xi32, #tpu.memory_space<vmem>>
      %dma_start3A_67 = arith.constant 0 : i32
      %dma_start3A_68 = arith.constant 0 : i32
      %dma_start3A_69 = tpu.memref_slice %arg3[%dma_start3A_67, %dma_start3A_68] : memref<10240x128xf32, #tpu.memory_space<hbm>> -> memref<10240x128xf32, #tpu.memory_space<hbm>>
      tpu.enqueue_indirect_dma source(%dma_start3A_69 : memref<10240x128xf32, #tpu.memory_space<hbm>>) target(%dma_start3A_63 : memref<112x128xf32, #tpu.memory_space<vmem>>) offsets(%dma_start3A_66 : memref<112xi32, #tpu.memory_space<vmem>>) semaphore(%arg9 : memref<!tpu.dma_semaphore, #tpu.memory_space<semaphore_mem>>)
      %dma_start3A_70 = arith.constant 2 : i32
      %dma_start3A_71 = arith.constant 2 : i32
      %dma_start3A_72 = arith.constant 1 : i32
      %dma_start3A_73 = arith.constant 0 : i32
      %dma_start3A_74 = arith.constant 0 : i32
      %dma_start3A_75 = tpu.memref_slice %arg6[%dma_start3A_70, %dma_start3A_73, %dma_start3A_74] : memref<3x112x128xf32, #tpu.memory_space<vmem>> -> memref<1x112x128xf32, #tpu.memory_space<vmem>>
      %dma_start3A_76 = tpu.memref_squeeze %dma_start3A_75 : memref<1x112x128xf32, #tpu.memory_space<vmem>> -> memref<112x128xf32, #tpu.memory_space<vmem>>
      %dma_start3A_77 = arith.constant 0 : i32
      %dma_start3A_78 = tpu.memref_slice %arg5[%dma_start3A_71, %dma_start3A_72, %dma_start3A_77] : memref<3x2x112xi32, #tpu.memory_space<vmem>> -> memref<1x1x112xi32, #tpu.memory_space<vmem>>
      %dma_start3A_79 = tpu.memref_squeeze %dma_start3A_78 : memref<1x1x112xi32, #tpu.memory_space<vmem>> -> memref<112xi32, #tpu.memory_space<vmem>>
      %dma_start3A_80 = arith.constant 0 : i32
      %dma_start3A_81 = arith.constant 0 : i32
      %dma_start3A_82 = tpu.memref_slice %arg7[%dma_start3A_80, %dma_start3A_81] : memref<10240x128xf32, #tpu.memory_space<vmem_shared>> -> memref<10240x128xf32, #tpu.memory_space<vmem_shared>>
      tpu.enqueue_indirect_dma source(%dma_start3A_76 : memref<112x128xf32, #tpu.memory_space<vmem>>) target(%dma_start3A_82 : memref<10240x128xf32, #tpu.memory_space<vmem_shared>>) offsets(%dma_start3A_79 : memref<112xi32, #tpu.memory_space<vmem>>) semaphore(%arg13 : memref<!tpu.dma_semaphore, #tpu.memory_space<semaphore_mem>>) {add = true}
      %barrier3A = arith.constant 0 : index
      tpu.barrier barrier_id(%barrier3A)
      %scan3A_83 = arith.constant 0 : i32
      %scan3A_84 = arith.constant 0 : i32
      %scan3A_85 = arith.constant 22 : i32
      %scan3A_86 = arith.addi %scan3A_84, %scan3A_85 : i32
      %scan3A_87 = arith.constant 1 : i32
      scf.for %scan3A_134 = %scan3A_84 to %scan3A_86 step %scan3A_87  : i32 {
        %mul3A_135 = arith.constant 3 : i32
        %mul3A_136 = arith.muli %scan3A_134, %mul3A_135 : i32
        %add3A_137 = arith.constant 0 : i32
        %add3A_138 = arith.addi %mul3A_136, %add3A_137 : i32
        %dma_wait3A_139 = arith.constant 0 : i32
        %dma_wait3A_140 = arith.constant 0 : i32
        %dma_wait3A_141 = arith.constant 0 : i32
        %dma_wait3A_142 = tpu.memref_slice %arg6[%dma_wait3A_139, %dma_wait3A_140, %dma_wait3A_141] : memref<3x112x128xf32, #tpu.memory_space<vmem>> -> memref<1x112x128xf32, #tpu.memory_space<vmem>>
        %dma_wait3A_143 = tpu.memref_squeeze %dma_wait3A_142 : memref<1x112x128xf32, #tpu.memory_space<vmem>> -> memref<112x128xf32, #tpu.memory_space<vmem>>
        %dma_wait3A_144 = arith.constant 0 : i32
        %dma_wait3A_145 = arith.constant 0 : i32
        %dma_wait3A_146 = tpu.memref_slice %arg3[%dma_wait3A_144, %dma_wait3A_145] : memref<10240x128xf32, #tpu.memory_space<hbm>> -> memref<112x128xf32, #tpu.memory_space<hbm>>
        %dma_wait3A_147 = arith.constant 0 : i32
        %dma_wait3A_148 = arith.constant 0 : i32
        %dma_wait3A_149 = tpu.memref_slice %arg6[%dma_wait3A_139, %dma_wait3A_147, %dma_wait3A_148] : memref<3x112x128xf32, #tpu.memory_space<vmem>> -> memref<1x112x128xf32, #tpu.memory_space<vmem>>
        %dma_wait3A_150 = tpu.memref_squeeze %dma_wait3A_149 : memref<1x112x128xf32, #tpu.memory_space<vmem>> -> memref<112x128xf32, #tpu.memory_space<vmem>>
        %dma_wait3A_151 = arith.constant 0 : i32
        %dma_wait3A_152 = arith.constant 0 : i32
        %dma_wait3A_153 = tpu.memref_slice %arg3[%dma_wait3A_151, %dma_wait3A_152] : memref<10240x128xf32, #tpu.memory_space<hbm>> -> memref<112x128xf32, #tpu.memory_space<hbm>>
        tpu.wait_dma2 semaphore(%arg8 : memref<!tpu.dma_semaphore, #tpu.memory_space<semaphore_mem>>) src(%dma_wait3A_153 : memref<112x128xf32, #tpu.memory_space<hbm>>) dst(%dma_wait3A_150 : memref<112x128xf32, #tpu.memory_space<vmem>>)
        %dma_start3A_154 = arith.constant 0 : i32
        %dma_start3A_155 = arith.constant 0 : i32
        %dma_start3A_156 = arith.constant 1 : i32
        %dma_start3A_157 = arith.constant 0 : i32
        %dma_start3A_158 = arith.constant 0 : i32
        %dma_start3A_159 = tpu.memref_slice %arg6[%dma_start3A_154, %dma_start3A_157, %dma_start3A_158] : memref<3x112x128xf32, #tpu.memory_space<vmem>> -> memref<1x112x128xf32, #tpu.memory_space<vmem>>
        %dma_start3A_160 = tpu.memref_squeeze %dma_start3A_159 : memref<1x112x128xf32, #tpu.memory_space<vmem>> -> memref<112x128xf32, #tpu.memory_space<vmem>>
        %dma_start3A_161 = arith.constant 0 : i32
        %dma_start3A_162 = tpu.memref_slice %arg5[%dma_start3A_155, %dma_start3A_156, %dma_start3A_161] : memref<3x2x112xi32, #tpu.memory_space<vmem>> -> memref<1x1x112xi32, #tpu.memory_space<vmem>>
        %dma_start3A_163 = tpu.memref_squeeze %dma_start3A_162 : memref<1x1x112xi32, #tpu.memory_space<vmem>> -> memref<112xi32, #tpu.memory_space<vmem>>
        %dma_start3A_164 = arith.constant 0 : i32
        %dma_start3A_165 = arith.constant 0 : i32
        %dma_start3A_166 = tpu.memref_slice %arg7[%dma_start3A_164, %dma_start3A_165] : memref<10240x128xf32, #tpu.memory_space<vmem_shared>> -> memref<10240x128xf32, #tpu.memory_space<vmem_shared>>
        tpu.enqueue_indirect_dma source(%dma_start3A_160 : memref<112x128xf32, #tpu.memory_space<vmem>>) target(%dma_start3A_166 : memref<10240x128xf32, #tpu.memory_space<vmem_shared>>) offsets(%dma_start3A_163 : memref<112xi32, #tpu.memory_space<vmem>>) semaphore(%arg11 : memref<!tpu.dma_semaphore, #tpu.memory_space<semaphore_mem>>) {add = true}
        %dma_wait3A_167 = arith.constant 2 : i32
        %dma_wait3A_168 = arith.constant 0 : i32
        %dma_wait3A_169 = arith.constant 0 : i32
        %dma_wait3A_170 = tpu.memref_slice %arg6[%dma_wait3A_167, %dma_wait3A_168, %dma_wait3A_169] : memref<3x112x128xf32, #tpu.memory_space<vmem>> -> memref<1x112x128xf32, #tpu.memory_space<vmem>>
        %dma_wait3A_171 = tpu.memref_squeeze %dma_wait3A_170 : memref<1x112x128xf32, #tpu.memory_space<vmem>> -> memref<112x128xf32, #tpu.memory_space<vmem>>
        %dma_wait3A_172 = arith.constant 0 : i32
        %dma_wait3A_173 = arith.constant 0 : i32
        %dma_wait3A_174 = tpu.memref_slice %arg3[%dma_wait3A_172, %dma_wait3A_173] : memref<10240x128xf32, #tpu.memory_space<hbm>> -> memref<112x128xf32, #tpu.memory_space<hbm>>
        %dma_wait3A_175 = arith.constant 0 : i32
        %dma_wait3A_176 = arith.constant 0 : i32
        %dma_wait3A_177 = tpu.memref_slice %arg6[%dma_wait3A_167, %dma_wait3A_175, %dma_wait3A_176] : memref<3x112x128xf32, #tpu.memory_space<vmem>> -> memref<1x112x128xf32, #tpu.memory_space<vmem>>
        %dma_wait3A_178 = tpu.memref_squeeze %dma_wait3A_177 : memref<1x112x128xf32, #tpu.memory_space<vmem>> -> memref<112x128xf32, #tpu.memory_space<vmem>>
        %dma_wait3A_179 = arith.constant 0 : i32
        %dma_wait3A_180 = arith.constant 0 : i32
        %dma_wait3A_181 = tpu.memref_slice %arg3[%dma_wait3A_179, %dma_wait3A_180] : memref<10240x128xf32, #tpu.memory_space<hbm>> -> memref<112x128xf32, #tpu.memory_space<hbm>>
        tpu.wait_dma2 semaphore(%arg13 : memref<!tpu.dma_semaphore, #tpu.memory_space<semaphore_mem>>) src(%dma_wait3A_181 : memref<112x128xf32, #tpu.memory_space<hbm>>) dst(%dma_wait3A_178 : memref<112x128xf32, #tpu.memory_space<vmem>>)
        %add3A_182 = arith.constant 2 : i32
        %add3A_183 = arith.addi %add3A_138, %add3A_182 : i32
        %min3A = arith.constant 65 : i32
        %min3A_184 = arith.minsi %add3A_183, %min3A : i32
        %add3A_185 = arith.addi %add3A_35, %min3A_184 : i32
        %run_scoped3A_186 = arith.constant 2 : i32
        "tpu.region"() ({
          %run_scoped3A_332 = tpu.sem_alloc : memref<!tpu.dma_semaphore, #tpu.memory_space<semaphore_mem>>
          %dma_start3A_333 = arith.constant 0 : i32
          %dma_start3A_334 = arith.constant 0 : i32
          %dma_start3A_335 = tpu.memref_slice %arg5[%run_scoped3A_186, %dma_start3A_333, %dma_start3A_334] : memref<3x2x112xi32, #tpu.memory_space<vmem>> -> memref<1x2x112xi32, #tpu.memory_space<vmem>>
          %dma_start3A_336 = tpu.memref_squeeze %dma_start3A_335 : memref<1x2x112xi32, #tpu.memory_space<vmem>> -> memref<2x112xi32, #tpu.memory_space<vmem>>
          %dma_start3A_337 = arith.constant 0 : i32
          %dma_start3A_338 = arith.constant 0 : i32
          %dma_start3A_339 = tpu.memref_slice %arg2[%add3A_185, %dma_start3A_337, %dma_start3A_338] : memref<2976x2x112xi32, #tpu.memory_space<hbm>> -> memref<1x2x112xi32, #tpu.memory_space<hbm>>
          %dma_start3A_340 = tpu.memref_squeeze %dma_start3A_339 : memref<1x2x112xi32, #tpu.memory_space<hbm>> -> memref<2x112xi32, #tpu.memory_space<hbm>>
          %dma_start3A_341 = arith.constant 0 : i32
          %dma_start3A_342 = arith.constant 0 : i32
          %dma_start3A_343 = tpu.memref_slice %arg5[%run_scoped3A_186, %dma_start3A_341, %dma_start3A_342] : memref<3x2x112xi32, #tpu.memory_space<vmem>> -> memref<1x2x112xi32, #tpu.memory_space<vmem>>
          %dma_start3A_344 = tpu.memref_squeeze %dma_start3A_343 : memref<1x2x112xi32, #tpu.memory_space<vmem>> -> memref<2x112xi32, #tpu.memory_space<vmem>>
          %dma_start3A_345 = arith.constant 0 : i32
          %dma_start3A_346 = arith.constant 0 : i32
          %dma_start3A_347 = tpu.memref_slice %arg2[%add3A_185, %dma_start3A_345, %dma_start3A_346] : memref<2976x2x112xi32, #tpu.memory_space<hbm>> -> memref<1x2x112xi32, #tpu.memory_space<hbm>>
          %dma_start3A_348 = tpu.memref_squeeze %dma_start3A_347 : memref<1x2x112xi32, #tpu.memory_space<hbm>> -> memref<2x112xi32, #tpu.memory_space<hbm>>
          tpu.enqueue_dma source(%dma_start3A_348 : memref<2x112xi32, #tpu.memory_space<hbm>>) target(%dma_start3A_344 : memref<2x112xi32, #tpu.memory_space<vmem>>) target_semaphore(%run_scoped3A_332 : memref<!tpu.dma_semaphore, #tpu.memory_space<semaphore_mem>>)
          %dma_wait3A_349 = arith.constant 0 : i32
          %dma_wait3A_350 = arith.constant 0 : i32
          %dma_wait3A_351 = tpu.memref_slice %arg5[%run_scoped3A_186, %dma_wait3A_349, %dma_wait3A_350] : memref<3x2x112xi32, #tpu.memory_space<vmem>> -> memref<1x2x112xi32, #tpu.memory_space<vmem>>
          %dma_wait3A_352 = tpu.memref_squeeze %dma_wait3A_351 : memref<1x2x112xi32, #tpu.memory_space<vmem>> -> memref<2x112xi32, #tpu.memory_space<vmem>>
          %dma_wait3A_353 = arith.constant 0 : i32
          %dma_wait3A_354 = arith.constant 0 : i32
          %dma_wait3A_355 = tpu.memref_slice %arg2[%add3A_185, %dma_wait3A_353, %dma_wait3A_354] : memref<2976x2x112xi32, #tpu.memory_space<hbm>> -> memref<1x2x112xi32, #tpu.memory_space<hbm>>
          %dma_wait3A_356 = tpu.memref_squeeze %dma_wait3A_355 : memref<1x2x112xi32, #tpu.memory_space<hbm>> -> memref<2x112xi32, #tpu.memory_space<hbm>>
          %dma_wait3A_357 = arith.constant 0 : i32
          %dma_wait3A_358 = arith.constant 0 : i32
          %dma_wait3A_359 = tpu.memref_slice %arg5[%run_scoped3A_186, %dma_wait3A_357, %dma_wait3A_358] : memref<3x2x112xi32, #tpu.memory_space<vmem>> -> memref<1x2x112xi32, #tpu.memory_space<vmem>>
          %dma_wait3A_360 = tpu.memref_squeeze %dma_wait3A_359 : memref<1x2x112xi32, #tpu.memory_space<vmem>> -> memref<2x112xi32, #tpu.memory_space<vmem>>
          %dma_wait3A_361 = arith.constant 0 : i32
          %dma_wait3A_362 = arith.constant 0 : i32
          %dma_wait3A_363 = tpu.memref_slice %arg2[%add3A_185, %dma_wait3A_361, %dma_wait3A_362] : memref<2976x2x112xi32, #tpu.memory_space<hbm>> -> memref<1x2x112xi32, #tpu.memory_space<hbm>>
          %dma_wait3A_364 = tpu.memref_squeeze %dma_wait3A_363 : memref<1x2x112xi32, #tpu.memory_space<hbm>> -> memref<2x112xi32, #tpu.memory_space<hbm>>
          tpu.wait_dma2 semaphore(%run_scoped3A_332 : memref<!tpu.dma_semaphore, #tpu.memory_space<semaphore_mem>>) src(%dma_wait3A_364 : memref<2x112xi32, #tpu.memory_space<hbm>>) dst(%dma_wait3A_360 : memref<2x112xi32, #tpu.memory_space<vmem>>)
          tpu.yield
        }) : () -> ()
        %dma_start3A_187 = arith.constant 2 : i32
        %dma_start3A_188 = arith.constant 0 : i32
        %dma_start3A_189 = arith.constant 2 : i32
        %dma_start3A_190 = arith.constant 0 : i32
        %dma_start3A_191 = arith.constant 0 : i32
        %dma_start3A_192 = tpu.memref_slice %arg6[%dma_start3A_189, %dma_start3A_190, %dma_start3A_191] : memref<3x112x128xf32, #tpu.memory_space<vmem>> -> memref<1x112x128xf32, #tpu.memory_space<vmem>>
        %dma_start3A_193 = tpu.memref_squeeze %dma_start3A_192 : memref<1x112x128xf32, #tpu.memory_space<vmem>> -> memref<112x128xf32, #tpu.memory_space<vmem>>
        %dma_start3A_194 = arith.constant 0 : i32
        %dma_start3A_195 = tpu.memref_slice %arg5[%dma_start3A_187, %dma_start3A_188, %dma_start3A_194] : memref<3x2x112xi32, #tpu.memory_space<vmem>> -> memref<1x1x112xi32, #tpu.memory_space<vmem>>
        %dma_start3A_196 = tpu.memref_squeeze %dma_start3A_195 : memref<1x1x112xi32, #tpu.memory_space<vmem>> -> memref<112xi32, #tpu.memory_space<vmem>>
        %dma_start3A_197 = arith.constant 0 : i32
        %dma_start3A_198 = arith.constant 0 : i32
        %dma_start3A_199 = tpu.memref_slice %arg3[%dma_start3A_197, %dma_start3A_198] : memref<10240x128xf32, #tpu.memory_space<hbm>> -> memref<10240x128xf32, #tpu.memory_space<hbm>>
        tpu.enqueue_indirect_dma source(%dma_start3A_199 : memref<10240x128xf32, #tpu.memory_space<hbm>>) target(%dma_start3A_193 : memref<112x128xf32, #tpu.memory_space<vmem>>) offsets(%dma_start3A_196 : memref<112xi32, #tpu.memory_space<vmem>>) semaphore(%arg10 : memref<!tpu.dma_semaphore, #tpu.memory_space<semaphore_mem>>)
        %mul3A_200 = arith.constant 3 : i32
        %mul3A_201 = arith.muli %scan3A_134, %mul3A_200 : i32
        %add3A_202 = arith.constant 1 : i32
        %add3A_203 = arith.addi %mul3A_201, %add3A_202 : i32
        %dma_wait3A_204 = arith.constant 1 : i32
        %dma_wait3A_205 = arith.constant 0 : i32
        %dma_wait3A_206 = arith.constant 0 : i32
        %dma_wait3A_207 = tpu.memref_slice %arg6[%dma_wait3A_204, %dma_wait3A_205, %dma_wait3A_206] : memref<3x112x128xf32, #tpu.memory_space<vmem>> -> memref<1x112x128xf32, #tpu.memory_space<vmem>>
        %dma_wait3A_208 = tpu.memref_squeeze %dma_wait3A_207 : memref<1x112x128xf32, #tpu.memory_space<vmem>> -> memref<112x128xf32, #tpu.memory_space<vmem>>
        %dma_wait3A_209 = arith.constant 0 : i32
        %dma_wait3A_210 = arith.constant 0 : i32
        %dma_wait3A_211 = tpu.memref_slice %arg3[%dma_wait3A_209, %dma_wait3A_210] : memref<10240x128xf32, #tpu.memory_space<hbm>> -> memref<112x128xf32, #tpu.memory_space<hbm>>
        %dma_wait3A_212 = arith.constant 0 : i32
        %dma_wait3A_213 = arith.constant 0 : i32
        %dma_wait3A_214 = tpu.memref_slice %arg6[%dma_wait3A_204, %dma_wait3A_212, %dma_wait3A_213] : memref<3x112x128xf32, #tpu.memory_space<vmem>> -> memref<1x112x128xf32, #tpu.memory_space<vmem>>
        %dma_wait3A_215 = tpu.memref_squeeze %dma_wait3A_214 : memref<1x112x128xf32, #tpu.memory_space<vmem>> -> memref<112x128xf32, #tpu.memory_space<vmem>>
        %dma_wait3A_216 = arith.constant 0 : i32
        %dma_wait3A_217 = arith.constant 0 : i32
        %dma_wait3A_218 = tpu.memref_slice %arg3[%dma_wait3A_216, %dma_wait3A_217] : memref<10240x128xf32, #tpu.memory_space<hbm>> -> memref<112x128xf32, #tpu.memory_space<hbm>>
        tpu.wait_dma2 semaphore(%arg9 : memref<!tpu.dma_semaphore, #tpu.memory_space<semaphore_mem>>) src(%dma_wait3A_218 : memref<112x128xf32, #tpu.memory_space<hbm>>) dst(%dma_wait3A_215 : memref<112x128xf32, #tpu.memory_space<vmem>>)
        %dma_start3A_219 = arith.constant 1 : i32
        %dma_start3A_220 = arith.constant 1 : i32
        %dma_start3A_221 = arith.constant 1 : i32
        %dma_start3A_222 = arith.constant 0 : i32
        %dma_start3A_223 = arith.constant 0 : i32
        %dma_start3A_224 = tpu.memref_slice %arg6[%dma_start3A_219, %dma_start3A_222, %dma_start3A_223] : memref<3x112x128xf32, #tpu.memory_space<vmem>> -> memref<1x112x128xf32, #tpu.memory_space<vmem>>
        %dma_start3A_225 = tpu.memref_squeeze %dma_start3A_224 : memref<1x112x128xf32, #tpu.memory_space<vmem>> -> memref<112x128xf32, #tpu.memory_space<vmem>>
        %dma_start3A_226 = arith.constant 0 : i32
        %dma_start3A_227 = tpu.memref_slice %arg5[%dma_start3A_220, %dma_start3A_221, %dma_start3A_226] : memref<3x2x112xi32, #tpu.memory_space<vmem>> -> memref<1x1x112xi32, #tpu.memory_space<vmem>>
        %dma_start3A_228 = tpu.memref_squeeze %dma_start3A_227 : memref<1x1x112xi32, #tpu.memory_space<vmem>> -> memref<112xi32, #tpu.memory_space<vmem>>
        %dma_start3A_229 = arith.constant 0 : i32
        %dma_start3A_230 = arith.constant 0 : i32
        %dma_start3A_231 = tpu.memref_slice %arg7[%dma_start3A_229, %dma_start3A_230] : memref<10240x128xf32, #tpu.memory_space<vmem_shared>> -> memref<10240x128xf32, #tpu.memory_space<vmem_shared>>
        tpu.enqueue_indirect_dma source(%dma_start3A_225 : memref<112x128xf32, #tpu.memory_space<vmem>>) target(%dma_start3A_231 : memref<10240x128xf32, #tpu.memory_space<vmem_shared>>) offsets(%dma_start3A_228 : memref<112xi32, #tpu.memory_space<vmem>>) semaphore(%arg12 : memref<!tpu.dma_semaphore, #tpu.memory_space<semaphore_mem>>) {add = true}
        %dma_wait3A_232 = arith.constant 0 : i32
        %dma_wait3A_233 = arith.constant 0 : i32
        %dma_wait3A_234 = arith.constant 0 : i32
        %dma_wait3A_235 = tpu.memref_slice %arg6[%dma_wait3A_232, %dma_wait3A_233, %dma_wait3A_234] : memref<3x112x128xf32, #tpu.memory_space<vmem>> -> memref<1x112x128xf32, #tpu.memory_space<vmem>>
        %dma_wait3A_236 = tpu.memref_squeeze %dma_wait3A_235 : memref<1x112x128xf32, #tpu.memory_space<vmem>> -> memref<112x128xf32, #tpu.memory_space<vmem>>
        %dma_wait3A_237 = arith.constant 0 : i32
        %dma_wait3A_238 = arith.constant 0 : i32
        %dma_wait3A_239 = tpu.memref_slice %arg3[%dma_wait3A_237, %dma_wait3A_238] : memref<10240x128xf32, #tpu.memory_space<hbm>> -> memref<112x128xf32, #tpu.memory_space<hbm>>
        %dma_wait3A_240 = arith.constant 0 : i32
        %dma_wait3A_241 = arith.constant 0 : i32
        %dma_wait3A_242 = tpu.memref_slice %arg6[%dma_wait3A_232, %dma_wait3A_240, %dma_wait3A_241] : memref<3x112x128xf32, #tpu.memory_space<vmem>> -> memref<1x112x128xf32, #tpu.memory_space<vmem>>
        %dma_wait3A_243 = tpu.memref_squeeze %dma_wait3A_242 : memref<1x112x128xf32, #tpu.memory_space<vmem>> -> memref<112x128xf32, #tpu.memory_space<vmem>>
        %dma_wait3A_244 = arith.constant 0 : i32
        %dma_wait3A_245 = arith.constant 0 : i32
        %dma_wait3A_246 = tpu.memref_slice %arg3[%dma_wait3A_244, %dma_wait3A_245] : memref<10240x128xf32, #tpu.memory_space<hbm>> -> memref<112x128xf32, #tpu.memory_space<hbm>>
        tpu.wait_dma2 semaphore(%arg11 : memref<!tpu.dma_semaphore, #tpu.memory_space<semaphore_mem>>) src(%dma_wait3A_246 : memref<112x128xf32, #tpu.memory_space<hbm>>) dst(%dma_wait3A_243 : memref<112x128xf32, #tpu.memory_space<vmem>>)
        %add3A_247 = arith.constant 2 : i32
        %add3A_248 = arith.addi %add3A_203, %add3A_247 : i32
        %min3A_249 = arith.constant 65 : i32
        %min3A_250 = arith.minsi %add3A_248, %min3A_249 : i32
        %add3A_251 = arith.addi %add3A_35, %min3A_250 : i32
        %run_scoped3A_252 = arith.constant 0 : i32
        "tpu.region"() ({
          %run_scoped3A_332 = tpu.sem_alloc : memref<!tpu.dma_semaphore, #tpu.memory_space<semaphore_mem>>
          %dma_start3A_333 = arith.constant 0 : i32
          %dma_start3A_334 = arith.constant 0 : i32
          %dma_start3A_335 = tpu.memref_slice %arg5[%run_scoped3A_252, %dma_start3A_333, %dma_start3A_334] : memref<3x2x112xi32, #tpu.memory_space<vmem>> -> memref<1x2x112xi32, #tpu.memory_space<vmem>>
          %dma_start3A_336 = tpu.memref_squeeze %dma_start3A_335 : memref<1x2x112xi32, #tpu.memory_space<vmem>> -> memref<2x112xi32, #tpu.memory_space<vmem>>
          %dma_start3A_337 = arith.constant 0 : i32
          %dma_start3A_338 = arith.constant 0 : i32
          %dma_start3A_339 = tpu.memref_slice %arg2[%add3A_251, %dma_start3A_337, %dma_start3A_338] : memref<2976x2x112xi32, #tpu.memory_space<hbm>> -> memref<1x2x112xi32, #tpu.memory_space<hbm>>
          %dma_start3A_340 = tpu.memref_squeeze %dma_start3A_339 : memref<1x2x112xi32, #tpu.memory_space<hbm>> -> memref<2x112xi32, #tpu.memory_space<hbm>>
          %dma_start3A_341 = arith.constant 0 : i32
          %dma_start3A_342 = arith.constant 0 : i32
          %dma_start3A_343 = tpu.memref_slice %arg5[%run_scoped3A_252, %dma_start3A_341, %dma_start3A_342] : memref<3x2x112xi32, #tpu.memory_space<vmem>> -> memref<1x2x112xi32, #tpu.memory_space<vmem>>
          %dma_start3A_344 = tpu.memref_squeeze %dma_start3A_343 : memref<1x2x112xi32, #tpu.memory_space<vmem>> -> memref<2x112xi32, #tpu.memory_space<vmem>>
          %dma_start3A_345 = arith.constant 0 : i32
          %dma_start3A_346 = arith.constant 0 : i32
          %dma_start3A_347 = tpu.memref_slice %arg2[%add3A_251, %dma_start3A_345, %dma_start3A_346] : memref<2976x2x112xi32, #tpu.memory_space<hbm>> -> memref<1x2x112xi32, #tpu.memory_space<hbm>>
          %dma_start3A_348 = tpu.memref_squeeze %dma_start3A_347 : memref<1x2x112xi32, #tpu.memory_space<hbm>> -> memref<2x112xi32, #tpu.memory_space<hbm>>
          tpu.enqueue_dma source(%dma_start3A_348 : memref<2x112xi32, #tpu.memory_space<hbm>>) target(%dma_start3A_344 : memref<2x112xi32, #tpu.memory_space<vmem>>) target_semaphore(%run_scoped3A_332 : memref<!tpu.dma_semaphore, #tpu.memory_space<semaphore_mem>>)
          %dma_wait3A_349 = arith.constant 0 : i32
          %dma_wait3A_350 = arith.constant 0 : i32
          %dma_wait3A_351 = tpu.memref_slice %arg5[%run_scoped3A_252, %dma_wait3A_349, %dma_wait3A_350] : memref<3x2x112xi32, #tpu.memory_space<vmem>> -> memref<1x2x112xi32, #tpu.memory_space<vmem>>
          %dma_wait3A_352 = tpu.memref_squeeze %dma_wait3A_351 : memref<1x2x112xi32, #tpu.memory_space<vmem>> -> memref<2x112xi32, #tpu.memory_space<vmem>>
          %dma_wait3A_353 = arith.constant 0 : i32
          %dma_wait3A_354 = arith.constant 0 : i32
          %dma_wait3A_355 = tpu.memref_slice %arg2[%add3A_251, %dma_wait3A_353, %dma_wait3A_354] : memref<2976x2x112xi32, #tpu.memory_space<hbm>> -> memref<1x2x112xi32, #tpu.memory_space<hbm>>
          %dma_wait3A_356 = tpu.memref_squeeze %dma_wait3A_355 : memref<1x2x112xi32, #tpu.memory_space<hbm>> -> memref<2x112xi32, #tpu.memory_space<hbm>>
          %dma_wait3A_357 = arith.constant 0 : i32
          %dma_wait3A_358 = arith.constant 0 : i32
          %dma_wait3A_359 = tpu.memref_slice %arg5[%run_scoped3A_252, %dma_wait3A_357, %dma_wait3A_358] : memref<3x2x112xi32, #tpu.memory_space<vmem>> -> memref<1x2x112xi32, #tpu.memory_space<vmem>>
          %dma_wait3A_360 = tpu.memref_squeeze %dma_wait3A_359 : memref<1x2x112xi32, #tpu.memory_space<vmem>> -> memref<2x112xi32, #tpu.memory_space<vmem>>
          %dma_wait3A_361 = arith.constant 0 : i32
          %dma_wait3A_362 = arith.constant 0 : i32
          %dma_wait3A_363 = tpu.memref_slice %arg2[%add3A_251, %dma_wait3A_361, %dma_wait3A_362] : memref<2976x2x112xi32, #tpu.memory_space<hbm>> -> memref<1x2x112xi32, #tpu.memory_space<hbm>>
          %dma_wait3A_364 = tpu.memref_squeeze %dma_wait3A_363 : memref<1x2x112xi32, #tpu.memory_space<hbm>> -> memref<2x112xi32, #tpu.memory_space<hbm>>
          tpu.wait_dma2 semaphore(%run_scoped3A_332 : memref<!tpu.dma_semaphore, #tpu.memory_space<semaphore_mem>>) src(%dma_wait3A_364 : memref<2x112xi32, #tpu.memory_space<hbm>>) dst(%dma_wait3A_360 : memref<2x112xi32, #tpu.memory_space<vmem>>)
          tpu.yield
        }) : () -> ()
        %dma_start3A_253 = arith.constant 0 : i32
        %dma_start3A_254 = arith.constant 0 : i32
        %dma_start3A_255 = arith.constant 0 : i32
        %dma_start3A_256 = arith.constant 0 : i32
        %dma_start3A_257 = arith.constant 0 : i32
        %dma_start3A_258 = tpu.memref_slice %arg6[%dma_start3A_255, %dma_start3A_256, %dma_start3A_257] : memref<3x112x128xf32, #tpu.memory_space<vmem>> -> memref<1x112x128xf32, #tpu.memory_space<vmem>>
        %dma_start3A_259 = tpu.memref_squeeze %dma_start3A_258 : memref<1x112x128xf32, #tpu.memory_space<vmem>> -> memref<112x128xf32, #tpu.memory_space<vmem>>
        %dma_start3A_260 = arith.constant 0 : i32
        %dma_start3A_261 = tpu.memref_slice %arg5[%dma_start3A_253, %dma_start3A_254, %dma_start3A_260] : memref<3x2x112xi32, #tpu.memory_space<vmem>> -> memref<1x1x112xi32, #tpu.memory_space<vmem>>
        %dma_start3A_262 = tpu.memref_squeeze %dma_start3A_261 : memref<1x1x112xi32, #tpu.memory_space<vmem>> -> memref<112xi32, #tpu.memory_space<vmem>>
        %dma_start3A_263 = arith.constant 0 : i32
        %dma_start3A_264 = arith.constant 0 : i32
        %dma_start3A_265 = tpu.memref_slice %arg3[%dma_start3A_263, %dma_start3A_264] : memref<10240x128xf32, #tpu.memory_space<hbm>> -> memref<10240x128xf32, #tpu.memory_space<hbm>>
        tpu.enqueue_indirect_dma source(%dma_start3A_265 : memref<10240x128xf32, #tpu.memory_space<hbm>>) target(%dma_start3A_259 : memref<112x128xf32, #tpu.memory_space<vmem>>) offsets(%dma_start3A_262 : memref<112xi32, #tpu.memory_space<vmem>>) semaphore(%arg8 : memref<!tpu.dma_semaphore, #tpu.memory_space<semaphore_mem>>)
        %mul3A_266 = arith.constant 3 : i32
        %mul3A_267 = arith.muli %scan3A_134, %mul3A_266 : i32
        %add3A_268 = arith.constant 2 : i32
        %add3A_269 = arith.addi %mul3A_267, %add3A_268 : i32
        %dma_wait3A_270 = arith.constant 2 : i32
        %dma_wait3A_271 = arith.constant 0 : i32
        %dma_wait3A_272 = arith.constant 0 : i32
        %dma_wait3A_273 = tpu.memref_slice %arg6[%dma_wait3A_270, %dma_wait3A_271, %dma_wait3A_272] : memref<3x112x128xf32, #tpu.memory_space<vmem>> -> memref<1x112x128xf32, #tpu.memory_space<vmem>>
        %dma_wait3A_274 = tpu.memref_squeeze %dma_wait3A_273 : memref<1x112x128xf32, #tpu.memory_space<vmem>> -> memref<112x128xf32, #tpu.memory_space<vmem>>
        %dma_wait3A_275 = arith.constant 0 : i32
        %dma_wait3A_276 = arith.constant 0 : i32
        %dma_wait3A_277 = tpu.memref_slice %arg3[%dma_wait3A_275, %dma_wait3A_276] : memref<10240x128xf32, #tpu.memory_space<hbm>> -> memref<112x128xf32, #tpu.memory_space<hbm>>
        %dma_wait3A_278 = arith.constant 0 : i32
        %dma_wait3A_279 = arith.constant 0 : i32
        %dma_wait3A_280 = tpu.memref_slice %arg6[%dma_wait3A_270, %dma_wait3A_278, %dma_wait3A_279] : memref<3x112x128xf32, #tpu.memory_space<vmem>> -> memref<1x112x128xf32, #tpu.memory_space<vmem>>
        %dma_wait3A_281 = tpu.memref_squeeze %dma_wait3A_280 : memref<1x112x128xf32, #tpu.memory_space<vmem>> -> memref<112x128xf32, #tpu.memory_space<vmem>>
        %dma_wait3A_282 = arith.constant 0 : i32
        %dma_wait3A_283 = arith.constant 0 : i32
        %dma_wait3A_284 = tpu.memref_slice %arg3[%dma_wait3A_282, %dma_wait3A_283] : memref<10240x128xf32, #tpu.memory_space<hbm>> -> memref<112x128xf32, #tpu.memory_space<hbm>>
        tpu.wait_dma2 semaphore(%arg10 : memref<!tpu.dma_semaphore, #tpu.memory_space<semaphore_mem>>) src(%dma_wait3A_284 : memref<112x128xf32, #tpu.memory_space<hbm>>) dst(%dma_wait3A_281 : memref<112x128xf32, #tpu.memory_space<vmem>>)
        %dma_start3A_285 = arith.constant 2 : i32
        %dma_start3A_286 = arith.constant 2 : i32
        %dma_start3A_287 = arith.constant 1 : i32
        %dma_start3A_288 = arith.constant 0 : i32
        %dma_start3A_289 = arith.constant 0 : i32
        %dma_start3A_290 = tpu.memref_slice %arg6[%dma_start3A_285, %dma_start3A_288, %dma_start3A_289] : memref<3x112x128xf32, #tpu.memory_space<vmem>> -> memref<1x112x128xf32, #tpu.memory_space<vmem>>
        %dma_start3A_291 = tpu.memref_squeeze %dma_start3A_290 : memref<1x112x128xf32, #tpu.memory_space<vmem>> -> memref<112x128xf32, #tpu.memory_space<vmem>>
        %dma_start3A_292 = arith.constant 0 : i32
        %dma_start3A_293 = tpu.memref_slice %arg5[%dma_start3A_286, %dma_start3A_287, %dma_start3A_292] : memref<3x2x112xi32, #tpu.memory_space<vmem>> -> memref<1x1x112xi32, #tpu.memory_space<vmem>>
        %dma_start3A_294 = tpu.memref_squeeze %dma_start3A_293 : memref<1x1x112xi32, #tpu.memory_space<vmem>> -> memref<112xi32, #tpu.memory_space<vmem>>
        %dma_start3A_295 = arith.constant 0 : i32
        %dma_start3A_296 = arith.constant 0 : i32
        %dma_start3A_297 = tpu.memref_slice %arg7[%dma_start3A_295, %dma_start3A_296] : memref<10240x128xf32, #tpu.memory_space<vmem_shared>> -> memref<10240x128xf32, #tpu.memory_space<vmem_shared>>
        tpu.enqueue_indirect_dma source(%dma_start3A_291 : memref<112x128xf32, #tpu.memory_space<vmem>>) target(%dma_start3A_297 : memref<10240x128xf32, #tpu.memory_space<vmem_shared>>) offsets(%dma_start3A_294 : memref<112xi32, #tpu.memory_space<vmem>>) semaphore(%arg13 : memref<!tpu.dma_semaphore, #tpu.memory_space<semaphore_mem>>) {add = true}
        %dma_wait3A_298 = arith.constant 1 : i32
        %dma_wait3A_299 = arith.constant 0 : i32
        %dma_wait3A_300 = arith.constant 0 : i32
        %dma_wait3A_301 = tpu.memref_slice %arg6[%dma_wait3A_298, %dma_wait3A_299, %dma_wait3A_300] : memref<3x112x128xf32, #tpu.memory_space<vmem>> -> memref<1x112x128xf32, #tpu.memory_space<vmem>>
        %dma_wait3A_302 = tpu.memref_squeeze %dma_wait3A_301 : memref<1x112x128xf32, #tpu.memory_space<vmem>> -> memref<112x128xf32, #tpu.memory_space<vmem>>
        %dma_wait3A_303 = arith.constant 0 : i32
        %dma_wait3A_304 = arith.constant 0 : i32
        %dma_wait3A_305 = tpu.memref_slice %arg3[%dma_wait3A_303, %dma_wait3A_304] : memref<10240x128xf32, #tpu.memory_space<hbm>> -> memref<112x128xf32, #tpu.memory_space<hbm>>
        %dma_wait3A_306 = arith.constant 0 : i32
        %dma_wait3A_307 = arith.constant 0 : i32
        %dma_wait3A_308 = tpu.memref_slice %arg6[%dma_wait3A_298, %dma_wait3A_306, %dma_wait3A_307] : memref<3x112x128xf32, #tpu.memory_space<vmem>> -> memref<1x112x128xf32, #tpu.memory_space<vmem>>
        %dma_wait3A_309 = tpu.memref_squeeze %dma_wait3A_308 : memref<1x112x128xf32, #tpu.memory_space<vmem>> -> memref<112x128xf32, #tpu.memory_space<vmem>>
        %dma_wait3A_310 = arith.constant 0 : i32
        %dma_wait3A_311 = arith.constant 0 : i32
        %dma_wait3A_312 = tpu.memref_slice %arg3[%dma_wait3A_310, %dma_wait3A_311] : memref<10240x128xf32, #tpu.memory_space<hbm>> -> memref<112x128xf32, #tpu.memory_space<hbm>>
        tpu.wait_dma2 semaphore(%arg12 : memref<!tpu.dma_semaphore, #tpu.memory_space<semaphore_mem>>) src(%dma_wait3A_312 : memref<112x128xf32, #tpu.memory_space<hbm>>) dst(%dma_wait3A_309 : memref<112x128xf32, #tpu.memory_space<vmem>>)
        %add3A_313 = arith.constant 2 : i32
        %add3A_314 = arith.addi %add3A_269, %add3A_313 : i32
        %min3A_315 = arith.constant 65 : i32
        %min3A_316 = arith.minsi %add3A_314, %min3A_315 : i32
        %add3A_317 = arith.addi %add3A_35, %min3A_316 : i32
        %run_scoped3A_318 = arith.constant 1 : i32
        "tpu.region"() ({
          %run_scoped3A_332 = tpu.sem_alloc : memref<!tpu.dma_semaphore, #tpu.memory_space<semaphore_mem>>
          %dma_start3A_333 = arith.constant 0 : i32
          %dma_start3A_334 = arith.constant 0 : i32
          %dma_start3A_335 = tpu.memref_slice %arg5[%run_scoped3A_318, %dma_start3A_333, %dma_start3A_334] : memref<3x2x112xi32, #tpu.memory_space<vmem>> -> memref<1x2x112xi32, #tpu.memory_space<vmem>>
          %dma_start3A_336 = tpu.memref_squeeze %dma_start3A_335 : memref<1x2x112xi32, #tpu.memory_space<vmem>> -> memref<2x112xi32, #tpu.memory_space<vmem>>
          %dma_start3A_337 = arith.constant 0 : i32
          %dma_start3A_338 = arith.constant 0 : i32
          %dma_start3A_339 = tpu.memref_slice %arg2[%add3A_317, %dma_start3A_337, %dma_start3A_338] : memref<2976x2x112xi32, #tpu.memory_space<hbm>> -> memref<1x2x112xi32, #tpu.memory_space<hbm>>
          %dma_start3A_340 = tpu.memref_squeeze %dma_start3A_339 : memref<1x2x112xi32, #tpu.memory_space<hbm>> -> memref<2x112xi32, #tpu.memory_space<hbm>>
          %dma_start3A_341 = arith.constant 0 : i32
          %dma_start3A_342 = arith.constant 0 : i32
          %dma_start3A_343 = tpu.memref_slice %arg5[%run_scoped3A_318, %dma_start3A_341, %dma_start3A_342] : memref<3x2x112xi32, #tpu.memory_space<vmem>> -> memref<1x2x112xi32, #tpu.memory_space<vmem>>
          %dma_start3A_344 = tpu.memref_squeeze %dma_start3A_343 : memref<1x2x112xi32, #tpu.memory_space<vmem>> -> memref<2x112xi32, #tpu.memory_space<vmem>>
          %dma_start3A_345 = arith.constant 0 : i32
          %dma_start3A_346 = arith.constant 0 : i32
          %dma_start3A_347 = tpu.memref_slice %arg2[%add3A_317, %dma_start3A_345, %dma_start3A_346] : memref<2976x2x112xi32, #tpu.memory_space<hbm>> -> memref<1x2x112xi32, #tpu.memory_space<hbm>>
          %dma_start3A_348 = tpu.memref_squeeze %dma_start3A_347 : memref<1x2x112xi32, #tpu.memory_space<hbm>> -> memref<2x112xi32, #tpu.memory_space<hbm>>
          tpu.enqueue_dma source(%dma_start3A_348 : memref<2x112xi32, #tpu.memory_space<hbm>>) target(%dma_start3A_344 : memref<2x112xi32, #tpu.memory_space<vmem>>) target_semaphore(%run_scoped3A_332 : memref<!tpu.dma_semaphore, #tpu.memory_space<semaphore_mem>>)
          %dma_wait3A_349 = arith.constant 0 : i32
          %dma_wait3A_350 = arith.constant 0 : i32
          %dma_wait3A_351 = tpu.memref_slice %arg5[%run_scoped3A_318, %dma_wait3A_349, %dma_wait3A_350] : memref<3x2x112xi32, #tpu.memory_space<vmem>> -> memref<1x2x112xi32, #tpu.memory_space<vmem>>
          %dma_wait3A_352 = tpu.memref_squeeze %dma_wait3A_351 : memref<1x2x112xi32, #tpu.memory_space<vmem>> -> memref<2x112xi32, #tpu.memory_space<vmem>>
          %dma_wait3A_353 = arith.constant 0 : i32
          %dma_wait3A_354 = arith.constant 0 : i32
          %dma_wait3A_355 = tpu.memref_slice %arg2[%add3A_317, %dma_wait3A_353, %dma_wait3A_354] : memref<2976x2x112xi32, #tpu.memory_space<hbm>> -> memref<1x2x112xi32, #tpu.memory_space<hbm>>
          %dma_wait3A_356 = tpu.memref_squeeze %dma_wait3A_355 : memref<1x2x112xi32, #tpu.memory_space<hbm>> -> memref<2x112xi32, #tpu.memory_space<hbm>>
          %dma_wait3A_357 = arith.constant 0 : i32
          %dma_wait3A_358 = arith.constant 0 : i32
          %dma_wait3A_359 = tpu.memref_slice %arg5[%run_scoped3A_318, %dma_wait3A_357, %dma_wait3A_358] : memref<3x2x112xi32, #tpu.memory_space<vmem>> -> memref<1x2x112xi32, #tpu.memory_space<vmem>>
          %dma_wait3A_360 = tpu.memref_squeeze %dma_wait3A_359 : memref<1x2x112xi32, #tpu.memory_space<vmem>> -> memref<2x112xi32, #tpu.memory_space<vmem>>
          %dma_wait3A_361 = arith.constant 0 : i32
          %dma_wait3A_362 = arith.constant 0 : i32
          %dma_wait3A_363 = tpu.memref_slice %arg2[%add3A_317, %dma_wait3A_361, %dma_wait3A_362] : memref<2976x2x112xi32, #tpu.memory_space<hbm>> -> memref<1x2x112xi32, #tpu.memory_space<hbm>>
          %dma_wait3A_364 = tpu.memref_squeeze %dma_wait3A_363 : memref<1x2x112xi32, #tpu.memory_space<hbm>> -> memref<2x112xi32, #tpu.memory_space<hbm>>
          tpu.wait_dma2 semaphore(%run_scoped3A_332 : memref<!tpu.dma_semaphore, #tpu.memory_space<semaphore_mem>>) src(%dma_wait3A_364 : memref<2x112xi32, #tpu.memory_space<hbm>>) dst(%dma_wait3A_360 : memref<2x112xi32, #tpu.memory_space<vmem>>)
          tpu.yield
        }) : () -> ()
        %dma_start3A_319 = arith.constant 1 : i32
        %dma_start3A_320 = arith.constant 0 : i32
        %dma_start3A_321 = arith.constant 1 : i32
        %dma_start3A_322 = arith.constant 0 : i32
        %dma_start3A_323 = arith.constant 0 : i32
        %dma_start3A_324 = tpu.memref_slice %arg6[%dma_start3A_321, %dma_start3A_322, %dma_start3A_323] : memref<3x112x128xf32, #tpu.memory_space<vmem>> -> memref<1x112x128xf32, #tpu.memory_space<vmem>>
        %dma_start3A_325 = tpu.memref_squeeze %dma_start3A_324 : memref<1x112x128xf32, #tpu.memory_space<vmem>> -> memref<112x128xf32, #tpu.memory_space<vmem>>
        %dma_start3A_326 = arith.constant 0 : i32
        %dma_start3A_327 = tpu.memref_slice %arg5[%dma_start3A_319, %dma_start3A_320, %dma_start3A_326] : memref<3x2x112xi32, #tpu.memory_space<vmem>> -> memref<1x1x112xi32, #tpu.memory_space<vmem>>
        %dma_start3A_328 = tpu.memref_squeeze %dma_start3A_327 : memref<1x1x112xi32, #tpu.memory_space<vmem>> -> memref<112xi32, #tpu.memory_space<vmem>>
        %dma_start3A_329 = arith.constant 0 : i32
        %dma_start3A_330 = arith.constant 0 : i32
        %dma_start3A_331 = tpu.memref_slice %arg3[%dma_start3A_329, %dma_start3A_330] : memref<10240x128xf32, #tpu.memory_space<hbm>> -> memref<10240x128xf32, #tpu.memory_space<hbm>>
        tpu.enqueue_indirect_dma source(%dma_start3A_331 : memref<10240x128xf32, #tpu.memory_space<hbm>>) target(%dma_start3A_325 : memref<112x128xf32, #tpu.memory_space<vmem>>) offsets(%dma_start3A_328 : memref<112xi32, #tpu.memory_space<vmem>>) semaphore(%arg9 : memref<!tpu.dma_semaphore, #tpu.memory_space<semaphore_mem>>)
      }
      %scan3A_88 = arith.constant 22 : i32
      %dma_wait3A = arith.constant 0 : i32
      %dma_wait3A_89 = arith.constant 0 : i32
      %dma_wait3A_90 = arith.constant 0 : i32
      %dma_wait3A_91 = tpu.memref_slice %arg6[%dma_wait3A, %dma_wait3A_89, %dma_wait3A_90] : memref<3x112x128xf32, #tpu.memory_space<vmem>> -> memref<1x112x128xf32, #tpu.memory_space<vmem>>
      %dma_wait3A_92 = tpu.memref_squeeze %dma_wait3A_91 : memref<1x112x128xf32, #tpu.memory_space<vmem>> -> memref<112x128xf32, #tpu.memory_space<vmem>>
      %dma_wait3A_93 = arith.constant 0 : i32
      %dma_wait3A_94 = arith.constant 0 : i32
      %dma_wait3A_95 = tpu.memref_slice %arg3[%dma_wait3A_93, %dma_wait3A_94] : memref<10240x128xf32, #tpu.memory_space<hbm>> -> memref<112x128xf32, #tpu.memory_space<hbm>>
      %dma_wait3A_96 = arith.constant 0 : i32
      %dma_wait3A_97 = arith.constant 0 : i32
      %dma_wait3A_98 = tpu.memref_slice %arg6[%dma_wait3A, %dma_wait3A_96, %dma_wait3A_97] : memref<3x112x128xf32, #tpu.memory_space<vmem>> -> memref<1x112x128xf32, #tpu.memory_space<vmem>>
      %dma_wait3A_99 = tpu.memref_squeeze %dma_wait3A_98 : memref<1x112x128xf32, #tpu.memory_space<vmem>> -> memref<112x128xf32, #tpu.memory_space<vmem>>
      %dma_wait3A_100 = arith.constant 0 : i32
      %dma_wait3A_101 = arith.constant 0 : i32
      %dma_wait3A_102 = tpu.memref_slice %arg3[%dma_wait3A_100, %dma_wait3A_101] : memref<10240x128xf32, #tpu.memory_space<hbm>> -> memref<112x128xf32, #tpu.memory_space<hbm>>
      tpu.wait_dma2 semaphore(%arg8 : memref<!tpu.dma_semaphore, #tpu.memory_space<semaphore_mem>>) src(%dma_wait3A_102 : memref<112x128xf32, #tpu.memory_space<hbm>>) dst(%dma_wait3A_99 : memref<112x128xf32, #tpu.memory_space<vmem>>)
      %dma_wait3A_103 = arith.constant 1 : i32
      %dma_wait3A_104 = arith.constant 0 : i32
      %dma_wait3A_105 = arith.constant 0 : i32
      %dma_wait3A_106 = tpu.memref_slice %arg6[%dma_wait3A_103, %dma_wait3A_104, %dma_wait3A_105] : memref<3x112x128xf32, #tpu.memory_space<vmem>> -> memref<1x112x128xf32, #tpu.memory_space<vmem>>
      %dma_wait3A_107 = tpu.memref_squeeze %dma_wait3A_106 : memref<1x112x128xf32, #tpu.memory_space<vmem>> -> memref<112x128xf32, #tpu.memory_space<vmem>>
      %dma_wait3A_108 = arith.constant 0 : i32
      %dma_wait3A_109 = arith.constant 0 : i32
      %dma_wait3A_110 = tpu.memref_slice %arg3[%dma_wait3A_108, %dma_wait3A_109] : memref<10240x128xf32, #tpu.memory_space<hbm>> -> memref<112x128xf32, #tpu.memory_space<hbm>>
      %dma_wait3A_111 = arith.constant 0 : i32
      %dma_wait3A_112 = arith.constant 0 : i32
      %dma_wait3A_113 = tpu.memref_slice %arg6[%dma_wait3A_103, %dma_wait3A_111, %dma_wait3A_112] : memref<3x112x128xf32, #tpu.memory_space<vmem>> -> memref<1x112x128xf32, #tpu.memory_space<vmem>>
      %dma_wait3A_114 = tpu.memref_squeeze %dma_wait3A_113 : memref<1x112x128xf32, #tpu.memory_space<vmem>> -> memref<112x128xf32, #tpu.memory_space<vmem>>
      %dma_wait3A_115 = arith.constant 0 : i32
      %dma_wait3A_116 = arith.constant 0 : i32
      %dma_wait3A_117 = tpu.memref_slice %arg3[%dma_wait3A_115, %dma_wait3A_116] : memref<10240x128xf32, #tpu.memory_space<hbm>> -> memref<112x128xf32, #tpu.memory_space<hbm>>
      tpu.wait_dma2 semaphore(%arg9 : memref<!tpu.dma_semaphore, #tpu.memory_space<semaphore_mem>>) src(%dma_wait3A_117 : memref<112x128xf32, #tpu.memory_space<hbm>>) dst(%dma_wait3A_114 : memref<112x128xf32, #tpu.memory_space<vmem>>)
      %dma_wait3A_118 = arith.constant 2 : i32
      %dma_wait3A_119 = arith.constant 0 : i32
      %dma_wait3A_120 = arith.constant 0 : i32
      %dma_wait3A_121 = tpu.memref_slice %arg6[%dma_wait3A_118, %dma_wait3A_119, %dma_wait3A_120] : memref<3x112x128xf32, #tpu.memory_space<vmem>> -> memref<1x112x128xf32, #tpu.memory_space<vmem>>
      %dma_wait3A_122 = tpu.memref_squeeze %dma_wait3A_121 : memref<1x112x128xf32, #tpu.memory_space<vmem>> -> memref<112x128xf32, #tpu.memory_space<vmem>>
      %dma_wait3A_123 = arith.constant 0 : i32
      %dma_wait3A_124 = arith.constant 0 : i32
      %dma_wait3A_125 = tpu.memref_slice %arg3[%dma_wait3A_123, %dma_wait3A_124] : memref<10240x128xf32, #tpu.memory_space<hbm>> -> memref<112x128xf32, #tpu.memory_space<hbm>>
      %dma_wait3A_126 = arith.constant 0 : i32
      %dma_wait3A_127 = arith.constant 0 : i32
      %dma_wait3A_128 = tpu.memref_slice %arg6[%dma_wait3A_118, %dma_wait3A_126, %dma_wait3A_127] : memref<3x112x128xf32, #tpu.memory_space<vmem>> -> memref<1x112x128xf32, #tpu.memory_space<vmem>>
      %dma_wait3A_129 = tpu.memref_squeeze %dma_wait3A_128 : memref<1x112x128xf32, #tpu.memory_space<vmem>> -> memref<112x128xf32, #tpu.memory_space<vmem>>
      %dma_wait3A_130 = arith.constant 0 : i32
      %dma_wait3A_131 = arith.constant 0 : i32
      %dma_wait3A_132 = tpu.memref_slice %arg3[%dma_wait3A_130, %dma_wait3A_131] : memref<10240x128xf32, #tpu.memory_space<hbm>> -> memref<112x128xf32, #tpu.memory_space<hbm>>
      tpu.wait_dma2 semaphore(%arg13 : memref<!tpu.dma_semaphore, #tpu.memory_space<semaphore_mem>>) src(%dma_wait3A_132 : memref<112x128xf32, #tpu.memory_space<hbm>>) dst(%dma_wait3A_129 : memref<112x128xf32, #tpu.memory_space<vmem>>)
      %barrier3A_133 = arith.constant 0 : index
      tpu.barrier barrier_id(%barrier3A_133)
    } else {
    }
    "tpu.region"() ({
      %run_scoped3A_32 = tpu.sem_alloc : memref<!tpu.dma_semaphore, #tpu.memory_space<semaphore_mem>>
      %dma_start3A = arith.constant 0 : i32
      %dma_start3A_33 = tpu.memref_slice %arg4[%arg0, %mul3A_7, %dma_start3A] : memref<2x10240x128xf32, #tpu.memory_space<hbm>> -> memref<1x640x128xf32, #tpu.memory_space<hbm>>
      %dma_start3A_34 = tpu.memref_squeeze %dma_start3A_33 : memref<1x640x128xf32, #tpu.memory_space<hbm>> -> memref<640x128xf32, #tpu.memory_space<hbm>>
      %dma_start3A_35 = arith.constant 0 : i32
      %dma_start3A_36 = tpu.memref_slice %arg7[%mul3A_7, %dma_start3A_35] : memref<10240x128xf32, #tpu.memory_space<vmem_shared>> -> memref<640x128xf32, #tpu.memory_space<vmem_shared>>
      tpu.enqueue_dma source(%dma_start3A_36 : memref<640x128xf32, #tpu.memory_space<vmem_shared>>) target(%dma_start3A_34 : memref<640x128xf32, #tpu.memory_space<hbm>>) target_semaphore(%run_scoped3A_32 : memref<!tpu.dma_semaphore, #tpu.memory_space<semaphore_mem>>)
      %dma_wait3A = arith.constant 0 : i32
      %dma_wait3A_37 = tpu.memref_slice %arg4[%arg0, %mul3A_7, %dma_wait3A] : memref<2x10240x128xf32, #tpu.memory_space<hbm>> -> memref<1x640x128xf32, #tpu.memory_space<hbm>>
      %dma_wait3A_38 = tpu.memref_squeeze %dma_wait3A_37 : memref<1x640x128xf32, #tpu.memory_space<hbm>> -> memref<640x128xf32, #tpu.memory_space<hbm>>
      %dma_wait3A_39 = arith.constant 0 : i32
      %dma_wait3A_40 = tpu.memref_slice %arg7[%mul3A_7, %dma_wait3A_39] : memref<10240x128xf32, #tpu.memory_space<vmem_shared>> -> memref<640x128xf32, #tpu.memory_space<vmem_shared>>
      tpu.wait_dma2 semaphore(%run_scoped3A_32 : memref<!tpu.dma_semaphore, #tpu.memory_space<semaphore_mem>>) src(%dma_wait3A_40 : memref<640x128xf32, #tpu.memory_space<vmem_shared>>) dst(%dma_wait3A_38 : memref<640x128xf32, #tpu.memory_space<hbm>>)
      tpu.yield
    }) : () -> ()
    return
  }
}

module attributes {stable_mosaic.version = 14 : i64} {
  func.func @body(%arg0: i32, %arg1: memref<1024x128xf32, #tpu.memory_space<vmem>>, %arg2: memref<128x128xf32, #tpu.memory_space<vmem>>, %arg3: memref<2x1024xf32, #tpu.memory_space<vmem>>, %arg4: memref<1024x128xf32, #tpu.memory_space<vmem>>) attributes {dimension_semantics = [#tpu.dimension_semantics<arbitrary>], iteration_bounds = array<i64: 10>, scalar_prefetch = 0 : i64, scratch_operands = 0 : i64, tpu.core_type = #tpu.core_type<tc>, window_params = [{transform_indices = @transform_0, window_bounds = array<i64: 1024, 128>}, {pipeline_mode = #tpu.pipeline_mode<synchronous>, transform_indices = @transform_1, window_bounds = array<i64: 128, 128>}, {transform_indices = @transform_2, window_bounds = array<i64: 2, 1024>}, {transform_indices = @transform_3, window_bounds = array<i64: 1024, 128>}]} {
    %get3A = arith.constant 0 : index
    %get3A_0 = arith.constant 0 : index
    %get3A_1 = vector.load %arg3[%get3A, %get3A_0] : memref<2x1024xf32, #tpu.memory_space<vmem>>, vector<1x1024xf32>
    %get3A_2 = vector.shape_cast %get3A_1 : vector<1x1024xf32> to vector<1024xf32>
    %add3A = arith.constant 1.000000e+00 : f32
    %add3A_3 = vector.broadcast %add3A : f32 to vector<1024xf32>
    %add3A_4 = arith.addf %add3A_3, %get3A_2 : vector<1024xf32>
    %get3A_5 = arith.constant 1 : index
    %get3A_6 = arith.constant 0 : index
    %get3A_7 = vector.load %arg3[%get3A_5, %get3A_6] : memref<2x1024xf32, #tpu.memory_space<vmem>>, vector<1x1024xf32>
    %get3A_8 = vector.shape_cast %get3A_7 : vector<1x1024xf32> to vector<1024xf32>
    %add3A_9 = arith.addf %add3A_4, %get3A_8 : vector<1024xf32>
    %rsqrt3A = math.rsqrt %add3A_9 : vector<1024xf32>
    %get3A_10 = arith.constant 0 : index
    %get3A_11 = arith.constant 0 : index
    %get3A_12 = vector.load %arg1[%get3A_10, %get3A_11] : memref<1024x128xf32, #tpu.memory_space<vmem>>, vector<1024x128xf32>
    %get3A_13 = arith.constant 0 : index
    %get3A_14 = arith.constant 0 : index
    %get3A_15 = vector.load %arg2[%get3A_13, %get3A_14] : memref<128x128xf32, #tpu.memory_space<vmem>>, vector<128x128xf32>
    %dot_general3A = arith.constant dense<0.000000e+00> : vector<1024x128xf32>
    %dot_general3A_16 = tpu.matmul %get3A_12, %get3A_15, %dot_general3A {dimension_numbers = #tpu.dot_dimension_numbers<[1], [0], [0], [1], [0, 0, 1, 1], [], []>, transpose_lhs_hint = false} : vector<1024x128xf32>, vector<128x128xf32>, vector<1024x128xf32> -> vector<1024x128xf32>
    %broadcast_in_dim3A = vector.shape_cast %rsqrt3A : vector<1024xf32> to vector<1024x1xf32>
    %mul3A = vector.broadcast %broadcast_in_dim3A : vector<1024x1xf32> to vector<1024x128xf32>
    %mul3A_17 = arith.mulf %dot_general3A_16, %mul3A : vector<1024x128xf32>
    %swap3A = arith.constant 0 : index
    %swap3A_18 = arith.constant 0 : index
    %swap3A_19 = vector.load %arg4[%swap3A, %swap3A_18] : memref<1024x128xf32, #tpu.memory_space<vmem>>, vector<1024x128xf32>
    tpu.vector_store %arg4[%swap3A, %swap3A_18], %mul3A_17 {strides = array<i32>} : memref<1024x128xf32, #tpu.memory_space<vmem>>, vector<1024x128xf32>,
    return
  }
  func.func @transform_0(%arg0: i32) -> (i32, i32) {
    %c0_i32 = arith.constant 0 : i32
    %c0_i32_0 = arith.constant 0 : i32
    return %arg0, %c0_i32 : i32, i32
  }
  func.func @transform_1(%arg0: i32) -> (i32, i32) {
    %c0_i32 = arith.constant 0 : i32
    %c0_i32_0 = arith.constant 0 : i32
    %c0_i32_1 = arith.constant 0 : i32
    return %c0_i32, %c0_i32_0 : i32, i32
  }
  func.func @transform_2(%arg0: i32) -> (i32, i32) {
    %c0_i32 = arith.constant 0 : i32
    %c0_i32_0 = arith.constant 0 : i32
    return %c0_i32, %arg0 : i32, i32
  }
  func.func @transform_3(%arg0: i32) -> (i32, i32) {
    %c0_i32 = arith.constant 0 : i32
    %c0_i32_0 = arith.constant 0 : i32
    return %arg0, %c0_i32 : i32, i32
  }
}

module attributes {stable_mosaic.version = 14 : i64} {
  func.func @body(%arg0: i32, %arg1: memref<2x1024x128xf32, #tpu.memory_space<vmem>>, %arg2: memref<2x1024xf32, #tpu.memory_space<vmem>>, %arg3: memref<1024x128xf32, #tpu.memory_space<vmem>>, %arg4: memref<1x128xf32, #tpu.memory_space<vmem>>, %arg5: memref<128x128xf32, #tpu.memory_space<vmem>>, %arg6: memref<1x128xf32, #tpu.memory_space<vmem>>, %arg7: memref<128x128xf32, #tpu.memory_space<vmem>>, %arg8: memref<1x128xf32, #tpu.memory_space<vmem>>, %arg9: memref<128x1xf32, #tpu.memory_space<vmem>>, %arg10: memref<1x1xf32, #tpu.memory_space<vmem>>, %arg11: memref<128x128xf32, #tpu.memory_space<vmem>>, %arg12: memref<1x128xf32, #tpu.memory_space<vmem>>, %arg13: memref<128x2048xbf16, #tpu.memory_space<vmem>>, %arg14: memref<1x16xf32, #tpu.memory_space<vmem>>, %arg15: memref<1024x1xf32, #tpu.memory_space<vmem>>, %arg16: memref<1024x16xf32, #tpu.memory_space<vmem>>) attributes {dimension_semantics = [#tpu.dimension_semantics<arbitrary>], iteration_bounds = array<i64: 10>, scalar_prefetch = 0 : i64, scratch_operands = 0 : i64, tpu.core_type = #tpu.core_type<tc>, window_params = [{transform_indices = @transform_0, window_bounds = array<i64: 2, 1024, 128>}, {transform_indices = @transform_1, window_bounds = array<i64: 2, 1024>}, {transform_indices = @transform_2, window_bounds = array<i64: 1024, 128>}, {pipeline_mode = #tpu.pipeline_mode<synchronous>, transform_indices = @transform_3, window_bounds = array<i64: 1, 128>}, {pipeline_mode = #tpu.pipeline_mode<synchronous>, transform_indices = @transform_4, window_bounds = array<i64: 128, 128>}, {pipeline_mode = #tpu.pipeline_mode<synchronous>, transform_indices = @transform_5, window_bounds = array<i64: 1, 128>}, {pipeline_mode = #tpu.pipeline_mode<synchronous>, transform_indices = @transform_6, window_bounds = array<i64: 128, 128>}, {pipeline_mode = #tpu.pipeline_mode<synchronous>, transform_indices = @transform_7, window_bounds = array<i64: 1, 128>}, {pipeline_mode = #tpu.pipeline_mode<synchronous>, transform_indices = @transform_8, window_bounds = array<i64: 128, 1>}, {pipeline_mode = #tpu.pipeline_mode<synchronous>, transform_indices = @transform_9, window_bounds = array<i64: 1, 1>}, {pipeline_mode = #tpu.pipeline_mode<synchronous>, transform_indices = @transform_10, window_bounds = array<i64: 128, 128>}, {pipeline_mode = #tpu.pipeline_mode<synchronous>, transform_indices = @transform_11, window_bounds = array<i64: 1, 128>}, {pipeline_mode = #tpu.pipeline_mode<synchronous>, transform_indices = @transform_12, window_bounds = array<i64: 128, 2048>}, {pipeline_mode = #tpu.pipeline_mode<synchronous>, transform_indices = @transform_13, window_bounds = array<i64: 1, 16>}, {transform_indices = @transform_14, window_bounds = array<i64: 1024, 1>}, {transform_indices = @transform_15, window_bounds = array<i64: 1024, 16>}]} {
    %get3A = arith.constant 0 : index
    %get3A_0 = arith.constant 0 : index
    %get3A_1 = vector.load %arg2[%get3A, %get3A_0] : memref<2x1024xf32, #tpu.memory_space<vmem>>, vector<1x1024xf32>
    %get3A_2 = vector.shape_cast %get3A_1 : vector<1x1024xf32> to vector<1024xf32>
    %add3A = arith.constant 1.000000e+00 : f32
    %add3A_3 = vector.broadcast %add3A : f32 to vector<1024xf32>
    %add3A_4 = arith.addf %add3A_3, %get3A_2 : vector<1024xf32>
    %get3A_5 = arith.constant 1 : index
    %get3A_6 = arith.constant 0 : index
    %get3A_7 = vector.load %arg2[%get3A_5, %get3A_6] : memref<2x1024xf32, #tpu.memory_space<vmem>>, vector<1x1024xf32>
    %get3A_8 = vector.shape_cast %get3A_7 : vector<1x1024xf32> to vector<1024xf32>
    %add3A_9 = arith.addf %add3A_4, %get3A_8 : vector<1024xf32>
    %rsqrt3A = math.rsqrt %add3A_9 : vector<1024xf32>
    %get3A_10 = arith.constant 0 : index
    %get3A_11 = arith.constant 0 : index
    %get3A_12 = arith.constant 0 : index
    %get3A_13 = vector.load %arg1[%get3A_10, %get3A_11, %get3A_12] : memref<2x1024x128xf32, #tpu.memory_space<vmem>>, vector<1x1024x128xf32>
    %get3A_14 = vector.shape_cast %get3A_13 : vector<1x1024x128xf32> to vector<1024x128xf32>
    %get3A_15 = arith.constant 1 : index
    %get3A_16 = arith.constant 0 : index
    %get3A_17 = arith.constant 0 : index
    %get3A_18 = vector.load %arg1[%get3A_15, %get3A_16, %get3A_17] : memref<2x1024x128xf32, #tpu.memory_space<vmem>>, vector<1x1024x128xf32>
    %get3A_19 = vector.shape_cast %get3A_18 : vector<1x1024x128xf32> to vector<1024x128xf32>
    %add3A_20 = arith.addf %get3A_14, %get3A_19 : vector<1024x128xf32>
    %broadcast_in_dim3A = vector.shape_cast %rsqrt3A : vector<1024xf32> to vector<1024x1xf32>
    %mul3A = vector.broadcast %broadcast_in_dim3A : vector<1024x1xf32> to vector<1024x128xf32>
    %mul3A_21 = arith.mulf %add3A_20, %mul3A : vector<1024x128xf32>
    %get3A_22 = arith.constant 0 : index
    %get3A_23 = arith.constant 0 : index
    %get3A_24 = vector.load %arg4[%get3A_22, %get3A_23] : memref<1x128xf32, #tpu.memory_space<vmem>>, vector<1x128xf32>
    %add3A_25 = vector.broadcast %get3A_24 : vector<1x128xf32> to vector<1024x128xf32>
    %add3A_26 = arith.addf %mul3A_21, %add3A_25 : vector<1024x128xf32>
    %max3A = arith.constant 0.000000e+00 : f32
    %max3A_27 = vector.broadcast %max3A : f32 to vector<1024x128xf32>
    %max3A_28 = arith.maximumf %add3A_26, %max3A_27 : vector<1024x128xf32>
    %get3A_29 = arith.constant 0 : index
    %get3A_30 = arith.constant 0 : index
    %get3A_31 = vector.load %arg3[%get3A_29, %get3A_30] : memref<1024x128xf32, #tpu.memory_space<vmem>>, vector<1024x128xf32>
    %add3A_32 = arith.addf %max3A_28, %get3A_31 : vector<1024x128xf32>
    %get3A_33 = arith.constant 0 : index
    %get3A_34 = arith.constant 0 : index
    %get3A_35 = vector.load %arg5[%get3A_33, %get3A_34] : memref<128x128xf32, #tpu.memory_space<vmem>>, vector<128x128xf32>
    %dot_general3A = arith.constant dense<0.000000e+00> : vector<1024x128xf32>
    %dot_general3A_36 = tpu.matmul %add3A_32, %get3A_35, %dot_general3A {dimension_numbers = #tpu.dot_dimension_numbers<[1], [0], [0], [1], [0, 0, 1, 1], [], []>, transpose_lhs_hint = false} : vector<1024x128xf32>, vector<128x128xf32>, vector<1024x128xf32> -> vector<1024x128xf32>
    %get3A_37 = arith.constant 0 : index
    %get3A_38 = arith.constant 0 : index
    %get3A_39 = vector.load %arg6[%get3A_37, %get3A_38] : memref<1x128xf32, #tpu.memory_space<vmem>>, vector<1x128xf32>
    %add3A_40 = vector.broadcast %get3A_39 : vector<1x128xf32> to vector<1024x128xf32>
    %add3A_41 = arith.addf %dot_general3A_36, %add3A_40 : vector<1024x128xf32>
    %max3A_42 = arith.constant 0.000000e+00 : f32
    %max3A_43 = vector.broadcast %max3A_42 : f32 to vector<1024x128xf32>
    %max3A_44 = arith.maximumf %add3A_41, %max3A_43 : vector<1024x128xf32>
    %get3A_45 = arith.constant 0 : index
    %get3A_46 = arith.constant 0 : index
    %get3A_47 = vector.load %arg7[%get3A_45, %get3A_46] : memref<128x128xf32, #tpu.memory_space<vmem>>, vector<128x128xf32>
    %dot_general3A_48 = arith.constant dense<0.000000e+00> : vector<1024x128xf32>
    %dot_general3A_49 = tpu.matmul %max3A_44, %get3A_47, %dot_general3A_48 {dimension_numbers = #tpu.dot_dimension_numbers<[1], [0], [0], [1], [0, 0, 1, 1], [], []>, transpose_lhs_hint = false} : vector<1024x128xf32>, vector<128x128xf32>, vector<1024x128xf32> -> vector<1024x128xf32>
    %get3A_50 = arith.constant 0 : index
    %get3A_51 = arith.constant 0 : index
    %get3A_52 = vector.load %arg8[%get3A_50, %get3A_51] : memref<1x128xf32, #tpu.memory_space<vmem>>, vector<1x128xf32>
    %add3A_53 = vector.broadcast %get3A_52 : vector<1x128xf32> to vector<1024x128xf32>
    %add3A_54 = arith.addf %dot_general3A_49, %add3A_53 : vector<1024x128xf32>
    %max3A_55 = arith.constant 0.000000e+00 : f32
    %max3A_56 = vector.broadcast %max3A_55 : f32 to vector<1024x128xf32>
    %max3A_57 = arith.maximumf %add3A_54, %max3A_56 : vector<1024x128xf32>
    %get3A_58 = arith.constant 0 : index
    %get3A_59 = arith.constant 0 : index
    %get3A_60 = vector.load %arg9[%get3A_58, %get3A_59] : memref<128x1xf32, #tpu.memory_space<vmem>>, vector<128x1xf32>
    %dot_general3A_61 = arith.constant dense<0.000000e+00> : vector<1024x1xf32>
    %dot_general3A_62 = tpu.matmul %max3A_57, %get3A_60, %dot_general3A_61 {dimension_numbers = #tpu.dot_dimension_numbers<[1], [0], [0], [1], [0, 0, 1, 1], [], []>, transpose_lhs_hint = false} : vector<1024x128xf32>, vector<128x1xf32>, vector<1024x1xf32> -> vector<1024x1xf32>
    %get3A_63 = arith.constant 0 : index
    %get3A_64 = arith.constant 0 : index
    %get3A_65 = vector.load %arg10[%get3A_63, %get3A_64] : memref<1x1xf32, #tpu.memory_space<vmem>>, vector<1x1xf32>
    %add3A_66 = vector.broadcast %get3A_65 : vector<1x1xf32> to vector<1024x1xf32>
    %add3A_67 = arith.addf %dot_general3A_62, %add3A_66 : vector<1024x1xf32>
    %swap3A = arith.constant 0 : index
    %swap3A_68 = arith.constant 0 : index
    %swap3A_69 = vector.load %arg15[%swap3A, %swap3A_68] : memref<1024x1xf32, #tpu.memory_space<vmem>>, vector<1024x1xf32>
    tpu.vector_store %arg15[%swap3A, %swap3A_68], %add3A_67 {strides = array<i32>} : memref<1024x1xf32, #tpu.memory_space<vmem>>, vector<1024x1xf32>,
    %get3A_70 = arith.constant 0 : index
    %get3A_71 = arith.constant 0 : index
    %get3A_72 = vector.load %arg11[%get3A_70, %get3A_71] : memref<128x128xf32, #tpu.memory_space<vmem>>, vector<128x128xf32>
    %dot_general3A_73 = arith.constant dense<0.000000e+00> : vector<1024x128xf32>
    %dot_general3A_74 = tpu.matmul %max3A_44, %get3A_72, %dot_general3A_73 {dimension_numbers = #tpu.dot_dimension_numbers<[1], [0], [0], [1], [0, 0, 1, 1], [], []>, transpose_lhs_hint = false} : vector<1024x128xf32>, vector<128x128xf32>, vector<1024x128xf32> -> vector<1024x128xf32>
    %get3A_75 = arith.constant 0 : index
    %get3A_76 = arith.constant 0 : index
    %get3A_77 = vector.load %arg12[%get3A_75, %get3A_76] : memref<1x128xf32, #tpu.memory_space<vmem>>, vector<1x128xf32>
    %add3A_78 = vector.broadcast %get3A_77 : vector<1x128xf32> to vector<1024x128xf32>
    %add3A_79 = arith.addf %dot_general3A_74, %add3A_78 : vector<1024x128xf32>
    %max3A_80 = arith.constant 0.000000e+00 : f32
    %max3A_81 = vector.broadcast %max3A_80 : f32 to vector<1024x128xf32>
    %max3A_82 = arith.maximumf %add3A_79, %max3A_81 : vector<1024x128xf32>
    %convert_element_type3A = arith.truncf %max3A_82 : vector<1024x128xf32> to vector<1024x128xbf16>
    %get3A_83 = arith.constant 0 : index
    %get3A_84 = arith.constant 0 : index
    %get3A_85 = vector.load %arg13[%get3A_83, %get3A_84] : memref<128x2048xbf16, #tpu.memory_space<vmem>>, vector<128x2048xbf16>
    %dot_general3A_86 = arith.constant dense<0.000000e+00> : vector<1024x2048xf32>
    %dot_general3A_87 = tpu.matmul %convert_element_type3A, %get3A_85, %dot_general3A_86 {dimension_numbers = #tpu.dot_dimension_numbers<[1], [0], [0], [1], [0, 0, 1, 1], [], []>, transpose_lhs_hint = false} : vector<1024x128xbf16>, vector<128x2048xbf16>, vector<1024x2048xf32> -> vector<1024x2048xf32>
    %reshape3A = vector.shape_cast %dot_general3A_87 : vector<1024x2048xf32> to vector<1024x16x128xf32>
    %broadcast_in_dim3A_88 = vector.shape_cast %max3A_82 : vector<1024x128xf32> to vector<1024x1x128xf32>
    %mul3A_89 = vector.broadcast %broadcast_in_dim3A_88 : vector<1024x1x128xf32> to vector<1024x16x128xf32>
    %mul3A_90 = arith.mulf %reshape3A, %mul3A_89 : vector<1024x16x128xf32>
    %reduce_sum3A = arith.constant dense<0.000000e+00> : vector<1024x16xf32>
    %reduce_sum3A_91 = vector.multi_reduction <add>, %mul3A_90, %reduce_sum3A [2] : vector<1024x16x128xf32> to vector<1024x16xf32>
    %get3A_92 = arith.constant 0 : index
    %get3A_93 = arith.constant 0 : index
    %get3A_94 = vector.load %arg14[%get3A_92, %get3A_93] : memref<1x16xf32, #tpu.memory_space<vmem>>, vector<1x16xf32>
    %add3A_95 = vector.broadcast %get3A_94 : vector<1x16xf32> to vector<1024x16xf32>
    %add3A_96 = arith.addf %reduce_sum3A_91, %add3A_95 : vector<1024x16xf32>
    %swap3A_97 = arith.constant 0 : index
    %swap3A_98 = arith.constant 0 : index
    %swap3A_99 = vector.load %arg16[%swap3A_97, %swap3A_98] : memref<1024x16xf32, #tpu.memory_space<vmem>>, vector<1024x16xf32>
    tpu.vector_store %arg16[%swap3A_97, %swap3A_98], %add3A_96 {strides = array<i32>} : memref<1024x16xf32, #tpu.memory_space<vmem>>, vector<1024x16xf32>,
    return
  }
  func.func @transform_0(%arg0: i32) -> (i32, i32, i32) {
    %c0_i32 = arith.constant 0 : i32
    %c0_i32_0 = arith.constant 0 : i32
    %c0_i32_1 = arith.constant 0 : i32
    return %c0_i32, %arg0, %c0_i32_0 : i32, i32, i32
  }
  func.func @transform_1(%arg0: i32) -> (i32, i32) {
    %c0_i32 = arith.constant 0 : i32
    %c0_i32_0 = arith.constant 0 : i32
    return %c0_i32, %arg0 : i32, i32
  }
  func.func @transform_2(%arg0: i32) -> (i32, i32) {
    %c0_i32 = arith.constant 0 : i32
    %c0_i32_0 = arith.constant 0 : i32
    return %arg0, %c0_i32 : i32, i32
  }
  func.func @transform_3(%arg0: i32) -> (i32, i32) {
    %c0_i32 = arith.constant 0 : i32
    %c0_i32_0 = arith.constant 0 : i32
    %c0_i32_1 = arith.constant 0 : i32
    return %c0_i32, %c0_i32_0 : i32, i32
  }
  func.func @transform_4(%arg0: i32) -> (i32, i32) {
    %c0_i32 = arith.constant 0 : i32
    %c0_i32_0 = arith.constant 0 : i32
    %c0_i32_1 = arith.constant 0 : i32
    return %c0_i32, %c0_i32_0 : i32, i32
  }
  func.func @transform_5(%arg0: i32) -> (i32, i32) {
    %c0_i32 = arith.constant 0 : i32
    %c0_i32_0 = arith.constant 0 : i32
    %c0_i32_1 = arith.constant 0 : i32
    return %c0_i32, %c0_i32_0 : i32, i32
  }
  func.func @transform_6(%arg0: i32) -> (i32, i32) {
    %c0_i32 = arith.constant 0 : i32
    %c0_i32_0 = arith.constant 0 : i32
    %c0_i32_1 = arith.constant 0 : i32
    return %c0_i32, %c0_i32_0 : i32, i32
  }
  func.func @transform_7(%arg0: i32) -> (i32, i32) {
    %c0_i32 = arith.constant 0 : i32
    %c0_i32_0 = arith.constant 0 : i32
    %c0_i32_1 = arith.constant 0 : i32
    return %c0_i32, %c0_i32_0 : i32, i32
  }
  func.func @transform_8(%arg0: i32) -> (i32, i32) {
    %c0_i32 = arith.constant 0 : i32
    %c0_i32_0 = arith.constant 0 : i32
    %c0_i32_1 = arith.constant 0 : i32
    return %c0_i32, %c0_i32_0 : i32, i32
  }
  func.func @transform_9(%arg0: i32) -> (i32, i32) {
    %c0_i32 = arith.constant 0 : i32
    %c0_i32_0 = arith.constant 0 : i32
    %c0_i32_1 = arith.constant 0 : i32
    return %c0_i32, %c0_i32_0 : i32, i32
  }
  func.func @transform_10(%arg0: i32) -> (i32, i32) {
    %c0_i32 = arith.constant 0 : i32
    %c0_i32_0 = arith.constant 0 : i32
    %c0_i32_1 = arith.constant 0 : i32
    return %c0_i32, %c0_i32_0 : i32, i32
  }
  func.func @transform_11(%arg0: i32) -> (i32, i32) {
    %c0_i32 = arith.constant 0 : i32
    %c0_i32_0 = arith.constant 0 : i32
    %c0_i32_1 = arith.constant 0 : i32
    return %c0_i32, %c0_i32_0 : i32, i32
  }
  func.func @transform_12(%arg0: i32) -> (i32, i32) {
    %c0_i32 = arith.constant 0 : i32
    %c0_i32_0 = arith.constant 0 : i32
    %c0_i32_1 = arith.constant 0 : i32
    return %c0_i32, %c0_i32_0 : i32, i32
  }
  func.func @transform_13(%arg0: i32) -> (i32, i32) {
    %c0_i32 = arith.constant 0 : i32
    %c0_i32_0 = arith.constant 0 : i32
    %c0_i32_1 = arith.constant 0 : i32
    return %c0_i32, %c0_i32_0 : i32, i32
  }
  func.func @transform_14(%arg0: i32) -> (i32, i32) {
    %c0_i32 = arith.constant 0 : i32
    %c0_i32_0 = arith.constant 0 : i32
    return %arg0, %c0_i32 : i32, i32
  }
  func.func @transform_15(%arg0: i32) -> (i32, i32) {
    %c0_i32 = arith.constant 0 : i32
    %c0_i32_0 = arith.constant 0 : i32
    return %arg0, %c0_i32 : i32, i32
  }
}

</mosaic_0001>

<sc_bundles>
// kernel: kernel.6.cloned.1.call-start
scs
__scs_entry_jumppad:
0x0: {  	(pc) =	sbr.rel $0x88, $3  }
0x1: {  	(tag) =	ssettag $0x0;
	lr =	simm.s32 $0x1  }
0x2: {  	[smem:$0x3F93] =	sst lr;
	_ =	strace $0xD0000000  }
0x3: {  	_ = 	snop  }
0x4: {  	_ = 	snop  }
0x5: {  	_ = 	snop  }
0x6: {  	_ = 	snop  }
0x7: {  	_ = 	snop  }
__scs_overlays_trampoline_lowered:
0x8: {  	[smem:$0x3FA2] =	sst s0  }
0x9: {  	[smem:$0x3FA3] =	sst s1  }
0xa: {  	[smem:$0x3FA4] =	sst s2  }
0xb: {  	[smem:$0x3FA5] =	sst s3  }
0xc: {  	[smem:$0x3FA6] =	sst s4  }
0xd: {  	[smem:$0x3FA7] =	sst s5  }
0xe: {  	[smem:$0x3FA8] =	sst s6  }
0xf: {  	[smem:$0x3FA9] =	sst s7  }
0x10: {  	[smem:$0x3FAA] =	sst s8  }
0x11: {  	[smem:$0x3FAB] =	sst s9;
	s0 =	simm.s32 @!p0 $0x0  }
0x12: {  	s1 =	sld [smem:$0x3F91];
	s0 =	simm.s32 @p0 $0x1  }
0x13: {  	[smem:$0x3FAC] =	sst s0;
	s0 =	simm.s32 @!p1 $0x0  }
0x14: {  	s2 =	sld [smem:$0x3F90];
	s0 =	simm.s32 @p1 $0x1  }
0x15: {  	[smem:$0x3FAD] =	sst s0;
	s0 =	simm.s32 @!p2 $0x0  }
0x16: {  	s3 =	sld [smem:$0x3FDB];
	s0 =	simm.s32 @p2 $0x1  }
0x17: {  	s4 =	simm.s32 $0x1BF5;
	[smem:$0x3FAF] =	sst s0  }
0x18: {  	s0 =	sld [smem:$0x3F92];
	_ =	swait.ge [sflag:s4], $0x0  }
0x19: {  	s7 =	sld [smem:$0x3F93]  }
0x1a: {  	s8 =	sadd.s32 $0xFFFFE003, lr  }
0x1b: {  	s9 =	sadd.s32 $0xFFFFFEF7, lr;
	s5 =	simm.s32 $0xFFFFFFFF;
	p2 =	slt.u32 s8, $0xFFFFF086  }
0x1c: {  	p1 =	slt.u32 s9, $0xF7A;
	s5 =	simm.s32 @!p2 $0x0  }
0x1d: {  	s5 =	simm.s32 @p1 $0x1;
	p0 =	seq.s32 s7, s2  }
0x1e: {  	s7 =	smul.u32 @!p0 $0xF7A, s2;
	p2 =	seq.s32 @!p0 s5, $0x0  }
0x1f: {  	s9 =	smul.u32 $0xF7A, s1;
	s8 =	simm.s32 @!p0 $0x1BF5;
	p2 =	por !p2, p0  }
0x20: {  	[sflag:s8] =	ssyncset.s32 @!p0 $0xFFFFF086;
	s6 =	sadd.s32 @!p0 s3, s7;
	s7 =	simm.s32 @!p0 $0x108  }
0x21: {  	s3 =	sadd.s32 s3, s9;
	s6 =	sadd.s32 @!p0 $0x88, s6;
	s7 =	simm.s32 @p2 $0x1082  }
0x22: {  	[simem:s7], [sflag:s8] =	dma.local @!p0 [hbm:s6], $0xF7A  }
0x23: {  	s9 =	sor.u32 $0xD0000000, s2;
	s6 =	simm.s32 $0x108;
	_ =	swait.ge @!p0 [sflag:s8], $0x0  }
0x24: {  	s3 =	sadd.s32 $0x88, s3;
	s6 =	simm.s32 @!p1 $0x1082;
	[sflag:s4] =	ssyncset.s32 $0xFFFFF086  }
0x25: {  	[simem:s6], [sflag:s4] =	dma.local [hbm:s3], $0xF7A  }
0x26: {  	[smem:$0x3F93] =	sst s1;
	(tag) =	ssettag s2;
	_ =	strace s9  }
0x27: {  	s1 =	sld [smem:$0x3FA3]  }
0x28: {  	s2 =	sld [smem:$0x3FA4]  }
0x29: {  	s4 =	sld [smem:$0x3FA6]  }
0x2a: {  	p0 =	seq.s32 s5, $0x0;
	s5 =	sld [smem:$0x3FA7]  }
0x2b: {  	s6 =	sld [smem:$0x3FA8]  }
0x2c: {  	s7 =	sld [smem:$0x3FA9]  }
0x2d: {  	s3 =	simm.s32 $0x108;
	s8 =	sld [smem:$0x3FAA]  }
0x2e: {  	s3 =	simm.s32 @!p0 $0x1082;
	s9 =	sld [smem:$0x3FAB]  }
0x2f: {  	lr =	sadd.s32 s0, s3;
	s0 =	sld [smem:$0x3FA2]  }
0x30: {  	s3 =	sld [smem:$0x3FA5]  }
0x31: {  	[smem:$0x3FAE] =	sst s10  }
0x32: {  	s10 =	sld [smem:$0x3FAC];
	_ =	sdelay $0x3  }
0x33: {  	p0 =	seq.s32 s10, $0x1;
	s10 =	sld [smem:$0x3FAE];
	_ =	sdelay $0x3  }
0x34: {  	[smem:$0x3FAE] =	sst s10  }
0x35: {  	s10 =	sld [smem:$0x3FAD];
	_ =	sdelay $0x3  }
0x36: {  	p1 =	seq.s32 s10, $0x1;
	s10 =	sld [smem:$0x3FAE];
	_ =	sdelay $0x3  }
0x37: {  	[smem:$0x3FAE] =	sst s10  }
0x38: {  	s10 =	sld [smem:$0x3FAF]  }
0x39: {  	_ = 	snop;
	(pc) =	sbr.ind lr, $3  }
0x3a: {  	_ = 	snop  }
0x3b: {  	_ = 	snop  }
0x3c: {  	p2 =	seq.s32 s10, $0x1;
	s10 =	sld [smem:$0x3FAE]  }
0x3d: {  	_ =	shalt  }
0x3e: {  	_ =	shalt  }
0x3f: {  	_ =	shalt  }
0x40: {  	_ =	shalt  }
0x41: {  	_ =	shalt  }
0x42: {  	_ =	shalt  }
0x43: {  	_ =	shalt  }
0x44: {  	_ =	shalt  }
0x45: {  	_ =	shalt  }
0x46: {  	_ =	shalt  }
0x47: {  	_ =	shalt  }
0x48: {  	_ =	shalt  }
0x49: {  	_ =	shalt  }
0x4a: {  	_ =	shalt  }
0x4b: {  	_ =	shalt  }
0x4c: {  	_ =	shalt  }
0x4d: {  	_ =	shalt  }
0x4e: {  	_ =	shalt  }
0x4f: {  	_ =	shalt  }
0x50: {  	_ =	shalt  }
0x51: {  	_ =	shalt  }
0x52: {  	_ =	shalt  }
0x53: {  	_ =	shalt  }
0x54: {  	_ =	shalt  }
0x55: {  	_ =	shalt  }
0x56: {  	_ =	shalt  }
0x57: {  	_ =	shalt  }
0x58: {  	_ =	shalt  }
0x59: {  	_ =	shalt  }
0x5a: {  	_ =	shalt  }
0x5b: {  	_ =	shalt  }
0x5c: {  	_ =	shalt  }
0x5d: {  	_ =	shalt  }
0x5e: {  	_ =	shalt  }
0x5f: {  	_ =	shalt  }
0x60: {  	_ =	shalt  }
0x61: {  	_ =	shalt  }
0x62: {  	_ =	shalt  }
0x63: {  	_ =	shalt  }
0x64: {  	_ =	shalt  }
0x65: {  	_ =	shalt  }
0x66: {  	_ =	shalt  }
0x67: {  	_ =	shalt  }
0x68: {  	_ =	shalt  }
0x69: {  	_ =	shalt  }
0x6a: {  	_ =	shalt  }
0x6b: {  	_ =	shalt  }
0x6c: {  	_ =	shalt  }
0x6d: {  	_ =	shalt  }
0x6e: {  	_ =	shalt  }
0x6f: {  	_ =	shalt  }
0x70: {  	_ =	shalt  }
0x71: {  	_ =	shalt  }
0x72: {  	_ =	shalt  }
0x73: {  	_ =	shalt  }
0x74: {  	_ =	shalt  }
0x75: {  	_ =	shalt  }
0x76: {  	_ =	shalt  }
0x77: {  	_ =	shalt  }
0x78: {  	_ =	shalt  }
0x79: {  	_ =	shalt  }
0x7a: {  	_ =	shalt  }
0x7b: {  	_ =	shalt  }
0x7c: {  	_ =	shalt  }
0x7d: {  	_ =	shalt  }
0x7e: {  	_ =	shalt  }
0x7f: {  	_ =	shalt  }
0x80: {  	_ =	shalt  }
0x81: {  	_ =	shalt  }
0x82: {  	_ =	shalt  }
0x83: {  	_ =	shalt  }
0x84: {  	_ =	shalt  }
0x85: {  	_ =	shalt  }
0x86: {  	_ =	shalt  }
0x87: {  	_ =	shalt  }
.Lfunc_end0:
.L_simem_size_0:
called_computation_lowered:
.L_overlay_start_0:
0x88: {  	s2 =	sld [smem:$0x3FD9]  }
0x89: {  	s3 =	sld [smem:$0x3FFE];
	_ =	sdelay $0x1  }
0x8a: {  	s1 =	srdreg.scid  }
0x8b: {  	s0 =	sand.u32 $0x1, s1  }
0x8c: {  	s14 =	sshll.u32 s0, $0xA;
	s2 =	sadd.s32 s3, s2  }
0x8d: {  	s2 =	sadd.s32 s2, s14  }
0x8e: {  	[smem:$0x3FBA] =	sst s2  }
0x8f: {  	_ = 	snop  }
0x90: {  	s2 =	sld [smem:$0x3FD0];
	_ =	sdelay $0x2  }
0x91: {  	s15 =	simm.s32 $0xA;
	s4 =	simm.s32 $0x10  }
0x92: {  	[smem:s4], [sflag:s15] =	dma.local [hbm:s2], $0x1  }
0x93: {  	_ =	swait.eq [sflag:s15], $0x1  }
0x94: {  	[sflag:s15] =	ssyncset.done $0x0  }
0x95: {  	[sflag:s15] =	ssyncadd.s32 $0xFFFFFFFF  }
0x96: {  	s16 =	sld [smem:$0x11];
	(tm) =	ssettm $0x1  }
0x97: {  	s17 =	sld [smem:$0x3FFB];
	_ =	sdelay $0x3  }
0x98: {  	_ =	strace s17  }
0x99: {  	s3 =	sld [smem:$0x3FFC];
	_ =	sdelay $0x3  }
0x9a: {  	_ =	strace s3  }
0x9b: {  	s3 =	sld [smem:$0x3FFD];
	_ =	sdelay $0x3  }
0x9c: {  	_ =	strace s3  }
0x9d: {  	_ =	strace $0x8FFFFFFF  }
0x9e: {  	s18 =	sld [smem:$0x3FDB];
	_ =	sdelay $0x1  }
0x9f: {  	s19 =	simm.s32 $_scs_section_size  }
0xa0: {  	s5 =	simm.s32 $_size__tile_overlayer_lowered;
	s6 =	simm.s32 $_tile_overlayer_lowered  }
0xa1: {  	s22 =	simm.s32 $0x1BFF;
	s21 =	sshll.u32 s6, $0x1;
	s3 =	sadd.s32 s19, s18  }
0xa2: {  	s7 =	simm.s32 $0x0;
	s20 =	sshll.u32 s5, $0x1;
	s5 =	sadd.s32 s21, s3  }
0xa3: {  	[timem:s7], [sflag:s22] =	dma.local [hbm:s5], s20  }
0xa4: {  	_ =	swait.ge [sflag:s22], s20  }
0xa5: {  	s4 =	ssub.s32 $0x0, s20;
	[sflag:s22] =	ssyncset.done $0x0  }
0xa6: {  	[sflag:s22] =	ssyncadd.s32 s4;
	_ =	sdelay $0x1  }
0xa7: {  	s23 =	simm.s32 $0x1B8B  }
0xa8: {  	_ =	swait.ge [sflag:s23], $0x1  }
0xa9: {  	[sflag:s23] =	ssyncset.done $0x0  }
0xaa: {  	s25 =	simm.s32 $0x1B8E;
	s24 =	sld [smem:$0x3FFE];
	[sflag:s23] =	ssyncadd.s32 $0xFFFFFFFF  }
0xab: {  	s26 =	simm.s32 $execute0_lowered;
	[smem:$0x3FD2] =	sst s25  }
0xac: {  	s5 =	sshll.u32 s26, $0x1;
	_ =	strace $0x80000046;
	[dreg:$0x1] =	wrdreg $0xFFFFFFFF  }
0xad: {  	s28 =	simm.s32 $_size_execute0_lowered;
	s3 =	sadd.s32 s3, s5;
	[dreg:$0x0] =	wrdreg $0x0  }
0xae: {  	s5 =	sshll.u32 s28, $0x1;
	[dreg:$0x2] =	wrdreg s3  }
0xaf: {  	[dreg:$0x3] =	wrdreg s5  }
0xb0: {  	[dreg:$0x4] =	wrdreg $0xC0  }
0xb1: {  	_ =	task [dreg:s7], $0x5FFFF  }
0xb2: {  	[dreg:$0x1] =	wrdreg $0xFFFFFFFF  }
0xb3: {  	[dreg:$0x0] =	wrdreg $0x60  }
0xb4: {  	[dreg:$0x2] =	wrdreg s24  }
0xb5: {  	[dreg:$0x3] =	wrdreg s16  }
0xb6: {  	[dreg:$0x4] =	wrdreg $0x2B000  }
0xb7: {  	[dreg:$0x5] =	wrdreg $0x9  }
0xb8: {  	_ =	task.clear_ibuf [dreg:s7], $0x6FFFF;
	_ =	strace $0x90000046  }
0xb9: {  	s29 =	simm.s32 $0x9;
	_ =	strace $0x80000048  }
0xba: {  	_ =	swait.ge [sflag:s29], $0x1  }
0xbb: {  	[sflag:s29] =	ssyncadd.s32 $0xFFFFFFFF  }
0xbc: {  	_ =	strace $0x90000048  }
0xbd: {  	_ =	sfence  }
0xbe: {  	s30 =	sld [smem:$0x0];
	_ =	sdelay $0x2  }
0xbf: {  	s31 =	sshll.u32 s1, $0xD;
	s1 =	sshrl.u32 s1, $0x2  }
0xc0: {  	s3 =	sand.u32 $0x4000, s31;
	s1 =	sadd.s32 s1, s30  }
0xc1: {  	s0 =	sor.u32 s3, s0;
	s1 =	sshll.u32 s1, $0x11  }
0xc2: {  	s0 =	sor.u32 s1, s0  }
0xc3: {  	s0 =	sadd.s32 $0x8F2B, s0  }
0xc4: {  	[sflag:s0] =	ssyncadd.remote.s32 $0x1  }
0xc5: {  	_ =	sfence.sel $0xFFFF  }
0xc6: {  	[dreg:$0x0] =	wrdreg $0xFFFFFFFF;
	(pc) =	sbr.abs _section_cstart, $3  }
0xc7: {  	[dreg:$0x1] =	wrdreg $0xFFFFFFFF  }
0xc8: {  	_ =	task.clear_ibuf [dreg:s7], $0x2FFFF;
	_ =	strace $0x9FFFFFFF  }
0xc9: {  	(tm) =	ssettm $0x7FFFFFFF  }
tec
execute0_lowered:
.L_overlay_start_1:
0x0: {  	(tag) =	ssettag $0x1  }
0x1: {  	s4 =	rddreg [dreg:$0x0];
	s1 =	srdreg.scid  }
0x2: {  	s0 =	stileid.u32;
	s6 =	rddreg [dreg:$0x1]  }
0x3: {  	s2 =	rddreg [dreg:$0x2];
	s3 =	simm.s32 $0x0;
	s11 =	simm.s32 $0x2800  }
0x4: {  	s14 =	simm.s32 $0x20;
	s15 =	simm.s32 $0x10;
	s16 =	simm.s32 $0x0  }
0x5: {  	s5 =	sand.u32 $0x1, s1;
	s1 =	rddreg [dreg:$0x3];
	s8 =	smul.u32 $0xA00, s0  }
0x6: {  	s28 =	sshll.u32 s0, $0x1;
	[smem:$0x7FF] =	sst s3;
	s10 =	smul.u32 $0x500, s0  }
0x7: {  	s12 =	sshll.u32 s0, $0x6;
	s7 =	sor.u32 s5, s28;
	_ =	strace $0x80000047  }
0x8: {  	s9 =	ssub.s32 $0x2, s5;
	s5 =	sshll.u32 s5, $0x7;
	s12 =	sor.u32 $0x1C01, s12  }
0x9: {  	s7 =	smul.u32 $0x500, s7;
	s29 =	sshrl.u32 s9, $0x1;
	s8 =	sshrl.u32 s8, $0x2  }
0xa: {  	s30 =	sor.u32 s5, s10;
	s10 =	simm.s32 $0x80;
	s5 =	sadd.s32 s8, s2  }
0xb: {  	s31 =	sshrl.u32 s30, $0x3;
	s8 =	simm.s32 $0x1;
	s4 =	sadd.s32 s7, s4  }
0xc: {  	s7 =	ssub.s32 s9, s29;
	s6 =	sadd.s32 s6, s31;
	s9 =	simm.s32 $0x2880  }
0xd: {  	v0 =	vimm.f32 $1.000000000e+00;
	v1 =	vimm.f32 $0.0e+00;
	s13 =	sshrl.u32 s5, $0x3;
	s4 =	sadd.s32 $0x2400, s4;
	s7 =	smax.u32 s7, $0x1  }
.LBB2_1:
0xe: {  	[tilespmem:s3], [sflag:$0x1] =	stream.linear.gather [hbm4b:s4+s3], $0x2780, $0x38;
	[tilespmem:$0x2D80] =	vst v63  }
0xf: {  	_ =	swait.ge [sflag:s8], $0x2780  }
0x10: {  	[sflag:s8] =	ssyncset.done $0x0  }
0x11: {  	[sflag:s8] =	ssyncadd.s32 $0xFFFFD880  }
0x12: {  	[tilespmem:$0x2800] =	vst v0  }
0x13: {  	[tilespmem:$0x2880] =	vst v1  }
0x14: {  	[tilespmem:$0x2810] =	vst v0  }
0x15: {  	[tilespmem:$0x2890] =	vst v1  }
0x16: {  	[tilespmem:$0x2820] =	vst v0  }
0x17: {  	[tilespmem:$0x28A0] =	vst v1  }
0x18: {  	[tilespmem:$0x2830] =	vst v0  }
0x19: {  	[tilespmem:$0x28B0] =	vst v1  }
0x1a: {  	[tilespmem:$0x2840] =	vst v0  }
0x1b: {  	[tilespmem:$0x28C0] =	vst v1  }
0x1c: {  	[tilespmem:$0x2850] =	vst v0  }
0x1d: {  	[tilespmem:$0x28D0] =	vst v1  }
0x1e: {  	[tilespmem:$0x2860] =	vst v0  }
0x1f: {  	[tilespmem:$0x28E0] =	vst v1  }
0x20: {  	[tilespmem:$0x2870] =	vst v0  }
0x21: {  	[tilespmem:$0x28F0] =	vst v1  }
0x22: {  	[tilespmem:$0x2900] =	vst v1  }
0x23: {  	[tilespmem:$0x2910] =	vst v1  }
0x24: {  	[tilespmem:$0x2920] =	vst v1  }
0x25: {  	[tilespmem:$0x2930] =	vst v1  }
0x26: {  	[tilespmem:$0x2940] =	vst v1  }
0x27: {  	[tilespmem:$0x2950] =	vst v1  }
0x28: {  	[tilespmem:$0x2960] =	vst v1  }
0x29: {  	[tilespmem:$0x2970] =	vst v1  }
0x2a: {  	[tilespmem:$0x2980] =	vst v1  }
0x2b: {  	[tilespmem:$0x2990] =	vst v1  }
0x2c: {  	[tilespmem:$0x29A0] =	vst v1  }
0x2d: {  	[tilespmem:$0x29B0] =	vst v1  }
0x2e: {  	[tilespmem:$0x29C0] =	vst v1  }
0x2f: {  	[tilespmem:$0x29D0] =	vst v1  }
0x30: {  	[tilespmem:$0x29E0] =	vst v1  }
0x31: {  	[tilespmem:$0x29F0] =	vst v1  }
0x32: {  	[tilespmem:$0x2A00] =	vst v1  }
0x33: {  	[tilespmem:$0x2A10] =	vst v1  }
0x34: {  	[tilespmem:$0x2A20] =	vst v1  }
0x35: {  	[tilespmem:$0x2A30] =	vst v1  }
0x36: {  	[tilespmem:$0x2A40] =	vst v1  }
0x37: {  	[tilespmem:$0x2A50] =	vst v1  }
0x38: {  	[tilespmem:$0x2A60] =	vst v1  }
0x39: {  	[tilespmem:$0x2A70] =	vst v1  }
0x3a: {  	[tilespmem:$0x2A80] =	vst v1  }
0x3b: {  	[tilespmem:$0x2A90] =	vst v1  }
0x3c: {  	[tilespmem:$0x2AA0] =	vst v1  }
0x3d: {  	[tilespmem:$0x2AB0] =	vst v1  }
0x3e: {  	[tilespmem:$0x2AC0] =	vst v1  }
0x3f: {  	[tilespmem:$0x2AD0] =	vst v1  }
0x40: {  	[tilespmem:$0x2AE0] =	vst v1  }
0x41: {  	[tilespmem:$0x2AF0] =	vst v1  }
0x42: {  	[spmem:s5] =	stream.linear.scatter [tilespmem:s9], [sflag:$0x1], $0x280, $0x38;
	[tilespmem:$0x2D80] =	vst v63  }
0x43: {  	_ =	swait.ge [sflag:s8], $0x280  }
0x44: {  	[sflag:s8] =	ssyncset.done $0x0  }
0x45: {  	[sflag:s8] =	ssyncadd.s32 $0xFFFFFD80  }
0x46: {  	s17 =	simm.s32 $0x0;
	[bflag:$0x0] =	sbarrier.arrive $0xFFFF  }
0x47: {  	[spmem:s2] =	stream.indirect.scatter.add.f32 [tilespmem:s11], [sflag:$0x1], $0x1, s17, s10, $0xb8;
	[tilespmem:$0x2D80] =	vst v63  }
0x48: {  	_ =	swait.ge [sflag:s8], $0x80  }
0x49: {  	s17 =	simm.s32 $0x200;
	[sflag:s8] =	ssyncset.done $0x0  }
.LBB2_2:
0x4a: {  	s18 =	sshra.s32 s17, $0x2;
	[sflag:s8] =	ssyncadd.s32 $0xFFFFFF80;
	p0 =	sne.s32 s17, $0x9C00  }
0x4b: {  	[spmem:s2] =	stream.indirect.scatter.add.f32 [tilespmem:s11], [sflag:$0x1], $0x1, s18, s10, $0xb8;
	[tilespmem:$0x2D80] =	vst v63  }
.Ltmp0:
0x4c: {  	_ = 	snop;
	(pc) =	sbr.rel @p0 .LBB2_2-.Ltmp0, $4  }
0x4d: {  	_ = 	snop  }
0x4e: {  	s17 =	sadd.s32 $0x200, s17  }
0x4f: {  	_ =	swait.ge [sflag:s8], $0x80  }
0x50: {  	[sflag:s8] =	ssyncset.done $0x0  }
0x51: {  	s16 =	sadd.s32 $0x1, s16  }
0x52: {  	[sflag:s8] =	ssyncadd.s32 $0xFFFFFF80;
	p0 =	sne.s32 s16, s7  }
.Ltmp1:
0x53: {  	[bflag:$0x0] =	sbarrier.arrive $0xFFFF;
	(pc) =	sbr.rel @p0 .LBB2_1-.Ltmp1, $4  }
0x54: {  	[hbm:s6@s14], [sflag:s12] =	dma.strided [spmem:s13@s15], $0x50, s8, $0x10   }
0x55: {  	_ =	swait.ge [sflag:s8], $0x50  }
0x56: {  	[sflag:s8] =	ssyncset.done $0x0  }
0x57: {  	[sflag:s8] =	ssyncadd.s32 $0xFFFFFFB0  }
0x58: {  	_ =	sfence.sel $0x180000  }
0x59: {  	[bflag:$0x0] =	sbarrier.arrive $0xFFFF  }
0x5a: {  	p0 =	sne.s32 s0, $0x0;
	_ =	strace $0x90000047  }
0x5b: {  	s0 =	sadd.s32 @!p0 $0x100000, s1;
	[bflag:$0x2] =	sbarrier.arrive $0xFFFF  }
0x5c: {  	[sflag:s0] =	ssyncadd.tile.s32 @!p0 $0x1;
	_ =	shalt  }
.Lfunc_end2:
_tile_overlayer_lowered:
.L_overlay_start_2:
0x5d: {  	(tag) =	ssettag $0x2  }
0x5e: {  	s0 =	rddreg [dreg:$0x0];
	s2 =	stileid.u32  }
0x5f: {  	s1 =	rddreg [dreg:$0x1];
	p0 =	sne.s32 s2, $0x0  }
0x60: {  	s3 =	rddreg [dreg:$0x2];
	[bflag:$0x3] =	sbarrier.arrive $0xFFFF;
	s2 =	simm.s32 @!p0 $0x1C01  }
0x61: {  	[timem:s3], [sflag:s2] =	dma.local @!p0 [hbm:s0], s1  }
0x62: {  	s0 =	simm.s32 @!p0 $0x1  }
0x63: {  	_ =	swait.ge @!p0 [sflag:s0], s1  }
0x64: {  	s1 =	ssub.s32 @!p0 $0x0, s1;
	[sflag:s0] =	ssyncset.done @!p0 $0x0  }
0x65: {  	[sflag:s0] =	ssyncadd.s32 @!p0 s1  }
0x66: {  	[bflag:$0x3] =	sbarrier.arrive $0xFFFF  }
0x67: {  	_ =	shalt  }

// kernel: kernel.9.cloned.1.call-start
scs
__scs_entry_jumppad:
0x0: {  	(pc) =	sbr.rel $0x88, $3  }
0x1: {  	(tag) =	ssettag $0x0;
	lr =	simm.s32 $0x1  }
0x2: {  	[smem:$0x3F93] =	sst lr;
	_ =	strace $0xD0000000  }
0x3: {  	_ = 	snop  }
0x4: {  	_ = 	snop  }
0x5: {  	_ = 	snop  }
0x6: {  	_ = 	snop  }
0x7: {  	_ = 	snop  }
__scs_overlays_trampoline_lowered:
0x8: {  	[smem:$0x3FA2] =	sst s0  }
0x9: {  	[smem:$0x3FA3] =	sst s1  }
0xa: {  	[smem:$0x3FA4] =	sst s2  }
0xb: {  	[smem:$0x3FA5] =	sst s3  }
0xc: {  	[smem:$0x3FA6] =	sst s4  }
0xd: {  	[smem:$0x3FA7] =	sst s5  }
0xe: {  	[smem:$0x3FA8] =	sst s6  }
0xf: {  	[smem:$0x3FA9] =	sst s7  }
0x10: {  	[smem:$0x3FAA] =	sst s8  }
0x11: {  	[smem:$0x3FAB] =	sst s9;
	s0 =	simm.s32 @!p0 $0x0  }
0x12: {  	s1 =	sld [smem:$0x3F91];
	s0 =	simm.s32 @p0 $0x1  }
0x13: {  	[smem:$0x3FAC] =	sst s0;
	s0 =	simm.s32 @!p1 $0x0  }
0x14: {  	s2 =	sld [smem:$0x3F90];
	s0 =	simm.s32 @p1 $0x1  }
0x15: {  	[smem:$0x3FAD] =	sst s0;
	s0 =	simm.s32 @!p2 $0x0  }
0x16: {  	s3 =	sld [smem:$0x3FDB];
	s0 =	simm.s32 @p2 $0x1  }
0x17: {  	s4 =	simm.s32 $0x1BF5;
	[smem:$0x3FAF] =	sst s0  }
0x18: {  	s0 =	sld [smem:$0x3F92];
	_ =	swait.ge [sflag:s4], $0x0  }
0x19: {  	s7 =	sld [smem:$0x3F93]  }
0x1a: {  	s8 =	sadd.s32 $0xFFFFE003, lr  }
0x1b: {  	s9 =	sadd.s32 $0xFFFFFEF7, lr;
	s5 =	simm.s32 $0xFFFFFFFF;
	p2 =	slt.u32 s8, $0xFFFFF086  }
0x1c: {  	p1 =	slt.u32 s9, $0xF7A;
	s5 =	simm.s32 @!p2 $0x0  }
0x1d: {  	s5 =	simm.s32 @p1 $0x1;
	p0 =	seq.s32 s7, s2  }
0x1e: {  	s7 =	smul.u32 @!p0 $0xF7A, s2;
	p2 =	seq.s32 @!p0 s5, $0x0  }
0x1f: {  	s9 =	smul.u32 $0xF7A, s1;
	s8 =	simm.s32 @!p0 $0x1BF5;
	p2 =	por !p2, p0  }
0x20: {  	[sflag:s8] =	ssyncset.s32 @!p0 $0xFFFFF086;
	s6 =	sadd.s32 @!p0 s3, s7;
	s7 =	simm.s32 @!p0 $0x108  }
0x21: {  	s3 =	sadd.s32 s3, s9;
	s6 =	sadd.s32 @!p0 $0x88, s6;
	s7 =	simm.s32 @p2 $0x1082  }
0x22: {  	[simem:s7], [sflag:s8] =	dma.local @!p0 [hbm:s6], $0xF7A  }
0x23: {  	s9 =	sor.u32 $0xD0000000, s2;
	s6 =	simm.s32 $0x108;
	_ =	swait.ge @!p0 [sflag:s8], $0x0  }
0x24: {  	s3 =	sadd.s32 $0x88, s3;
	s6 =	simm.s32 @!p1 $0x1082;
	[sflag:s4] =	ssyncset.s32 $0xFFFFF086  }
0x25: {  	[simem:s6], [sflag:s4] =	dma.local [hbm:s3], $0xF7A  }
0x26: {  	[smem:$0x3F93] =	sst s1;
	(tag) =	ssettag s2;
	_ =	strace s9  }
0x27: {  	s1 =	sld [smem:$0x3FA3]  }
0x28: {  	s2 =	sld [smem:$0x3FA4]  }
0x29: {  	s4 =	sld [smem:$0x3FA6]  }
0x2a: {  	p0 =	seq.s32 s5, $0x0;
	s5 =	sld [smem:$0x3FA7]  }
0x2b: {  	s6 =	sld [smem:$0x3FA8]  }
0x2c: {  	s7 =	sld [smem:$0x3FA9]  }
0x2d: {  	s3 =	simm.s32 $0x108;
	s8 =	sld [smem:$0x3FAA]  }
0x2e: {  	s3 =	simm.s32 @!p0 $0x1082;
	s9 =	sld [smem:$0x3FAB]  }
0x2f: {  	lr =	sadd.s32 s0, s3;
	s0 =	sld [smem:$0x3FA2]  }
0x30: {  	s3 =	sld [smem:$0x3FA5]  }
0x31: {  	[smem:$0x3FAE] =	sst s10  }
0x32: {  	s10 =	sld [smem:$0x3FAC];
	_ =	sdelay $0x3  }
0x33: {  	p0 =	seq.s32 s10, $0x1;
	s10 =	sld [smem:$0x3FAE];
	_ =	sdelay $0x3  }
0x34: {  	[smem:$0x3FAE] =	sst s10  }
0x35: {  	s10 =	sld [smem:$0x3FAD];
	_ =	sdelay $0x3  }
0x36: {  	p1 =	seq.s32 s10, $0x1;
	s10 =	sld [smem:$0x3FAE];
	_ =	sdelay $0x3  }
0x37: {  	[smem:$0x3FAE] =	sst s10  }
0x38: {  	s10 =	sld [smem:$0x3FAF]  }
0x39: {  	_ = 	snop;
	(pc) =	sbr.ind lr, $3  }
0x3a: {  	_ = 	snop  }
0x3b: {  	_ = 	snop  }
0x3c: {  	p2 =	seq.s32 s10, $0x1;
	s10 =	sld [smem:$0x3FAE]  }
0x3d: {  	_ =	shalt  }
0x3e: {  	_ =	shalt  }
0x3f: {  	_ =	shalt  }
0x40: {  	_ =	shalt  }
0x41: {  	_ =	shalt  }
0x42: {  	_ =	shalt  }
0x43: {  	_ =	shalt  }
0x44: {  	_ =	shalt  }
0x45: {  	_ =	shalt  }
0x46: {  	_ =	shalt  }
0x47: {  	_ =	shalt  }
0x48: {  	_ =	shalt  }
0x49: {  	_ =	shalt  }
0x4a: {  	_ =	shalt  }
0x4b: {  	_ =	shalt  }
0x4c: {  	_ =	shalt  }
0x4d: {  	_ =	shalt  }
0x4e: {  	_ =	shalt  }
0x4f: {  	_ =	shalt  }
0x50: {  	_ =	shalt  }
0x51: {  	_ =	shalt  }
0x52: {  	_ =	shalt  }
0x53: {  	_ =	shalt  }
0x54: {  	_ =	shalt  }
0x55: {  	_ =	shalt  }
0x56: {  	_ =	shalt  }
0x57: {  	_ =	shalt  }
0x58: {  	_ =	shalt  }
0x59: {  	_ =	shalt  }
0x5a: {  	_ =	shalt  }
0x5b: {  	_ =	shalt  }
0x5c: {  	_ =	shalt  }
0x5d: {  	_ =	shalt  }
0x5e: {  	_ =	shalt  }
0x5f: {  	_ =	shalt  }
0x60: {  	_ =	shalt  }
0x61: {  	_ =	shalt  }
0x62: {  	_ =	shalt  }
0x63: {  	_ =	shalt  }
0x64: {  	_ =	shalt  }
0x65: {  	_ =	shalt  }
0x66: {  	_ =	shalt  }
0x67: {  	_ =	shalt  }
0x68: {  	_ =	shalt  }
0x69: {  	_ =	shalt  }
0x6a: {  	_ =	shalt  }
0x6b: {  	_ =	shalt  }
0x6c: {  	_ =	shalt  }
0x6d: {  	_ =	shalt  }
0x6e: {  	_ =	shalt  }
0x6f: {  	_ =	shalt  }
0x70: {  	_ =	shalt  }
0x71: {  	_ =	shalt  }
0x72: {  	_ =	shalt  }
0x73: {  	_ =	shalt  }
0x74: {  	_ =	shalt  }
0x75: {  	_ =	shalt  }
0x76: {  	_ =	shalt  }
0x77: {  	_ =	shalt  }
0x78: {  	_ =	shalt  }
0x79: {  	_ =	shalt  }
0x7a: {  	_ =	shalt  }
0x7b: {  	_ =	shalt  }
0x7c: {  	_ =	shalt  }
0x7d: {  	_ =	shalt  }
0x7e: {  	_ =	shalt  }
0x7f: {  	_ =	shalt  }
0x80: {  	_ =	shalt  }
0x81: {  	_ =	shalt  }
0x82: {  	_ =	shalt  }
0x83: {  	_ =	shalt  }
0x84: {  	_ =	shalt  }
0x85: {  	_ =	shalt  }
0x86: {  	_ =	shalt  }
0x87: {  	_ =	shalt  }
.Lfunc_end0:
.L_simem_size_0:
called_computation.1_lowered:
.L_overlay_start_0:
0x88: {  	s2 =	sld [smem:$0x3FD9]  }
0x89: {  	s3 =	sld [smem:$0x3FFE];
	_ =	sdelay $0x1  }
0x8a: {  	s1 =	srdreg.scid  }
0x8b: {  	s0 =	sand.u32 $0x1, s1  }
0x8c: {  	s16 =	sshll.u32 s0, $0xA;
	s2 =	sadd.s32 s3, s2  }
0x8d: {  	s2 =	sadd.s32 s2, s16  }
0x8e: {  	[smem:$0x3FBA] =	sst s2  }
0x8f: {  	_ = 	snop  }
0x90: {  	(tm) =	ssettm $0x1  }
0x91: {  	s17 =	sld [smem:$0x3FFB];
	_ =	sdelay $0x3  }
0x92: {  	_ =	strace s17  }
0x93: {  	s2 =	sld [smem:$0x3FFC];
	_ =	sdelay $0x3  }
0x94: {  	_ =	strace s2  }
0x95: {  	s2 =	sld [smem:$0x3FFD];
	_ =	sdelay $0x3  }
0x96: {  	_ =	strace s2  }
0x97: {  	_ =	strace $0x8FFFFFFF  }
0x98: {  	s18 =	sld [smem:$0x3FDB];
	_ =	sdelay $0x1  }
0x99: {  	s19 =	simm.s32 $_scs_section_size  }
0x9a: {  	s4 =	simm.s32 $_size__tile_overlayer_lowered;
	s5 =	simm.s32 $_tile_overlayer_lowered  }
0x9b: {  	s22 =	simm.s32 $0x1BFF;
	s21 =	sshll.u32 s5, $0x1;
	s2 =	sadd.s32 s19, s18  }
0x9c: {  	s6 =	simm.s32 $0x0;
	s20 =	sshll.u32 s4, $0x1;
	s4 =	sadd.s32 s21, s2  }
0x9d: {  	[timem:s6], [sflag:s22] =	dma.local [hbm:s4], s20  }
0x9e: {  	_ =	swait.ge [sflag:s22], s20  }
0x9f: {  	s3 =	ssub.s32 $0x0, s20;
	[sflag:s22] =	ssyncset.done $0x0  }
0xa0: {  	[sflag:s22] =	ssyncadd.s32 s3;
	_ =	sdelay $0x1  }
0xa1: {  	s23 =	simm.s32 $0x1B8B  }
0xa2: {  	_ =	swait.ge [sflag:s23], $0x1  }
0xa3: {  	[sflag:s23] =	ssyncset.done $0x0  }
0xa4: {  	s25 =	simm.s32 $0x1B8E;
	s24 =	sld [smem:$0x3FFE];
	[sflag:s23] =	ssyncadd.s32 $0xFFFFFFFF  }
0xa5: {  	s26 =	simm.s32 $execute0_lowered;
	[smem:$0x3FD2] =	sst s25  }
0xa6: {  	s4 =	sshll.u32 s26, $0x1;
	_ =	strace $0x80000049;
	[dreg:$0x1] =	wrdreg $0xFFFFFFFF  }
0xa7: {  	s28 =	simm.s32 $_size_execute0_lowered;
	s2 =	sadd.s32 s2, s4;
	[dreg:$0x0] =	wrdreg $0x0  }
0xa8: {  	s4 =	sshll.u32 s28, $0x1;
	[dreg:$0x2] =	wrdreg s2  }
0xa9: {  	[dreg:$0x3] =	wrdreg s4  }
0xaa: {  	[dreg:$0x4] =	wrdreg $0xC0  }
0xab: {  	_ =	task [dreg:s6], $0x5FFFF  }
0xac: {  	[dreg:$0x1] =	wrdreg $0xFFFFFFFF  }
0xad: {  	[dreg:$0x0] =	wrdreg $0x60  }
0xae: {  	[dreg:$0x2] =	wrdreg s24  }
0xaf: {  	[dreg:$0x3] =	wrdreg $0xAB000  }
0xb0: {  	[dreg:$0x4] =	wrdreg $0x9  }
0xb1: {  	_ =	task.clear_ibuf [dreg:s6], $0x5FFFF;
	_ =	strace $0x90000049  }
0xb2: {  	s29 =	simm.s32 $0x9;
	_ =	strace $0x8000004B  }
0xb3: {  	_ =	swait.ge [sflag:s29], $0x1  }
0xb4: {  	[sflag:s29] =	ssyncadd.s32 $0xFFFFFFFF  }
0xb5: {  	_ =	strace $0x9000004B  }
0xb6: {  	_ =	sfence  }
0xb7: {  	s30 =	sld [smem:$0x0];
	_ =	sdelay $0x2  }
0xb8: {  	s31 =	sshll.u32 s1, $0xD;
	s1 =	sshrl.u32 s1, $0x2  }
0xb9: {  	s3 =	sand.u32 $0x4000, s31;
	s1 =	sadd.s32 s1, s30  }
0xba: {  	s0 =	sor.u32 s3, s0;
	s1 =	sshll.u32 s1, $0x11  }
0xbb: {  	s0 =	sor.u32 s1, s0  }
0xbc: {  	s0 =	sadd.s32 $0x8F2B, s0  }
0xbd: {  	[sflag:s0] =	ssyncadd.remote.s32 $0x1  }
0xbe: {  	_ =	sfence.sel $0xFFFF  }
0xbf: {  	[dreg:$0x0] =	wrdreg $0xFFFFFFFF;
	(pc) =	sbr.abs _section_cstart, $3  }
0xc0: {  	[dreg:$0x1] =	wrdreg $0xFFFFFFFF  }
0xc1: {  	_ =	task.clear_ibuf [dreg:s6], $0x2FFFF;
	_ =	strace $0x9FFFFFFF  }
0xc2: {  	(tm) =	ssettm $0x7FFFFFFF  }
0xc3: {  	_ =	shalt  }
tec
execute0_lowered:
.L_overlay_start_1:
0x0: {  	(tag) =	ssettag $0x1  }
0x1: {  	s0 =	rddreg [dreg:$0x0]  }
0x2: {  	s1 =	rddreg [dreg:$0x1]  }
0x3: {  	s2 =	srdreg.scid;
	s9 =	stileid.u32  }
0x4: {  	s3 =	simm.s32 $0x0;
	s28 =	simm.s32 $0x3B00;
	s6 =	smul.u32 $0x14000, s9  }
0x5: {  	s29 =	simm.s32 $0x280;
	s30 =	simm.s32 $0x7300;
	s7 =	smul.u32 $0x50000, s9  }
0x6: {  	s31 =	simm.s32 $0x1;
	s2 =	sand.u32 $0x1, s2;
	s14 =	smul.u32 $0xBA00, s9  }
0x7: {  	[smem:$0x7FF] =	sst s3;
	s4 =	sadd.s32 $0xC400, s0;
	s9 =	smul.u32 $0x1740, s9  }
0x8: {  	s5 =	smul.u32 $0x140000, s2;
	_ =	strace $0x8000004A;
	s8 =	ssub.s32 $0x2, s2  }
0x9: {  	p0 =	seq.s32 s2, $0x1;
	s13 =	sshrl.u32 s8, $0x1;
	s7 =	sshrl.u32 s7, $0x2  }
0xa: {  	s12 =	sadd.s32 s4, s9;
	s25 =	sadd.s32 $0xEE0, s9;
	s26 =	sadd.s32 $0x1720, s9  }
0xb: {  	s6 =	sadd.s32 s6, s5;
	s5 =	sadd.s32 $0x23800, s0;
	[dreg:$0xf] =	wrdreg s25  }
0xc: {  	s8 =	ssub.s32 s8, s13;
	s19 =	sadd.s32 $0x20, s12;
	[dreg:$0x10] =	wrdreg s26  }
0xd: {  	s21 =	sadd.s32 $0xF00, s12;
	s25 =	simm.s32 $0x200;
	[dreg:$0x8] =	wrdreg s19  }
0xe: {  	s26 =	simm.s32 $0x70;
	s6 =	sshrl.u32 s6, $0x3;
	[dreg:$0xa] =	wrdreg s21  }
0xf: {  	s24 =	smax.u32 s8, $0x1;
	s0 =	sadd.s32 s6, s0;
	s6 =	sadd.s32 s7, s1  }
0x10: {  	s13 =	simm.s32 $0x6;
	[dreg:$0xe] =	wrdreg s24;
	s10 =	sadd.s32 $0x3800, s6  }
0x11: {  	s21 =	simm.s32 $0x0;
	s15 =	sadd.s32 $0x7000, s6;
	[dreg:$0x3] =	wrdreg s10  }
0x12: {  	s7 =	sshrl.u32 s14, $0x3;
	s16 =	sadd.s32 $0xA800, s6;
	[dreg:$0x4] =	wrdreg s15  }
0x13: {  	s24 =	simm.s32 $0x100;
	s17 =	sadd.s32 $0xE000, s6;
	[dreg:$0x5] =	wrdreg s16  }
0x14: {  	s14 =	simm.s32 $0x2;
	s18 =	sadd.s32 $0x10800, s6;
	[dreg:$0x6] =	wrdreg s17  }
0x15: {  	s7 =	sadd.s32 s4, s7;
	s0 =	sadd.s32 $0x4B800, s0;
	[dreg:$0x7] =	wrdreg s18  }
.Ltmp0:
0x16: {  	s20 =	sadd.s32 $0x40, s7;
	[dreg:$0xd] =	wrdreg s0;
	(pc) =	sbr.rel .LBB2_1-.Ltmp0, $4  }
0x17: {  	s22 =	sadd.s32 $0xF20, s7;
	s23 =	sadd.s32 $0xF40, s7;
	[dreg:$0x9] =	wrdreg s20  }
0x18: {  	s0 =	simm.s32 $0x80;
	s15 =	simm.s32 $0x180;
	[dreg:$0xb] =	wrdreg s22  }
0x19: {  	s16 =	simm.s32 $0x4;
	s17 =	simm.s32 $0x3;
	[dreg:$0xc] =	wrdreg s23  }
0x1a: {  	v0 =	vimm.f32 $0.0e+00;
	s22 =	simm.s32 $0x300;
	s23 =	simm.s32 $0x7;
	s20 =	simm.s32 $0x5  }
.LBB2_6:
0x1b: {  	[tilespmem:s28], [sflag:$0x2] =	stream.indirect.gather [hbm4b:s5+s26], $0x80, s24, s26, $0xb8;
	[tilespmem:$0x1EB00] =	vst v63  }
0x1c: {  	s2 =	rddreg [dreg:$0xf]  }
.LBB2_10:
0x1d: {  	_ =	swait.ge [sflag:s31], $0x3800  }
0x1e: {  	[sflag:s31] =	ssyncset.done $0x0  }
0x1f: {  	[sflag:s31] =	ssyncadd.s32 $0xFFFFC800  }
0x20: {  	[spmem:s1] =	stream.indirect.scatter.add.f32 [tilespmem:s22], [sflag:$0x4], $0x80, s0, s26, $0xb8;
	[tilespmem:$0x1EB00] =	vst v63  }
0x21: {  	_ =	swait.ge [sflag:s13], $0x3800  }
0x22: {  	[sflag:s13] =	ssyncset.done $0x0  }
0x23: {  	s2 =	sadd.s32 s4, s2;
	[sflag:s13] =	ssyncadd.s32 $0xFFFFC800  }
0x24: {  	[tilespmem:s25], [sflag:$0x7] =	stream.linear.gather [hbm4b:s2+s3], $0x100, $0x38;
	[tilespmem:$0x1EB00] =	vst v63  }
0x25: {  	_ =	swait.ge [sflag:s23], $0x100  }
0x26: {  	[sflag:s23] =	ssyncset.done $0x0  }
0x27: {  	[sflag:s23] =	ssyncadd.s32 $0xFFFFFF00  }
0x28: {  	[tilespmem:s30], [sflag:$0x3] =	stream.indirect.gather [hbm4b:s5+s26], $0x80, s25, s26, $0xb8;
	[tilespmem:$0x1EB00] =	vst v63  }
0x29: {  	_ =	swait.ge [sflag:s14], $0x3800  }
0x2a: {  	[sflag:s14] =	ssyncset.done $0x0  }
0x2b: {  	[sflag:s14] =	ssyncadd.s32 $0xFFFFC800  }
0x2c: {  	[spmem:s1] =	stream.indirect.scatter.add.f32 [tilespmem:s28], [sflag:$0x5], $0x80, s15, s26, $0xb8;
	[tilespmem:$0x1EB00] =	vst v63  }
0x2d: {  	_ =	swait.ge [sflag:s16], $0x3800  }
0x2e: {  	[sflag:s16] =	ssyncset.done $0x0  }
0x2f: {  	[sflag:s16] =	ssyncadd.s32 $0xFFFFC800  }
0x30: {  	[tilespmem:s3], [sflag:$0x7] =	stream.linear.gather [hbm4b:s2+s3], $0x100, $0x38;
	[tilespmem:$0x1EB00] =	vst v63  }
0x31: {  	_ =	swait.ge [sflag:s23], $0x100  }
0x32: {  	[sflag:s23] =	ssyncset.done $0x0  }
0x33: {  	[sflag:s23] =	ssyncadd.s32 $0xFFFFFF00  }
0x34: {  	[tilespmem:s22], [sflag:$0x1] =	stream.indirect.gather [hbm4b:s5+s26], $0x80, s3, s26, $0xb8;
	[tilespmem:$0x1EB00] =	vst v63  }
0x35: {  	_ =	swait.ge [sflag:s17], $0x3800  }
0x36: {  	[sflag:s17] =	ssyncset.done $0x0  }
0x37: {  	[sflag:s17] =	ssyncadd.s32 $0xFFFFC800  }
0x38: {  	[spmem:s1] =	stream.indirect.scatter.add.f32 [tilespmem:s30], [sflag:$0x6], $0x80, s29, s26, $0xb8;
	[tilespmem:$0x1EB00] =	vst v63  }
0x39: {  	_ =	swait.ge [sflag:s20], $0x3800  }
0x3a: {  	[sflag:s20] =	ssyncset.done $0x0  }
0x3b: {  	[sflag:s20] =	ssyncadd.s32 $0xFFFFC800  }
0x3c: {  	[tilespmem:s24], [sflag:$0x7] =	stream.linear.gather [hbm4b:s2+s3], $0x100, $0x38;
	[tilespmem:$0x1EB00] =	vst v63  }
0x3d: {  	_ =	swait.ge [sflag:s23], $0x100  }
0x3e: {  	[sflag:s23] =	ssyncset.done $0x0  }
0x3f: {  	[sflag:s23] =	ssyncadd.s32 $0xFFFFFF00  }
0x40: {  	[tilespmem:s28], [sflag:$0x2] =	stream.indirect.gather [hbm4b:s5+s26], $0x80, s24, s26, $0xb8;
	[tilespmem:$0x1EB00] =	vst v63  }
0x41: {  	_ =	swait.ge [sflag:s31], $0x3800  }
0x42: {  	[sflag:s31] =	ssyncset.done $0x0  }
0x43: {  	[sflag:s31] =	ssyncadd.s32 $0xFFFFC800  }
0x44: {  	_ =	swait.ge [sflag:s14], $0x3800  }
0x45: {  	[sflag:s14] =	ssyncset.done $0x0  }
0x46: {  	[sflag:s14] =	ssyncadd.s32 $0xFFFFC800  }
0x47: {  	_ =	swait.ge [sflag:s13], $0x3800  }
0x48: {  	[sflag:s13] =	ssyncset.done $0x0  }
0x49: {  	s18 =	stileid.u32;
	[sflag:s13] =	ssyncadd.s32 $0xFFFFC800  }
0x4a: {  	s2 =	sshll.u32 s18, $0x6;
	[bflag:$0x0] =	sbarrier.arrive $0xFFFF  }
0x4b: {  	s7 =	sshrl.u32 s6, $0x3;
	s2 =	sor.u32 $0x1C07, s2;
	s8 =	rddreg [dreg:$0xd]  }
0x4c: {  	[hbm:s8], [sflag:s2] =	dma.local [spmem:s7], $0x2800  }
0x4d: {  	_ =	swait.ge [sflag:s23], $0x2800  }
0x4e: {  	s21 =	sadd.s32 $0x1, s21;
	s19 =	rddreg [dreg:$0xe]  }
0x4f: {  	p1 =	sne.s32 s21, s19  }
.Ltmp1:
0x50: {  	_ = 	snop;
	(pc) =	sbr.rel @!p1 .LBB2_11-.Ltmp1, $3  }
0x51: {  	_ =	sdelay $0x1  }
0x52: {  	[sflag:s23] =	ssyncset.done $0x0  }
0x53: {  	[sflag:s23] =	ssyncadd.s32 $0xFFFFD800  }
.LBB2_1:
0x54: {  	s2 =	simm.s32 $0x0  }
0x55: {  	s2 =	sand.u32 $0xFFF, s2  }
0x56: {  	s7 =	sand.u32 $0xFF80, s3;
	s2 =	smul.u32 $0x2493, s2  }
0x57: {  	s7 =	sshrl.u32 s7, $0x7  }
0x58: {  	s8 =	smul.u32 $0x2493, s7;
	s2 =	sshrl.u32 s2, $0x10  }
0x59: {  	s11 =	simm.s32 $0x0;
	s2 =	smul.u32 $0x70, s2  }
0x5a: {  	s18 =	sand.u32 $0xFFF, s11;
	s7 =	simm.s32 $0x1;
	s8 =	sshrl.u32 s8, $0x10  }
0x5b: {  	s9 =	sand.u32 $0xFF80, s7;
	s10 =	smul.u32 $0xE000, s8;
	s2 =	ssub.s32 $0x0, s2  }
0x5c: {  	s8 =	simm.s32 $0x2;
	s11 =	sand.u32 $0xFFFF, s2;
	s2 =	simm.s32 $0x0  }
.LBB2_2:
0x5d: {  	p1 =	sne.s32 s8, $0xA7F  }
0x5e: {  	s10 =	sshrl.u32 s10, $0x2;
	s11 =	sshll.u32 s11, $0x7;
	s18 =	smul.u32 $0x2493, s18  }
0x5f: {  	s19 =	sand.u32 $0x70, s2;
	s9 =	sshrl.u32 s9, $0x7;
	s10 =	sadd.s32 s11, s10  }
0x60: {  	s11 =	smov.u32 s7;
	s10 =	sor.u32 s19, s10;
	s19 =	smul.u32 $0x2493, s9  }
.Ltmp2:
0x61: {  	s7 =	sshrl.u32 s18, $0x10;
	[tilespmem:s10+$0x300] =	vst v0;
	(pc) =	sbr.rel @p1 .LBB2_2-.Ltmp2, $4  }
0x62: {  	s2 =	sadd.s32 $0x10, s2;
	s10 =	smul.u32 $0x70, s7;
	s7 =	smov.u32 s8  }
0x63: {  	s9 =	sand.u32 $0xFF80, s8;
	s11 =	sshrl.u32 s11, $0x3;
	s18 =	sshrl.u32 s19, $0x10  }
0x64: {  	s19 =	sshrl.u32 s8, $0x7;
	s11 =	ssub.s32 s11, s10;
	s10 =	smul.u32 $0xE000, s18  }
0x65: {  	s8 =	sadd.s32 $0x1, s8;
	s18 =	sand.u32 $0xFFF, s19;
	s11 =	sand.u32 $0xFFFF, s11  }
0x66: {  	s8 =	smul.u32 $0x2493, s18  }
0x67: {  	s9 =	sshrl.u32 s9, $0x7  }
0x68: {  	s9 =	smul.u32 $0x2493, s9;
	s8 =	sshrl.u32 s8, $0x10  }
0x69: {  	s8 =	smul.u32 $0x70, s8  }
0x6a: {  	s10 =	sshrl.u32 s10, $0x2;
	s7 =	sshrl.u32 s7, $0x3;
	s9 =	sshrl.u32 s9, $0x10  }
0x6b: {  	s11 =	sshll.u32 s11, $0x7;
	s9 =	smul.u32 $0xE000, s9;
	s7 =	ssub.s32 s7, s8  }
0x6c: {  	s18 =	sand.u32 $0x70, s2;
	s19 =	sadd.s32 $0x10, s2;
	s7 =	sand.u32 $0xFFFF, s7  }
0x6d: {  	s10 =	sadd.s32 s11, s10;
	s8 =	sshrl.u32 s9, $0x2;
	s7 =	sshll.u32 s7, $0x7  }
0x6e: {  	s2 =	sand.u32 $0x70, s19;
	s9 =	sor.u32 s18, s10;
	s7 =	sadd.s32 s7, s8  }
0x6f: {  	[tilespmem:s9+$0x300] =	vst v0;
	s2 =	sor.u32 s2, s7  }
0x70: {  	[tilespmem:s2+$0x300] =	vst v0  }
0x71: {  	[spmem:s6] =	stream.linear.scatter [tilespmem:s22], [sflag:$0x7], $0x3800, $0x38;
	[tilespmem:$0x1EB00] =	vst v63  }
0x72: {  	_ =	swait.ge [sflag:s23], $0x3800  }
0x73: {  	[sflag:s23] =	ssyncset.done $0x0  }
0x74: {  	s9 =	rddreg [dreg:$0x3];
	[sflag:s23] =	ssyncadd.s32 $0xFFFFC800  }
0x75: {  	[spmem:s9] =	stream.linear.scatter [tilespmem:s22], [sflag:$0x7], $0x3800, $0x38;
	[tilespmem:$0x1EB00] =	vst v63  }
0x76: {  	_ =	swait.ge [sflag:s23], $0x3800  }
0x77: {  	[sflag:s23] =	ssyncset.done $0x0  }
0x78: {  	s10 =	rddreg [dreg:$0x4];
	[sflag:s23] =	ssyncadd.s32 $0xFFFFC800  }
0x79: {  	[spmem:s10] =	stream.linear.scatter [tilespmem:s22], [sflag:$0x7], $0x3800, $0x38;
	[tilespmem:$0x1EB00] =	vst v63  }
0x7a: {  	_ =	swait.ge [sflag:s23], $0x3800  }
0x7b: {  	[sflag:s23] =	ssyncset.done $0x0  }
0x7c: {  	s11 =	rddreg [dreg:$0x5];
	[sflag:s23] =	ssyncadd.s32 $0xFFFFC800  }
0x7d: {  	[spmem:s11] =	stream.linear.scatter [tilespmem:s22], [sflag:$0x7], $0x3800, $0x38;
	[tilespmem:$0x1EB00] =	vst v63  }
0x7e: {  	_ =	swait.ge [sflag:s23], $0x3800  }
0x7f: {  	[sflag:s23] =	ssyncset.done $0x0  }
0x80: {  	s18 =	rddreg [dreg:$0x6];
	[sflag:s23] =	ssyncadd.s32 $0xFFFFC800  }
0x81: {  	[spmem:s18] =	stream.linear.scatter [tilespmem:s22], [sflag:$0x7], $0x3800, $0x38;
	[tilespmem:$0x1EB00] =	vst v63  }
0x82: {  	_ =	swait.ge [sflag:s23], $0x3800  }
0x83: {  	[sflag:s23] =	ssyncset.done $0x0  }
.Ltmp3:
0x84: {  	s19 =	rddreg [dreg:$0x7];
	[sflag:s23] =	ssyncadd.s32 $0xFFFFC800;
	(pc) =	sbr.rel @!p0 .LBB2_4-.Ltmp3, $4  }
0x85: {  	[spmem:s19] =	stream.linear.scatter [tilespmem:s22], [sflag:$0x7], $0x3800, $0x38;
	[tilespmem:$0x1EB00] =	vst v63  }
0x86: {  	_ =	swait.ge [sflag:s23], $0x3800  }
0x87: {  	[sflag:s23] =	ssyncset.done $0x0  }
0x88: {  	[sflag:s23] =	ssyncadd.s32 $0xFFFFC800  }
0x89: {  	s2 =	rddreg [dreg:$0xa]  }
0x8a: {  	[tilespmem:s3], [sflag:$0x7] =	stream.linear.gather [hbm4b:s2+s3], $0x100, $0x38;
	[tilespmem:$0x1EB00] =	vst v63  }
0x8b: {  	_ =	swait.ge [sflag:s23], $0x100  }
0x8c: {  	[sflag:s23] =	ssyncset.done $0x0  }
0x8d: {  	s10 =	rddreg [dreg:$0xb];
	[sflag:s23] =	ssyncadd.s32 $0xFFFFFF00  }
0x8e: {  	[tilespmem:s24], [sflag:$0x7] =	stream.linear.gather [hbm4b:s10+s3], $0x100, $0x38;
	[tilespmem:$0x1EB00] =	vst v63  }
0x8f: {  	_ =	swait.ge [sflag:s23], $0x100  }
0x90: {  	[sflag:s23] =	ssyncset.done $0x0  }
0x91: {  	s11 =	rddreg [dreg:$0xc];
	[sflag:s23] =	ssyncadd.s32 $0xFFFFFF00  }
0x92: {  	[tilespmem:s25], [sflag:$0x7] =	stream.linear.gather [hbm4b:s11+s3], $0x100, $0x38;
	[tilespmem:$0x1EB00] =	vst v63  }
0x93: {  	_ =	swait.ge [sflag:s23], $0x100  }
0x94: {  	[sflag:s23] =	ssyncset.done $0x0  }
0x95: {  	[sflag:s23] =	ssyncadd.s32 $0xFFFFFF00  }
0x96: {  	[tilespmem:s22], [sflag:$0x1] =	stream.indirect.gather [hbm4b:s5+s26], $0x80, s3, s26, $0xb8;
	[tilespmem:$0x1EB00] =	vst v63  }
0x97: {  	_ = 	snop  }
0x98: {  	[tilespmem:s28], [sflag:$0x2] =	stream.indirect.gather [hbm4b:s5+s26], $0x80, s24, s26, $0xb8;
	[tilespmem:$0x1EB00] =	vst v63  }
0x99: {  	_ = 	snop  }
0x9a: {  	[spmem:s1] =	stream.indirect.scatter.add.f32 [tilespmem:s30], [sflag:$0x6], $0x80, s29, s26, $0xb8;
	[tilespmem:$0x1EB00] =	vst v63  }
0x9b: {  	[bflag:$0x0] =	sbarrier.arrive $0xFFFF  }
0x9c: {  	_ =	swait.ge [sflag:s31], $0x3800  }
0x9d: {  	[sflag:s31] =	ssyncset.done $0x0  }
0x9e: {  	[sflag:s31] =	ssyncadd.s32 $0xFFFFC800  }
0x9f: {  	[spmem:s1] =	stream.indirect.scatter.add.f32 [tilespmem:s22], [sflag:$0x4], $0x80, s0, s26, $0xb8;
	[tilespmem:$0x1EB00] =	vst v63  }
0xa0: {  	_ =	swait.ge [sflag:s13], $0x3800  }
0xa1: {  	s18 =	sadd.s32 $0xFFFFF820, s12;
	[sflag:s13] =	ssyncset.done $0x0  }
0xa2: {  	s7 =	sadd.s32 $0x1720, s18;
	[sflag:s13] =	ssyncadd.s32 $0xFFFFC800  }
0xa3: {  	[tilespmem:s25], [sflag:$0x7] =	stream.linear.gather [hbm4b:s7+s3], $0x100, $0x38;
	[tilespmem:$0x1EB00] =	vst v63  }
0xa4: {  	_ =	swait.ge [sflag:s23], $0x100  }
0xa5: {  	[sflag:s23] =	ssyncset.done $0x0  }
0xa6: {  	[sflag:s23] =	ssyncadd.s32 $0xFFFFFF00  }
0xa7: {  	[tilespmem:s30], [sflag:$0x3] =	stream.indirect.gather [hbm4b:s5+s26], $0x80, s25, s26, $0xb8;
	[tilespmem:$0x1EB00] =	vst v63  }
0xa8: {  	_ =	swait.ge [sflag:s14], $0x3800  }
0xa9: {  	[sflag:s14] =	ssyncset.done $0x0  }
0xaa: {  	[sflag:s14] =	ssyncadd.s32 $0xFFFFC800  }
0xab: {  	[spmem:s1] =	stream.indirect.scatter.add.f32 [tilespmem:s28], [sflag:$0x5], $0x80, s15, s26, $0xb8;
	[tilespmem:$0x1EB00] =	vst v63  }
0xac: {  	_ =	swait.ge [sflag:s16], $0x3800  }
0xad: {  	[sflag:s16] =	ssyncset.done $0x0  }
0xae: {  	s19 =	sadd.s32 $0x1740, s18;
	[sflag:s16] =	ssyncadd.s32 $0xFFFFC800  }
0xaf: {  	[tilespmem:s3], [sflag:$0x7] =	stream.linear.gather [hbm4b:s19+s3], $0x100, $0x38;
	[tilespmem:$0x1EB00] =	vst v63  }
0xb0: {  	_ =	swait.ge [sflag:s23], $0x100  }
0xb1: {  	[sflag:s23] =	ssyncset.done $0x0  }
0xb2: {  	[sflag:s23] =	ssyncadd.s32 $0xFFFFFF00  }
0xb3: {  	[tilespmem:s22], [sflag:$0x1] =	stream.indirect.gather [hbm4b:s5+s26], $0x80, s3, s26, $0xb8;
	[tilespmem:$0x1EB00] =	vst v63  }
0xb4: {  	_ =	swait.ge [sflag:s17], $0x3800  }
0xb5: {  	[sflag:s17] =	ssyncset.done $0x0  }
0xb6: {  	[sflag:s17] =	ssyncadd.s32 $0xFFFFC800  }
0xb7: {  	[spmem:s1] =	stream.indirect.scatter.add.f32 [tilespmem:s30], [sflag:$0x6], $0x80, s29, s26, $0xb8;
	[tilespmem:$0x1EB00] =	vst v63  }
0xb8: {  	_ =	swait.ge [sflag:s20], $0x3800  }
0xb9: {  	[sflag:s20] =	ssyncset.done $0x0  }
0xba: {  	s2 =	sadd.s32 $0x1760, s18;
	[sflag:s20] =	ssyncadd.s32 $0xFFFFC800  }
0xbb: {  	[tilespmem:s24], [sflag:$0x7] =	stream.linear.gather [hbm4b:s2+s3], $0x100, $0x38;
	[tilespmem:$0x1EB00] =	vst v63  }
0xbc: {  	_ =	swait.ge [sflag:s23], $0x100  }
0xbd: {  	[sflag:s23] =	ssyncset.done $0x0  }
0xbe: {  	s2 =	simm.s32 $0xFFFFF880;
	[sflag:s23] =	ssyncadd.s32 $0xFFFFFF00  }
.LBB2_8:
0xbf: {  	[tilespmem:s28], [sflag:$0x2] =	stream.indirect.gather [hbm4b:s5+s26], $0x80, s24, s26, $0xb8;
	[tilespmem:$0x1EB00] =	vst v63  }
0xc0: {  	s7 =	smov.u32 s2  }
0xc1: {  	p1 =	sne.s32 s2, $0xFFFFFFA0;
	s2 =	sadd.s32 $0x60, s2;
	_ =	swait.ge [sflag:s31], $0x3800  }
0xc2: {  	[sflag:s31] =	ssyncset.done $0x0  }
0xc3: {  	[sflag:s31] =	ssyncadd.s32 $0xFFFFC800  }
0xc4: {  	[spmem:s1] =	stream.indirect.scatter.add.f32 [tilespmem:s22], [sflag:$0x4], $0x80, s0, s26, $0xb8;
	[tilespmem:$0x1EB00] =	vst v63  }
0xc5: {  	_ =	swait.ge [sflag:s13], $0x3800  }
0xc6: {  	s7 =	sadd.s32 s7, s12;
	[sflag:s13] =	ssyncset.done $0x0  }
0xc7: {  	s8 =	sadd.s32 $0x1720, s7;
	[sflag:s13] =	ssyncadd.s32 $0xFFFFC800  }
0xc8: {  	[tilespmem:s25], [sflag:$0x7] =	stream.linear.gather [hbm4b:s8+s3], $0x100, $0x38;
	[tilespmem:$0x1EB00] =	vst v63  }
0xc9: {  	_ =	swait.ge [sflag:s23], $0x100  }
0xca: {  	[sflag:s23] =	ssyncset.done $0x0  }
0xcb: {  	[sflag:s23] =	ssyncadd.s32 $0xFFFFFF00  }
0xcc: {  	[tilespmem:s30], [sflag:$0x3] =	stream.indirect.gather [hbm4b:s5+s26], $0x80, s25, s26, $0xb8;
	[tilespmem:$0x1EB00] =	vst v63  }
0xcd: {  	_ =	swait.ge [sflag:s14], $0x3800  }
0xce: {  	[sflag:s14] =	ssyncset.done $0x0  }
0xcf: {  	[sflag:s14] =	ssyncadd.s32 $0xFFFFC800  }
0xd0: {  	[spmem:s1] =	stream.indirect.scatter.add.f32 [tilespmem:s28], [sflag:$0x5], $0x80, s15, s26, $0xb8;
	[tilespmem:$0x1EB00] =	vst v63  }
0xd1: {  	_ =	swait.ge [sflag:s16], $0x3800  }
0xd2: {  	[sflag:s16] =	ssyncset.done $0x0  }
0xd3: {  	s8 =	sadd.s32 $0x1740, s7;
	[sflag:s16] =	ssyncadd.s32 $0xFFFFC800  }
0xd4: {  	[tilespmem:s3], [sflag:$0x7] =	stream.linear.gather [hbm4b:s8+s3], $0x100, $0x38;
	[tilespmem:$0x1EB00] =	vst v63  }
0xd5: {  	_ =	swait.ge [sflag:s23], $0x100  }
0xd6: {  	[sflag:s23] =	ssyncset.done $0x0  }
0xd7: {  	[sflag:s23] =	ssyncadd.s32 $0xFFFFFF00  }
0xd8: {  	[tilespmem:s22], [sflag:$0x1] =	stream.indirect.gather [hbm4b:s5+s26], $0x80, s3, s26, $0xb8;
	[tilespmem:$0x1EB00] =	vst v63  }
0xd9: {  	_ =	swait.ge [sflag:s17], $0x3800  }
0xda: {  	[sflag:s17] =	ssyncset.done $0x0  }
0xdb: {  	[sflag:s17] =	ssyncadd.s32 $0xFFFFC800  }
0xdc: {  	[spmem:s1] =	stream.indirect.scatter.add.f32 [tilespmem:s30], [sflag:$0x6], $0x80, s29, s26, $0xb8;
	[tilespmem:$0x1EB00] =	vst v63  }
0xdd: {  	_ =	swait.ge [sflag:s20], $0x3800  }
0xde: {  	[sflag:s20] =	ssyncset.done $0x0  }
.Ltmp4:
0xdf: {  	s7 =	sadd.s32 $0x1760, s7;
	[sflag:s20] =	ssyncadd.s32 $0xFFFFC800;
	(pc) =	sbr.rel @p1 .LBB2_8-.Ltmp4, $4  }
0xe0: {  	[tilespmem:s24], [sflag:$0x7] =	stream.linear.gather [hbm4b:s7+s3], $0x100, $0x38;
	[tilespmem:$0x1EB00] =	vst v63  }
0xe1: {  	_ =	swait.ge [sflag:s23], $0x100  }
0xe2: {  	[sflag:s23] =	ssyncset.done $0x0  }
0xe3: {  	[sflag:s23] =	ssyncadd.s32 $0xFFFFFF00  }
.Ltmp5:
0xe4: {  	(pc) =	sbr.rel .LBB2_10-.Ltmp5, $3  }
0xe5: {  	_ =	sdelay $0x1  }
0xe6: {  	[tilespmem:s28], [sflag:$0x2] =	stream.indirect.gather [hbm4b:s5+s26], $0x80, s24, s26, $0xb8;
	[tilespmem:$0x1EB00] =	vst v63  }
0xe7: {  	s2 =	rddreg [dreg:$0x10]  }
.LBB2_4:
0xe8: {  	[tilespmem:s3], [sflag:$0x7] =	stream.linear.gather [hbm4b:s12+s3], $0x100, $0x38;
	[tilespmem:$0x1EB00] =	vst v63  }
0xe9: {  	_ =	swait.ge [sflag:s23], $0x100  }
0xea: {  	[sflag:s23] =	ssyncset.done $0x0  }
0xeb: {  	s2 =	rddreg [dreg:$0x8];
	[sflag:s23] =	ssyncadd.s32 $0xFFFFFF00  }
0xec: {  	[tilespmem:s24], [sflag:$0x7] =	stream.linear.gather [hbm4b:s2+s3], $0x100, $0x38;
	[tilespmem:$0x1EB00] =	vst v63  }
0xed: {  	_ =	swait.ge [sflag:s23], $0x100  }
0xee: {  	[sflag:s23] =	ssyncset.done $0x0  }
0xef: {  	s11 =	rddreg [dreg:$0x9];
	[sflag:s23] =	ssyncadd.s32 $0xFFFFFF00  }
0xf0: {  	[tilespmem:s25], [sflag:$0x7] =	stream.linear.gather [hbm4b:s11+s3], $0x100, $0x38;
	[tilespmem:$0x1EB00] =	vst v63  }
0xf1: {  	_ =	swait.ge [sflag:s23], $0x100  }
0xf2: {  	[sflag:s23] =	ssyncset.done $0x0  }
0xf3: {  	[sflag:s23] =	ssyncadd.s32 $0xFFFFFF00  }
0xf4: {  	[tilespmem:s22], [sflag:$0x1] =	stream.indirect.gather [hbm4b:s5+s26], $0x80, s3, s26, $0xb8;
	[tilespmem:$0x1EB00] =	vst v63  }
0xf5: {  	_ = 	snop  }
0xf6: {  	[tilespmem:s28], [sflag:$0x2] =	stream.indirect.gather [hbm4b:s5+s26], $0x80, s24, s26, $0xb8;
	[tilespmem:$0x1EB00] =	vst v63  }
0xf7: {  	_ = 	snop  }
0xf8: {  	[spmem:s1] =	stream.indirect.scatter.add.f32 [tilespmem:s30], [sflag:$0x6], $0x80, s29, s26, $0xb8;
	[tilespmem:$0x1EB00] =	vst v63  }
0xf9: {  	[bflag:$0x0] =	sbarrier.arrive $0xFFFF  }
0xfa: {  	_ =	swait.ge [sflag:s31], $0x3800  }
0xfb: {  	[sflag:s31] =	ssyncset.done $0x0  }
0xfc: {  	[sflag:s31] =	ssyncadd.s32 $0xFFFFC800  }
0xfd: {  	[spmem:s1] =	stream.indirect.scatter.add.f32 [tilespmem:s22], [sflag:$0x4], $0x80, s0, s26, $0xb8;
	[tilespmem:$0x1EB00] =	vst v63  }
0xfe: {  	_ =	swait.ge [sflag:s13], $0x3800  }
0xff: {  	s18 =	sadd.s32 $0xFFFFF160, s12;
	[sflag:s13] =	ssyncset.done $0x0  }
0x100: {  	s7 =	sadd.s32 $0xEE0, s18;
	[sflag:s13] =	ssyncadd.s32 $0xFFFFC800  }
0x101: {  	[tilespmem:s25], [sflag:$0x7] =	stream.linear.gather [hbm4b:s7+s3], $0x100, $0x38;
	[tilespmem:$0x1EB00] =	vst v63  }
0x102: {  	_ =	swait.ge [sflag:s23], $0x100  }
0x103: {  	[sflag:s23] =	ssyncset.done $0x0  }
0x104: {  	[sflag:s23] =	ssyncadd.s32 $0xFFFFFF00  }
0x105: {  	[tilespmem:s30], [sflag:$0x3] =	stream.indirect.gather [hbm4b:s5+s26], $0x80, s25, s26, $0xb8;
	[tilespmem:$0x1EB00] =	vst v63  }
0x106: {  	_ =	swait.ge [sflag:s14], $0x3800  }
0x107: {  	[sflag:s14] =	ssyncset.done $0x0  }
0x108: {  	[sflag:s14] =	ssyncadd.s32 $0xFFFFC800  }
0x109: {  	[spmem:s1] =	stream.indirect.scatter.add.f32 [tilespmem:s28], [sflag:$0x5], $0x80, s15, s26, $0xb8;
	[tilespmem:$0x1EB00] =	vst v63  }
0x10a: {  	_ =	swait.ge [sflag:s16], $0x3800  }
0x10b: {  	[sflag:s16] =	ssyncset.done $0x0  }
0x10c: {  	s19 =	sadd.s32 $0xF00, s18;
	[sflag:s16] =	ssyncadd.s32 $0xFFFFC800  }
0x10d: {  	[tilespmem:s3], [sflag:$0x7] =	stream.linear.gather [hbm4b:s19+s3], $0x100, $0x38;
	[tilespmem:$0x1EB00] =	vst v63  }
0x10e: {  	_ =	swait.ge [sflag:s23], $0x100  }
0x10f: {  	[sflag:s23] =	ssyncset.done $0x0  }
0x110: {  	[sflag:s23] =	ssyncadd.s32 $0xFFFFFF00  }
0x111: {  	[tilespmem:s22], [sflag:$0x1] =	stream.indirect.gather [hbm4b:s5+s26], $0x80, s3, s26, $0xb8;
	[tilespmem:$0x1EB00] =	vst v63  }
0x112: {  	_ =	swait.ge [sflag:s17], $0x3800  }
0x113: {  	[sflag:s17] =	ssyncset.done $0x0  }
0x114: {  	[sflag:s17] =	ssyncadd.s32 $0xFFFFC800  }
0x115: {  	[spmem:s1] =	stream.indirect.scatter.add.f32 [tilespmem:s30], [sflag:$0x6], $0x80, s29, s26, $0xb8;
	[tilespmem:$0x1EB00] =	vst v63  }
0x116: {  	_ =	swait.ge [sflag:s20], $0x3800  }
0x117: {  	[sflag:s20] =	ssyncset.done $0x0  }
0x118: {  	s2 =	sadd.s32 $0xF20, s18;
	[sflag:s20] =	ssyncadd.s32 $0xFFFFC800  }
0x119: {  	[tilespmem:s24], [sflag:$0x7] =	stream.linear.gather [hbm4b:s2+s3], $0x100, $0x38;
	[tilespmem:$0x1EB00] =	vst v63  }
0x11a: {  	_ =	swait.ge [sflag:s23], $0x100  }
0x11b: {  	[sflag:s23] =	ssyncset.done $0x0  }
0x11c: {  	s2 =	simm.s32 $0xFFFFF1C0;
	[sflag:s23] =	ssyncadd.s32 $0xFFFFFF00  }
.LBB2_5:
0x11d: {  	[tilespmem:s28], [sflag:$0x2] =	stream.indirect.gather [hbm4b:s5+s26], $0x80, s24, s26, $0xb8;
	[tilespmem:$0x1EB00] =	vst v63  }
0x11e: {  	s7 =	smov.u32 s2  }
0x11f: {  	p1 =	seq.s32 s2, $0xFFFFFFA0;
	s2 =	sadd.s32 $0x60, s2;
	_ =	swait.ge [sflag:s31], $0x3800  }
0x120: {  	[sflag:s31] =	ssyncset.done $0x0  }
0x121: {  	[sflag:s31] =	ssyncadd.s32 $0xFFFFC800  }
0x122: {  	[spmem:s1] =	stream.indirect.scatter.add.f32 [tilespmem:s22], [sflag:$0x4], $0x80, s0, s26, $0xb8;
	[tilespmem:$0x1EB00] =	vst v63  }
0x123: {  	_ =	swait.ge [sflag:s13], $0x3800  }
0x124: {  	s7 =	sadd.s32 s7, s12;
	[sflag:s13] =	ssyncset.done $0x0  }
0x125: {  	s8 =	sadd.s32 $0xEE0, s7;
	[sflag:s13] =	ssyncadd.s32 $0xFFFFC800  }
0x126: {  	[tilespmem:s25], [sflag:$0x7] =	stream.linear.gather [hbm4b:s8+s3], $0x100, $0x38;
	[tilespmem:$0x1EB00] =	vst v63  }
0x127: {  	_ =	swait.ge [sflag:s23], $0x100  }
0x128: {  	[sflag:s23] =	ssyncset.done $0x0  }
0x129: {  	[sflag:s23] =	ssyncadd.s32 $0xFFFFFF00  }
0x12a: {  	[tilespmem:s30], [sflag:$0x3] =	stream.indirect.gather [hbm4b:s5+s26], $0x80, s25, s26, $0xb8;
	[tilespmem:$0x1EB00] =	vst v63  }
0x12b: {  	_ =	swait.ge [sflag:s14], $0x3800  }
0x12c: {  	[sflag:s14] =	ssyncset.done $0x0  }
0x12d: {  	[sflag:s14] =	ssyncadd.s32 $0xFFFFC800  }
0x12e: {  	[spmem:s1] =	stream.indirect.scatter.add.f32 [tilespmem:s28], [sflag:$0x5], $0x80, s15, s26, $0xb8;
	[tilespmem:$0x1EB00] =	vst v63  }
0x12f: {  	_ =	swait.ge [sflag:s16], $0x3800  }
0x130: {  	[sflag:s16] =	ssyncset.done $0x0  }
0x131: {  	s8 =	sadd.s32 $0xF00, s7;
	[sflag:s16] =	ssyncadd.s32 $0xFFFFC800  }
0x132: {  	[tilespmem:s3], [sflag:$0x7] =	stream.linear.gather [hbm4b:s8+s3], $0x100, $0x38;
	[tilespmem:$0x1EB00] =	vst v63  }
0x133: {  	_ =	swait.ge [sflag:s23], $0x100  }
0x134: {  	[sflag:s23] =	ssyncset.done $0x0  }
0x135: {  	[sflag:s23] =	ssyncadd.s32 $0xFFFFFF00  }
0x136: {  	[tilespmem:s22], [sflag:$0x1] =	stream.indirect.gather [hbm4b:s5+s26], $0x80, s3, s26, $0xb8;
	[tilespmem:$0x1EB00] =	vst v63  }
0x137: {  	_ =	swait.ge [sflag:s17], $0x3800  }
0x138: {  	[sflag:s17] =	ssyncset.done $0x0  }
0x139: {  	[sflag:s17] =	ssyncadd.s32 $0xFFFFC800  }
0x13a: {  	[spmem:s1] =	stream.indirect.scatter.add.f32 [tilespmem:s30], [sflag:$0x6], $0x80, s29, s26, $0xb8;
	[tilespmem:$0x1EB00] =	vst v63  }
0x13b: {  	_ =	swait.ge [sflag:s20], $0x3800  }
0x13c: {  	[sflag:s20] =	ssyncset.done $0x0  }
.Ltmp6:
0x13d: {  	s7 =	sadd.s32 $0xF20, s7;
	[sflag:s20] =	ssyncadd.s32 $0xFFFFC800;
	(pc) =	sbr.rel @!p1 .LBB2_5-.Ltmp6, $4  }
0x13e: {  	[tilespmem:s24], [sflag:$0x7] =	stream.linear.gather [hbm4b:s7+s3], $0x100, $0x38;
	[tilespmem:$0x1EB00] =	vst v63  }
0x13f: {  	_ =	swait.ge [sflag:s23], $0x100  }
0x140: {  	[sflag:s23] =	ssyncset.done $0x0  }
0x141: {  	[sflag:s23] =	ssyncadd.s32 $0xFFFFFF00  }
.Ltmp7:
0x142: {  	_ = 	snop;
	(pc) =	sbr.rel .LBB2_6-.Ltmp7, $1  }
0x143: {  	_ =	sdelay $0x3  }
.LBB2_11:
0x144: {  	_ =	sfence.sel $0x180000  }
0x145: {  	[bflag:$0x0] =	sbarrier.arrive $0xFFFF  }
0x146: {  	_ =	strace $0x9000004A  }
0x147: {  	s0 =	stileid.u32;
	[bflag:$0x2] =	sbarrier.arrive $0xFFFF  }
0x148: {  	p0 =	sne.s32 s0, $0x0;
	s0 =	rddreg [dreg:$0x2]  }
0x149: {  	s0 =	sadd.s32 @!p0 $0x100000, s0  }
0x14a: {  	[sflag:s0] =	ssyncadd.tile.s32 @!p0 $0x1;
	_ =	shalt  }
.Lfunc_end2:
_tile_overlayer_lowered:
.L_overlay_start_2:
0x14b: {  	(tag) =	ssettag $0x2  }
0x14c: {  	s0 =	rddreg [dreg:$0x0];
	s2 =	stileid.u32  }
0x14d: {  	s1 =	rddreg [dreg:$0x1];
	p0 =	sne.s32 s2, $0x0  }
0x14e: {  	s3 =	rddreg [dreg:$0x2];
	[bflag:$0x3] =	sbarrier.arrive $0xFFFF;
	s2 =	simm.s32 @!p0 $0x1C07  }
0x14f: {  	[timem:s3], [sflag:s2] =	dma.local @!p0 [hbm:s0], s1  }
0x150: {  	s0 =	simm.s32 @!p0 $0x7  }
0x151: {  	_ =	swait.ge @!p0 [sflag:s0], s1  }
0x152: {  	s1 =	ssub.s32 @!p0 $0x0, s1;
	[sflag:s0] =	ssyncset.done @!p0 $0x0  }
0x153: {  	[sflag:s0] =	ssyncadd.s32 @!p0 s1  }
0x154: {  	[bflag:$0x3] =	sbarrier.arrive $0xFFFF  }
0x155: {  	_ =	shalt  }

</sc_bundles>
